<compile_context>
chip_gen: v7x
topology: tpu7x:2x2x1
jax: 0.10.2.dev20260603
libtpu: 0.0.44.dev20260713+nightly
codegen_flags: <defaults>
</compile_context>

<pallas_src>
import functools

import jax
import jax.numpy as jnp
from jax import lax
from jax.experimental import pallas as pl
from jax.experimental.pallas import tpu as pltpu
from jax.experimental.pallas import tpu_sc as plsc

N_NODES = 10000
N_EDGES = 320000
D_FEAT = 128
NUM_CLASSES = 2

_NC, _NS, _L = 2, 16, 16
_NW = _NC * _NS
_NT = N_EDGES // 128
_TPW = 79
_H0 = 40
_H1 = _TPW - _H0
_NP = 10240


def _proj_body(w_ref, x_hbm, b_ref, q_ref, x_v, sem):
    dims = (((1,), (1,)), ((), ()))
    cps = [
        pltpu.make_async_copy(
            x_hbm.at[pl.ds(i * 2560, 2560 if i < 3 else 2320), :],
            x_v.at[pl.ds(i * 2560, 2560 if i < 3 else 2320), :],
            sem,
        )
        for i in range(4)
    ]
    for c in cps:
        c.start()
    for c in cps:
        c.wait()
    w4 = jnp.concatenate([w_ref[:, :D_FEAT], w_ref[:, D_FEAT:]], axis=0)
    d = lax.dot_general(w4, x_v[...], dims,
                        preferred_element_type=jnp.float32)

    def _pack16(row):
        return lax.bitcast_convert_type(
            row.astype(jnp.bfloat16), jnp.uint16).astype(jnp.int32)

    s0 = _pack16(d[0:1] + b_ref[0])
    s1 = _pack16(d[1:2] + b_ref[1])
    t0 = _pack16(d[2:3])
    t1 = _pack16(d[3:4])
    q_ref[0:1, :] = s0 | (s1 << 16)
    q_ref[1:2, :] = t0 | (t1 << 16)


_mesh = plsc.VectorSubcoreMesh(core_axis_name="c", subcore_axis_name="s")


@functools.partial(
    pl.kernel,
    mesh=_mesh,
    compiler_params=pltpu.CompilerParams(needs_layout_passes=False),
    out_type=jax.ShapeDtypeStruct((2 * N_EDGES,), jnp.float32),
    scratch_types=[
        pltpu.VMEM((2 * _NP,), jnp.int32),
        pltpu.VMEM((_TPW * 128,), jnp.int32),
        pltpu.VMEM((_TPW * 128,), jnp.int32),
        pltpu.VMEM((_TPW * 256,), jnp.float32),
        pltpu.SemaphoreType.DMA,
        pltpu.SemaphoreType.DMA,
        pltpu.SemaphoreType.DMA,
    ],
)
def _edge_score(q_hbm, ei_hbm, out_hbm, q_v, src_v, dst_v, out_v,
                sem_a, sem_b, sem_o):
    wid = lax.axis_index("s") * _NC + lax.axis_index("c")
    tlo = wid * (_NT - _TPW) // (_NW - 1)
    eb = tlo * 128
    cp = [
        pltpu.async_copy(q_hbm.at[0, :], q_v.at[pl.ds(0, _NP)], sem_a),
        pltpu.async_copy(q_hbm.at[1, :], q_v.at[pl.ds(_NP, _NP)], sem_a),
        pltpu.async_copy(ei_hbm.at[0, pl.ds(eb, _H0 * 128)],
                         src_v.at[pl.ds(0, _H0 * 128)], sem_a),
        pltpu.async_copy(ei_hbm.at[1, pl.ds(eb, _H0 * 128)],
                         dst_v.at[pl.ds(0, _H0 * 128)], sem_a),
    ]
    cp2 = [
        pltpu.async_copy(ei_hbm.at[0, pl.ds(eb + _H0 * 128, _H1 * 128)],
                         src_v.at[pl.ds(_H0 * 128, _H1 * 128)], sem_b),
        pltpu.async_copy(ei_hbm.at[1, pl.ds(eb + _H0 * 128, _H1 * 128)],
                         dst_v.at[pl.ds(_H0 * 128, _H1 * 128)], sem_b),
    ]
    for c in cp:
        c.wait()

    def make_body(t):
        ib = t * 128
        ob = t * 256
        for g in range(8):
            sv = src_v[pl.ds(ib + 16 * g, 16)]
            dv = dst_v[pl.ds(ib + 16 * g, 16)]
            ws = plsc.load_gather(q_v, [sv])
            wd = plsc.load_gather(q_v, [dv + _NP])
            a0, a1 = plsc.unpack(plsc.bitcast(ws, jnp.bfloat16),
                                 format=plsc.PackFormat.INTERLEAVED)
            c0, c1 = plsc.unpack(plsc.bitcast(wd, jnp.bfloat16),
                                 format=plsc.PackFormat.INTERLEAVED)
            out_v[pl.ds(ob + 16 * g, 16)] = a0 + c0
            out_v[pl.ds(ob + 128 + 16 * g, 16)] = a1 + c1

    plsc.parallel_loop(0, _H0, unroll=4)(make_body)
    out0 = pltpu.async_copy(out_v.at[pl.ds(0, _H0 * 256)],
                            out_hbm.at[pl.ds(tlo * 256, _H0 * 256)], sem_o)
    for c in cp2:
        c.wait()
    plsc.parallel_loop(_H0, _TPW, unroll=4)(make_body)
    out1 = pltpu.async_copy(out_v.at[pl.ds(_H0 * 256, _H1 * 256)],
                            out_hbm.at[pl.ds((tlo + _H0) * 256, _H1 * 256)],
                            sem_o)
    out0.wait()
    out1.wait()


def kernel(x, edge_index, W, b):
    q = pl.pallas_call(
        _proj_body,
        in_specs=[
            pl.BlockSpec(memory_space=pltpu.VMEM),
            pl.BlockSpec(memory_space=pl.ANY),
            pl.BlockSpec(memory_space=pltpu.SMEM),
        ],
        scratch_shapes=[
            pltpu.VMEM((_NP, D_FEAT), jnp.float32),
            pltpu.SemaphoreType.DMA,
        ],
        out_shape=jax.ShapeDtypeStruct((2, _NP), jnp.int32),
    )(W, x, b)
    out_flat = _edge_score(q, edge_index.astype(jnp.int32))
    return (out_flat.reshape(_NT, 2, 128).transpose(0, 2, 1)
            .reshape(N_EDGES, NUM_CLASSES))

# --- scband reference (transcript-rebuilt; emitter-appended) ---
"""Pipeline reference for scband-predictor-65429531787931 (READ-ONLY COPY).

The authoritative reference and input builder live on the scoring server;
editing this copy changes nothing except your own understanding.
"""

import jax, jax.numpy as jnp
import numpy as np

N_NODES = 10000
N_EDGES = 320000
D_FEAT = 128
NUM_CLASSES = 2


def setup_inputs(seed: int = 0) -> dict:
    key = jax.random.key(seed)
    k1, k2, k3, k4 = jax.random.split(key, 4)
    x = jax.random.normal(k1, (N_NODES, D_FEAT), dtype=jnp.float32)
    edge_index = jax.random.randint(k2, (2, N_EDGES), 0, N_NODES, dtype=jnp.int64)
    # nn.Linear(2*in_dim, num_classes): W [num_classes, 2*in_dim], b [num_classes]
    bound = 1.0 / np.sqrt(2 * D_FEAT)
    W = jax.random.uniform(k3, (NUM_CLASSES, 2 * D_FEAT), minval=-bound, maxval=bound, dtype=jnp.float32)
    b = jax.random.uniform(k4, (NUM_CLASSES,), minval=-bound, maxval=bound, dtype=jnp.float32)
    return {"x": x, "edge_index": edge_index, "W": W, "b": b}


def reference(x, edge_index, W, b):
    # Edge predictor: gather src/dst node features, concat, linear -> score per edge
    src = jnp.take(x, edge_index[0], axis=0)   # [E, d]
    dst = jnp.take(x, edge_index[1], axis=0)   # [E, d]
    data = jnp.concatenate([src, dst], axis=-1)  # [E, 2d]
    score = data @ W.T + b                      # [E, num_classes]
    return score

if __name__ == "__main__":
    import jax
    _d = setup_inputs()
    print(jax.jit(kernel)(*tuple(_d.values())))

</pallas_src>

<mosaic_0001>
#map = affine_map<(d0, d1) -> (0, 0)>
#map1 = affine_map<(d0, d1) -> (0)>
module attributes {stable_mosaic.version = 14 : i64} {
  func.func @_edge_score(%arg0: i32, %arg1: i32, %arg2: memref<2x10240xi32, #tpu.memory_space<hbm>>, %arg3: memref<2x320000xi32, #tpu.memory_space<hbm>>, %arg4: memref<640000xf32, #tpu.memory_space<hbm>>, %arg5: memref<20480xi32, #tpu.memory_space<vmem>>, %arg6: memref<10112xi32, #tpu.memory_space<vmem>>, %arg7: memref<10112xi32, #tpu.memory_space<vmem>>, %arg8: memref<20224xf32, #tpu.memory_space<vmem>>, %arg9: memref<!tpu.dma_semaphore, #tpu.memory_space<semaphore_mem>>, %arg10: memref<!tpu.dma_semaphore, #tpu.memory_space<semaphore_mem>>, %arg11: memref<!tpu.dma_semaphore, #tpu.memory_space<semaphore_mem>>) attributes {dimension_semantics = [#tpu.dimension_semantics<core_parallel>, #tpu.dimension_semantics<subcore_parallel>], iteration_bounds = array<i64: 2, 16>, scalar_prefetch = 0 : i64, scratch_operands = 7 : i64, tpu.core_type = #tpu.core_type<sc_vector_subcore>, window_params = [{transform_indices = #map}, {transform_indices = #map}, {transform_indices = #map1}]} {
    %mul3A = arith.constant 2 : i32
    %mul3A_0 = arith.muli %arg1, %mul3A : i32
    %add3A = arith.addi %mul3A_0, %arg0 : i32
    %mul3A_1 = arith.constant 2421 : i32
    %mul3A_2 = arith.muli %add3A, %mul3A_1 : i32
    %jit3A = arith.constant 31 : i32
    %div3A = arith.divsi %mul3A_2, %jit3A : i32
    %sign3A = arith.constant 0 : i32
    %sign3A_3 = arith.cmpi sgt, %mul3A_2, %sign3A : i32
    %sign3A_4 = arith.extui %sign3A_3 : i1 to i32
    %sign3A_5 = arith.constant 0 : i32
    %sign3A_6 = arith.cmpi slt, %mul3A_2, %sign3A_5 : i32
    %sign3A_7 = arith.extui %sign3A_6 : i1 to i32
    %sign3A_8 = arith.subi %sign3A_4, %sign3A_7 : i32
    %sign3A_9 = arith.constant 0 : i32
    %sign3A_10 = arith.cmpi sgt, %jit3A, %sign3A_9 : i32
    %sign3A_11 = arith.extui %sign3A_10 : i1 to i32
    %sign3A_12 = arith.constant 0 : i32
    %sign3A_13 = arith.cmpi slt, %jit3A, %sign3A_12 : i32
    %sign3A_14 = arith.extui %sign3A_13 : i1 to i32
    %sign3A_15 = arith.subi %sign3A_11, %sign3A_14 : i32
    %ne3A = arith.cmpi ne, %sign3A_8, %sign3A_15 : i32
    %rem3A = arith.remsi %mul3A_2, %jit3A : i32
    %ne3A_16 = arith.constant 0 : i32
    %ne3A_17 = arith.cmpi ne, %rem3A, %ne3A_16 : i32
    %and3A = arith.andi %ne3A, %ne3A_17 : i1
    %sub3A = arith.constant 1 : i32
    %sub3A_18 = arith.subi %div3A, %sub3A : i32
    %select_n3A = arith.select %and3A, %sub3A_18, %div3A : i32
    %mul3A_19 = arith.constant 128 : i32
    %mul3A_20 = arith.muli %select_n3A, %mul3A_19 : i32
    %dma_start3A = arith.constant 0 : i32
    %dma_start3A_21 = arith.constant 0 : i32
    %dma_start3A_22 = tpu.memref_slice %arg5[%dma_start3A_21] : memref<20480xi32, #tpu.memory_space<vmem>> -> memref<10240xi32, #tpu.memory_space<vmem>>
    %dma_start3A_23 = arith.constant 0 : i32
    %dma_start3A_24 = tpu.memref_slice %arg2[%dma_start3A, %dma_start3A_23] : memref<2x10240xi32, #tpu.memory_space<hbm>> -> memref<1x10240xi32, #tpu.memory_space<hbm>>
    %dma_start3A_25 = tpu.memref_squeeze %dma_start3A_24 : memref<1x10240xi32, #tpu.memory_space<hbm>> -> memref<10240xi32, #tpu.memory_space<hbm>>
    %dma_start3A_26 = arith.constant 0 : i32
    %dma_start3A_27 = tpu.memref_slice %arg5[%dma_start3A_26] : memref<20480xi32, #tpu.memory_space<vmem>> -> memref<10240xi32, #tpu.memory_space<vmem>>
    %dma_start3A_28 = arith.constant 0 : i32
    %dma_start3A_29 = tpu.memref_slice %arg2[%dma_start3A, %dma_start3A_28] : memref<2x10240xi32, #tpu.memory_space<hbm>> -> memref<1x10240xi32, #tpu.memory_space<hbm>>
    %dma_start3A_30 = tpu.memref_squeeze %dma_start3A_29 : memref<1x10240xi32, #tpu.memory_space<hbm>> -> memref<10240xi32, #tpu.memory_space<hbm>>
    tpu.enqueue_dma source(%dma_start3A_30 : memref<10240xi32, #tpu.memory_space<hbm>>) target(%dma_start3A_27 : memref<10240xi32, #tpu.memory_space<vmem>>) target_semaphore(%arg9 : memref<!tpu.dma_semaphore, #tpu.memory_space<semaphore_mem>>)
    %dma_start3A_31 = arith.constant 1 : i32
    %dma_start3A_32 = arith.constant 10240 : i32
    %dma_start3A_33 = tpu.memref_slice %arg5[%dma_start3A_32] : memref<20480xi32, #tpu.memory_space<vmem>> -> memref<10240xi32, #tpu.memory_space<vmem>>
    %dma_start3A_34 = arith.constant 0 : i32
    %dma_start3A_35 = tpu.memref_slice %arg2[%dma_start3A_31, %dma_start3A_34] : memref<2x10240xi32, #tpu.memory_space<hbm>> -> memref<1x10240xi32, #tpu.memory_space<hbm>>
    %dma_start3A_36 = tpu.memref_squeeze %dma_start3A_35 : memref<1x10240xi32, #tpu.memory_space<hbm>> -> memref<10240xi32, #tpu.memory_space<hbm>>
    %dma_start3A_37 = arith.constant 10240 : i32
    %dma_start3A_38 = tpu.memref_slice %arg5[%dma_start3A_37] : memref<20480xi32, #tpu.memory_space<vmem>> -> memref<10240xi32, #tpu.memory_space<vmem>>
    %dma_start3A_39 = arith.constant 0 : i32
    %dma_start3A_40 = tpu.memref_slice %arg2[%dma_start3A_31, %dma_start3A_39] : memref<2x10240xi32, #tpu.memory_space<hbm>> -> memref<1x10240xi32, #tpu.memory_space<hbm>>
    %dma_start3A_41 = tpu.memref_squeeze %dma_start3A_40 : memref<1x10240xi32, #tpu.memory_space<hbm>> -> memref<10240xi32, #tpu.memory_space<hbm>>
    tpu.enqueue_dma source(%dma_start3A_41 : memref<10240xi32, #tpu.memory_space<hbm>>) target(%dma_start3A_38 : memref<10240xi32, #tpu.memory_space<vmem>>) target_semaphore(%arg9 : memref<!tpu.dma_semaphore, #tpu.memory_space<semaphore_mem>>)
    %dma_start3A_42 = arith.constant 0 : i32
    %dma_start3A_43 = arith.constant 0 : i32
    %dma_start3A_44 = tpu.memref_slice %arg6[%dma_start3A_43] : memref<10112xi32, #tpu.memory_space<vmem>> -> memref<5120xi32, #tpu.memory_space<vmem>>
    %dma_start3A_45 = tpu.memref_slice %arg3[%dma_start3A_42, %mul3A_20] : memref<2x320000xi32, #tpu.memory_space<hbm>> -> memref<1x5120xi32, #tpu.memory_space<hbm>>
    %dma_start3A_46 = tpu.memref_squeeze %dma_start3A_45 : memref<1x5120xi32, #tpu.memory_space<hbm>> -> memref<5120xi32, #tpu.memory_space<hbm>>
    %dma_start3A_47 = arith.constant 0 : i32
    %dma_start3A_48 = tpu.memref_slice %arg6[%dma_start3A_47] : memref<10112xi32, #tpu.memory_space<vmem>> -> memref<5120xi32, #tpu.memory_space<vmem>>
    %dma_start3A_49 = tpu.memref_slice %arg3[%dma_start3A_42, %mul3A_20] : memref<2x320000xi32, #tpu.memory_space<hbm>> -> memref<1x5120xi32, #tpu.memory_space<hbm>>
    %dma_start3A_50 = tpu.memref_squeeze %dma_start3A_49 : memref<1x5120xi32, #tpu.memory_space<hbm>> -> memref<5120xi32, #tpu.memory_space<hbm>>
    tpu.enqueue_dma source(%dma_start3A_50 : memref<5120xi32, #tpu.memory_space<hbm>>) target(%dma_start3A_48 : memref<5120xi32, #tpu.memory_space<vmem>>) target_semaphore(%arg9 : memref<!tpu.dma_semaphore, #tpu.memory_space<semaphore_mem>>)
    %dma_start3A_51 = arith.constant 1 : i32
    %dma_start3A_52 = arith.constant 0 : i32
    %dma_start3A_53 = tpu.memref_slice %arg7[%dma_start3A_52] : memref<10112xi32, #tpu.memory_space<vmem>> -> memref<5120xi32, #tpu.memory_space<vmem>>
    %dma_start3A_54 = tpu.memref_slice %arg3[%dma_start3A_51, %mul3A_20] : memref<2x320000xi32, #tpu.memory_space<hbm>> -> memref<1x5120xi32, #tpu.memory_space<hbm>>
    %dma_start3A_55 = tpu.memref_squeeze %dma_start3A_54 : memref<1x5120xi32, #tpu.memory_space<hbm>> -> memref<5120xi32, #tpu.memory_space<hbm>>
    %dma_start3A_56 = arith.constant 0 : i32
    %dma_start3A_57 = tpu.memref_slice %arg7[%dma_start3A_56] : memref<10112xi32, #tpu.memory_space<vmem>> -> memref<5120xi32, #tpu.memory_space<vmem>>
    %dma_start3A_58 = tpu.memref_slice %arg3[%dma_start3A_51, %mul3A_20] : memref<2x320000xi32, #tpu.memory_space<hbm>> -> memref<1x5120xi32, #tpu.memory_space<hbm>>
    %dma_start3A_59 = tpu.memref_squeeze %dma_start3A_58 : memref<1x5120xi32, #tpu.memory_space<hbm>> -> memref<5120xi32, #tpu.memory_space<hbm>>
    tpu.enqueue_dma source(%dma_start3A_59 : memref<5120xi32, #tpu.memory_space<hbm>>) target(%dma_start3A_57 : memref<5120xi32, #tpu.memory_space<vmem>>) target_semaphore(%arg9 : memref<!tpu.dma_semaphore, #tpu.memory_space<semaphore_mem>>)
    %add3A_60 = arith.constant 5120 : i32
    %add3A_61 = arith.addi %mul3A_20, %add3A_60 : i32
    %dma_start3A_62 = arith.constant 0 : i32
    %dma_start3A_63 = arith.constant 5120 : i32
    %dma_start3A_64 = tpu.memref_slice %arg6[%dma_start3A_63] : memref<10112xi32, #tpu.memory_space<vmem>> -> memref<4992xi32, #tpu.memory_space<vmem>>
    %dma_start3A_65 = tpu.memref_slice %arg3[%dma_start3A_62, %add3A_61] : memref<2x320000xi32, #tpu.memory_space<hbm>> -> memref<1x4992xi32, #tpu.memory_space<hbm>>
    %dma_start3A_66 = tpu.memref_squeeze %dma_start3A_65 : memref<1x4992xi32, #tpu.memory_space<hbm>> -> memref<4992xi32, #tpu.memory_space<hbm>>
    %dma_start3A_67 = arith.constant 5120 : i32
    %dma_start3A_68 = tpu.memref_slice %arg6[%dma_start3A_67] : memref<10112xi32, #tpu.memory_space<vmem>> -> memref<4992xi32, #tpu.memory_space<vmem>>
    %dma_start3A_69 = tpu.memref_slice %arg3[%dma_start3A_62, %add3A_61] : memref<2x320000xi32, #tpu.memory_space<hbm>> -> memref<1x4992xi32, #tpu.memory_space<hbm>>
    %dma_start3A_70 = tpu.memref_squeeze %dma_start3A_69 : memref<1x4992xi32, #tpu.memory_space<hbm>> -> memref<4992xi32, #tpu.memory_space<hbm>>
    tpu.enqueue_dma source(%dma_start3A_70 : memref<4992xi32, #tpu.memory_space<hbm>>) target(%dma_start3A_68 : memref<4992xi32, #tpu.memory_space<vmem>>) target_semaphore(%arg10 : memref<!tpu.dma_semaphore, #tpu.memory_space<semaphore_mem>>)
    %add3A_71 = arith.constant 5120 : i32
    %add3A_72 = arith.addi %mul3A_20, %add3A_71 : i32
    %dma_start3A_73 = arith.constant 1 : i32
    %dma_start3A_74 = arith.constant 5120 : i32
    %dma_start3A_75 = tpu.memref_slice %arg7[%dma_start3A_74] : memref<10112xi32, #tpu.memory_space<vmem>> -> memref<4992xi32, #tpu.memory_space<vmem>>
    %dma_start3A_76 = tpu.memref_slice %arg3[%dma_start3A_73, %add3A_72] : memref<2x320000xi32, #tpu.memory_space<hbm>> -> memref<1x4992xi32, #tpu.memory_space<hbm>>
    %dma_start3A_77 = tpu.memref_squeeze %dma_start3A_76 : memref<1x4992xi32, #tpu.memory_space<hbm>> -> memref<4992xi32, #tpu.memory_space<hbm>>
    %dma_start3A_78 = arith.constant 5120 : i32
    %dma_start3A_79 = tpu.memref_slice %arg7[%dma_start3A_78] : memref<10112xi32, #tpu.memory_space<vmem>> -> memref<4992xi32, #tpu.memory_space<vmem>>
    %dma_start3A_80 = tpu.memref_slice %arg3[%dma_start3A_73, %add3A_72] : memref<2x320000xi32, #tpu.memory_space<hbm>> -> memref<1x4992xi32, #tpu.memory_space<hbm>>
    %dma_start3A_81 = tpu.memref_squeeze %dma_start3A_80 : memref<1x4992xi32, #tpu.memory_space<hbm>> -> memref<4992xi32, #tpu.memory_space<hbm>>
    tpu.enqueue_dma source(%dma_start3A_81 : memref<4992xi32, #tpu.memory_space<hbm>>) target(%dma_start3A_79 : memref<4992xi32, #tpu.memory_space<vmem>>) target_semaphore(%arg10 : memref<!tpu.dma_semaphore, #tpu.memory_space<semaphore_mem>>)
    %dma_wait3A = arith.constant 0 : i32
    %dma_wait3A_82 = arith.constant 0 : i32
    %dma_wait3A_83 = tpu.memref_slice %arg5[%dma_wait3A_82] : memref<20480xi32, #tpu.memory_space<vmem>> -> memref<10240xi32, #tpu.memory_space<vmem>>
    %dma_wait3A_84 = arith.constant 0 : i32
    %dma_wait3A_85 = tpu.memref_slice %arg2[%dma_wait3A, %dma_wait3A_84] : memref<2x10240xi32, #tpu.memory_space<hbm>> -> memref<1x10240xi32, #tpu.memory_space<hbm>>
    %dma_wait3A_86 = tpu.memref_squeeze %dma_wait3A_85 : memref<1x10240xi32, #tpu.memory_space<hbm>> -> memref<10240xi32, #tpu.memory_space<hbm>>
    %dma_wait3A_87 = arith.constant 0 : i32
    %dma_wait3A_88 = tpu.memref_slice %arg5[%dma_wait3A_87] : memref<20480xi32, #tpu.memory_space<vmem>> -> memref<10240xi32, #tpu.memory_space<vmem>>
    %dma_wait3A_89 = arith.constant 0 : i32
    %dma_wait3A_90 = tpu.memref_slice %arg2[%dma_wait3A, %dma_wait3A_89] : memref<2x10240xi32, #tpu.memory_space<hbm>> -> memref<1x10240xi32, #tpu.memory_space<hbm>>
    %dma_wait3A_91 = tpu.memref_squeeze %dma_wait3A_90 : memref<1x10240xi32, #tpu.memory_space<hbm>> -> memref<10240xi32, #tpu.memory_space<hbm>>
    tpu.wait_dma2 semaphore(%arg9 : memref<!tpu.dma_semaphore, #tpu.memory_space<semaphore_mem>>) src(%dma_wait3A_91 : memref<10240xi32, #tpu.memory_space<hbm>>) dst(%dma_wait3A_88 : memref<10240xi32, #tpu.memory_space<vmem>>)
    %dma_wait3A_92 = arith.constant 1 : i32
    %dma_wait3A_93 = arith.constant 10240 : i32
    %dma_wait3A_94 = tpu.memref_slice %arg5[%dma_wait3A_93] : memref<20480xi32, #tpu.memory_space<vmem>> -> memref<10240xi32, #tpu.memory_space<vmem>>
    %dma_wait3A_95 = arith.constant 0 : i32
    %dma_wait3A_96 = tpu.memref_slice %arg2[%dma_wait3A_92, %dma_wait3A_95] : memref<2x10240xi32, #tpu.memory_space<hbm>> -> memref<1x10240xi32, #tpu.memory_space<hbm>>
    %dma_wait3A_97 = tpu.memref_squeeze %dma_wait3A_96 : memref<1x10240xi32, #tpu.memory_space<hbm>> -> memref<10240xi32, #tpu.memory_space<hbm>>
    %dma_wait3A_98 = arith.constant 10240 : i32
    %dma_wait3A_99 = tpu.memref_slice %arg5[%dma_wait3A_98] : memref<20480xi32, #tpu.memory_space<vmem>> -> memref<10240xi32, #tpu.memory_space<vmem>>
    %dma_wait3A_100 = arith.constant 0 : i32
    %dma_wait3A_101 = tpu.memref_slice %arg2[%dma_wait3A_92, %dma_wait3A_100] : memref<2x10240xi32, #tpu.memory_space<hbm>> -> memref<1x10240xi32, #tpu.memory_space<hbm>>
    %dma_wait3A_102 = tpu.memref_squeeze %dma_wait3A_101 : memref<1x10240xi32, #tpu.memory_space<hbm>> -> memref<10240xi32, #tpu.memory_space<hbm>>
    tpu.wait_dma2 semaphore(%arg9 : memref<!tpu.dma_semaphore, #tpu.memory_space<semaphore_mem>>) src(%dma_wait3A_102 : memref<10240xi32, #tpu.memory_space<hbm>>) dst(%dma_wait3A_99 : memref<10240xi32, #tpu.memory_space<vmem>>)
    %dma_wait3A_103 = arith.constant 0 : i32
    %dma_wait3A_104 = arith.constant 0 : i32
    %dma_wait3A_105 = tpu.memref_slice %arg6[%dma_wait3A_104] : memref<10112xi32, #tpu.memory_space<vmem>> -> memref<5120xi32, #tpu.memory_space<vmem>>
    %dma_wait3A_106 = tpu.memref_slice %arg3[%dma_wait3A_103, %mul3A_20] : memref<2x320000xi32, #tpu.memory_space<hbm>> -> memref<1x5120xi32, #tpu.memory_space<hbm>>
    %dma_wait3A_107 = tpu.memref_squeeze %dma_wait3A_106 : memref<1x5120xi32, #tpu.memory_space<hbm>> -> memref<5120xi32, #tpu.memory_space<hbm>>
    %dma_wait3A_108 = arith.constant 0 : i32
    %dma_wait3A_109 = tpu.memref_slice %arg6[%dma_wait3A_108] : memref<10112xi32, #tpu.memory_space<vmem>> -> memref<5120xi32, #tpu.memory_space<vmem>>
    %dma_wait3A_110 = tpu.memref_slice %arg3[%dma_wait3A_103, %mul3A_20] : memref<2x320000xi32, #tpu.memory_space<hbm>> -> memref<1x5120xi32, #tpu.memory_space<hbm>>
    %dma_wait3A_111 = tpu.memref_squeeze %dma_wait3A_110 : memref<1x5120xi32, #tpu.memory_space<hbm>> -> memref<5120xi32, #tpu.memory_space<hbm>>
    tpu.wait_dma2 semaphore(%arg9 : memref<!tpu.dma_semaphore, #tpu.memory_space<semaphore_mem>>) src(%dma_wait3A_111 : memref<5120xi32, #tpu.memory_space<hbm>>) dst(%dma_wait3A_109 : memref<5120xi32, #tpu.memory_space<vmem>>)
    %dma_wait3A_112 = arith.constant 1 : i32
    %dma_wait3A_113 = arith.constant 0 : i32
    %dma_wait3A_114 = tpu.memref_slice %arg7[%dma_wait3A_113] : memref<10112xi32, #tpu.memory_space<vmem>> -> memref<5120xi32, #tpu.memory_space<vmem>>
    %dma_wait3A_115 = tpu.memref_slice %arg3[%dma_wait3A_112, %mul3A_20] : memref<2x320000xi32, #tpu.memory_space<hbm>> -> memref<1x5120xi32, #tpu.memory_space<hbm>>
    %dma_wait3A_116 = tpu.memref_squeeze %dma_wait3A_115 : memref<1x5120xi32, #tpu.memory_space<hbm>> -> memref<5120xi32, #tpu.memory_space<hbm>>
    %dma_wait3A_117 = arith.constant 0 : i32
    %dma_wait3A_118 = tpu.memref_slice %arg7[%dma_wait3A_117] : memref<10112xi32, #tpu.memory_space<vmem>> -> memref<5120xi32, #tpu.memory_space<vmem>>
    %dma_wait3A_119 = tpu.memref_slice %arg3[%dma_wait3A_112, %mul3A_20] : memref<2x320000xi32, #tpu.memory_space<hbm>> -> memref<1x5120xi32, #tpu.memory_space<hbm>>
    %dma_wait3A_120 = tpu.memref_squeeze %dma_wait3A_119 : memref<1x5120xi32, #tpu.memory_space<hbm>> -> memref<5120xi32, #tpu.memory_space<hbm>>
    tpu.wait_dma2 semaphore(%arg9 : memref<!tpu.dma_semaphore, #tpu.memory_space<semaphore_mem>>) src(%dma_wait3A_120 : memref<5120xi32, #tpu.memory_space<hbm>>) dst(%dma_wait3A_118 : memref<5120xi32, #tpu.memory_space<vmem>>)
    %parallel_loop3A = arith.constant 0 : i32
    %parallel_loop3A_121 = arith.constant 40 : i32
    %parallel_loop3A_122 = arith.constant 1 : i32
    scf.for %parallel_loop3A_174 = %parallel_loop3A to %parallel_loop3A_121 step %parallel_loop3A_122  : i32 {
      %parallel_loop3A_175 = arith.constant 128 : i32
      %parallel_loop3A_176 = arith.muli %parallel_loop3A_174, %parallel_loop3A_175 : i32
      %parallel_loop3A_177 = arith.constant 256 : i32
      %parallel_loop3A_178 = arith.muli %parallel_loop3A_174, %parallel_loop3A_177 : i32
      %parallel_loop3A_179 = arith.constant 0 : i32
      %parallel_loop3A_180 = arith.addi %parallel_loop3A_176, %parallel_loop3A_179 : i32
      %parallel_loop3A_181 = arith.index_cast %parallel_loop3A_180 : i32 to index
      %parallel_loop3A_182 = tpu.vector_load %arg6[%parallel_loop3A_181] {strides = array<i32>} : memref<10112xi32, #tpu.memory_space<vmem>>, vector<16xi32>,
      %parallel_loop3A_183 = arith.constant 0 : i32
      %parallel_loop3A_184 = arith.addi %parallel_loop3A_176, %parallel_loop3A_183 : i32
      %parallel_loop3A_185 = arith.index_cast %parallel_loop3A_184 : i32 to index
      %parallel_loop3A_186 = tpu.vector_load %arg7[%parallel_loop3A_185] {strides = array<i32>} : memref<10112xi32, #tpu.memory_space<vmem>>, vector<16xi32>,
      %parallel_loop3A_187 = tpu.vector_load_idx %arg5[%parallel_loop3A_182] : memref<20480xi32, #tpu.memory_space<vmem>>[vector<16xi32>], vector<16xi32>,
      %parallel_loop3A_188 = arith.constant 10240 : i32
      %parallel_loop3A_189 = vector.broadcast %parallel_loop3A_188 : i32 to vector<16xi32>
      %parallel_loop3A_190 = arith.addi %parallel_loop3A_186, %parallel_loop3A_189 : vector<16xi32>
      %parallel_loop3A_191 = tpu.vector_load_idx %arg5[%parallel_loop3A_190] : memref<20480xi32, #tpu.memory_space<vmem>>[vector<16xi32>], vector<16xi32>,
      %parallel_loop3A_192 = vector.bitcast %parallel_loop3A_187 : vector<16xi32> to vector<32xbf16>
      %parallel_loop3A_193 = tpu.unpack_subelements %parallel_loop3A_192, 0 {pack_format = #tpu.pack_format<interleaved>} : vector<32xbf16> -> vector<16xf32>
      %parallel_loop3A_194 = tpu.unpack_subelements %parallel_loop3A_192, 1 {pack_format = #tpu.pack_format<interleaved>} : vector<32xbf16> -> vector<16xf32>
      %parallel_loop3A_195 = vector.bitcast %parallel_loop3A_191 : vector<16xi32> to vector<32xbf16>
      %parallel_loop3A_196 = tpu.unpack_subelements %parallel_loop3A_195, 0 {pack_format = #tpu.pack_format<interleaved>} : vector<32xbf16> -> vector<16xf32>
      %parallel_loop3A_197 = tpu.unpack_subelements %parallel_loop3A_195, 1 {pack_format = #tpu.pack_format<interleaved>} : vector<32xbf16> -> vector<16xf32>
      %parallel_loop3A_198 = arith.addf %parallel_loop3A_193, %parallel_loop3A_196 : vector<16xf32>
      %parallel_loop3A_199 = arith.constant 0 : i32
      %parallel_loop3A_200 = arith.addi %parallel_loop3A_178, %parallel_loop3A_199 : i32
      %parallel_loop3A_201 = arith.index_cast %parallel_loop3A_200 : i32 to index
      %parallel_loop3A_202 = tpu.vector_load %arg8[%parallel_loop3A_201] {strides = array<i32>} : memref<20224xf32, #tpu.memory_space<vmem>>, vector<16xf32>,
      tpu.vector_store %arg8[%parallel_loop3A_201], %parallel_loop3A_198 {strides = array<i32>} : memref<20224xf32, #tpu.memory_space<vmem>>, vector<16xf32>,
      %parallel_loop3A_203 = arith.addf %parallel_loop3A_194, %parallel_loop3A_197 : vector<16xf32>
      %parallel_loop3A_204 = arith.constant 128 : i32
      %parallel_loop3A_205 = arith.addi %parallel_loop3A_178, %parallel_loop3A_204 : i32
      %parallel_loop3A_206 = arith.constant 0 : i32
      %parallel_loop3A_207 = arith.addi %parallel_loop3A_205, %parallel_loop3A_206 : i32
      %parallel_loop3A_208 = arith.index_cast %parallel_loop3A_207 : i32 to index
      %parallel_loop3A_209 = tpu.vector_load %arg8[%parallel_loop3A_208] {strides = array<i32>} : memref<20224xf32, #tpu.memory_space<vmem>>, vector<16xf32>,
      tpu.vector_store %arg8[%parallel_loop3A_208], %parallel_loop3A_203 {strides = array<i32>} : memref<20224xf32, #tpu.memory_space<vmem>>, vector<16xf32>,
      %parallel_loop3A_210 = arith.constant 16 : i32
      %parallel_loop3A_211 = arith.addi %parallel_loop3A_176, %parallel_loop3A_210 : i32
      %parallel_loop3A_212 = arith.index_cast %parallel_loop3A_211 : i32 to index
      %parallel_loop3A_213 = tpu.vector_load %arg6[%parallel_loop3A_212] {strides = array<i32>} : memref<10112xi32, #tpu.memory_space<vmem>>, vector<16xi32>,
      %parallel_loop3A_214 = arith.constant 16 : i32
      %parallel_loop3A_215 = arith.addi %parallel_loop3A_176, %parallel_loop3A_214 : i32
      %parallel_loop3A_216 = arith.index_cast %parallel_loop3A_215 : i32 to index
      %parallel_loop3A_217 = tpu.vector_load %arg7[%parallel_loop3A_216] {strides = array<i32>} : memref<10112xi32, #tpu.memory_space<vmem>>, vector<16xi32>,
      %parallel_loop3A_218 = tpu.vector_load_idx %arg5[%parallel_loop3A_213] : memref<20480xi32, #tpu.memory_space<vmem>>[vector<16xi32>], vector<16xi32>,
      %parallel_loop3A_219 = arith.constant 10240 : i32
      %parallel_loop3A_220 = vector.broadcast %parallel_loop3A_219 : i32 to vector<16xi32>
      %parallel_loop3A_221 = arith.addi %parallel_loop3A_217, %parallel_loop3A_220 : vector<16xi32>
      %parallel_loop3A_222 = tpu.vector_load_idx %arg5[%parallel_loop3A_221] : memref<20480xi32, #tpu.memory_space<vmem>>[vector<16xi32>], vector<16xi32>,
      %parallel_loop3A_223 = vector.bitcast %parallel_loop3A_218 : vector<16xi32> to vector<32xbf16>
      %parallel_loop3A_224 = tpu.unpack_subelements %parallel_loop3A_223, 0 {pack_format = #tpu.pack_format<interleaved>} : vector<32xbf16> -> vector<16xf32>
      %parallel_loop3A_225 = tpu.unpack_subelements %parallel_loop3A_223, 1 {pack_format = #tpu.pack_format<interleaved>} : vector<32xbf16> -> vector<16xf32>
      %parallel_loop3A_226 = vector.bitcast %parallel_loop3A_222 : vector<16xi32> to vector<32xbf16>
      %parallel_loop3A_227 = tpu.unpack_subelements %parallel_loop3A_226, 0 {pack_format = #tpu.pack_format<interleaved>} : vector<32xbf16> -> vector<16xf32>
      %parallel_loop3A_228 = tpu.unpack_subelements %parallel_loop3A_226, 1 {pack_format = #tpu.pack_format<interleaved>} : vector<32xbf16> -> vector<16xf32>
      %parallel_loop3A_229 = arith.addf %parallel_loop3A_224, %parallel_loop3A_227 : vector<16xf32>
      %parallel_loop3A_230 = arith.constant 16 : i32
      %parallel_loop3A_231 = arith.addi %parallel_loop3A_178, %parallel_loop3A_230 : i32
      %parallel_loop3A_232 = arith.index_cast %parallel_loop3A_231 : i32 to index
      %parallel_loop3A_233 = tpu.vector_load %arg8[%parallel_loop3A_232] {strides = array<i32>} : memref<20224xf32, #tpu.memory_space<vmem>>, vector<16xf32>,
      tpu.vector_store %arg8[%parallel_loop3A_232], %parallel_loop3A_229 {strides = array<i32>} : memref<20224xf32, #tpu.memory_space<vmem>>, vector<16xf32>,
      %parallel_loop3A_234 = arith.addf %parallel_loop3A_225, %parallel_loop3A_228 : vector<16xf32>
      %parallel_loop3A_235 = arith.constant 128 : i32
      %parallel_loop3A_236 = arith.addi %parallel_loop3A_178, %parallel_loop3A_235 : i32
      %parallel_loop3A_237 = arith.constant 16 : i32
      %parallel_loop3A_238 = arith.addi %parallel_loop3A_236, %parallel_loop3A_237 : i32
      %parallel_loop3A_239 = arith.index_cast %parallel_loop3A_238 : i32 to index
      %parallel_loop3A_240 = tpu.vector_load %arg8[%parallel_loop3A_239] {strides = array<i32>} : memref<20224xf32, #tpu.memory_space<vmem>>, vector<16xf32>,
      tpu.vector_store %arg8[%parallel_loop3A_239], %parallel_loop3A_234 {strides = array<i32>} : memref<20224xf32, #tpu.memory_space<vmem>>, vector<16xf32>,
      %parallel_loop3A_241 = arith.constant 32 : i32
      %parallel_loop3A_242 = arith.addi %parallel_loop3A_176, %parallel_loop3A_241 : i32
      %parallel_loop3A_243 = arith.index_cast %parallel_loop3A_242 : i32 to index
      %parallel_loop3A_244 = tpu.vector_load %arg6[%parallel_loop3A_243] {strides = array<i32>} : memref<10112xi32, #tpu.memory_space<vmem>>, vector<16xi32>,
      %parallel_loop3A_245 = arith.constant 32 : i32
      %parallel_loop3A_246 = arith.addi %parallel_loop3A_176, %parallel_loop3A_245 : i32
      %parallel_loop3A_247 = arith.index_cast %parallel_loop3A_246 : i32 to index
      %parallel_loop3A_248 = tpu.vector_load %arg7[%parallel_loop3A_247] {strides = array<i32>} : memref<10112xi32, #tpu.memory_space<vmem>>, vector<16xi32>,
      %parallel_loop3A_249 = tpu.vector_load_idx %arg5[%parallel_loop3A_244] : memref<20480xi32, #tpu.memory_space<vmem>>[vector<16xi32>], vector<16xi32>,
      %parallel_loop3A_250 = arith.constant 10240 : i32
      %parallel_loop3A_251 = vector.broadcast %parallel_loop3A_250 : i32 to vector<16xi32>
      %parallel_loop3A_252 = arith.addi %parallel_loop3A_248, %parallel_loop3A_251 : vector<16xi32>
      %parallel_loop3A_253 = tpu.vector_load_idx %arg5[%parallel_loop3A_252] : memref<20480xi32, #tpu.memory_space<vmem>>[vector<16xi32>], vector<16xi32>,
      %parallel_loop3A_254 = vector.bitcast %parallel_loop3A_249 : vector<16xi32> to vector<32xbf16>
      %parallel_loop3A_255 = tpu.unpack_subelements %parallel_loop3A_254, 0 {pack_format = #tpu.pack_format<interleaved>} : vector<32xbf16> -> vector<16xf32>
      %parallel_loop3A_256 = tpu.unpack_subelements %parallel_loop3A_254, 1 {pack_format = #tpu.pack_format<interleaved>} : vector<32xbf16> -> vector<16xf32>
      %parallel_loop3A_257 = vector.bitcast %parallel_loop3A_253 : vector<16xi32> to vector<32xbf16>
      %parallel_loop3A_258 = tpu.unpack_subelements %parallel_loop3A_257, 0 {pack_format = #tpu.pack_format<interleaved>} : vector<32xbf16> -> vector<16xf32>
      %parallel_loop3A_259 = tpu.unpack_subelements %parallel_loop3A_257, 1 {pack_format = #tpu.pack_format<interleaved>} : vector<32xbf16> -> vector<16xf32>
      %parallel_loop3A_260 = arith.addf %parallel_loop3A_255, %parallel_loop3A_258 : vector<16xf32>
      %parallel_loop3A_261 = arith.constant 32 : i32
      %parallel_loop3A_262 = arith.addi %parallel_loop3A_178, %parallel_loop3A_261 : i32
      %parallel_loop3A_263 = arith.index_cast %parallel_loop3A_262 : i32 to index
      %parallel_loop3A_264 = tpu.vector_load %arg8[%parallel_loop3A_263] {strides = array<i32>} : memref<20224xf32, #tpu.memory_space<vmem>>, vector<16xf32>,
      tpu.vector_store %arg8[%parallel_loop3A_263], %parallel_loop3A_260 {strides = array<i32>} : memref<20224xf32, #tpu.memory_space<vmem>>, vector<16xf32>,
      %parallel_loop3A_265 = arith.addf %parallel_loop3A_256, %parallel_loop3A_259 : vector<16xf32>
      %parallel_loop3A_266 = arith.constant 128 : i32
      %parallel_loop3A_267 = arith.addi %parallel_loop3A_178, %parallel_loop3A_266 : i32
      %parallel_loop3A_268 = arith.constant 32 : i32
      %parallel_loop3A_269 = arith.addi %parallel_loop3A_267, %parallel_loop3A_268 : i32
      %parallel_loop3A_270 = arith.index_cast %parallel_loop3A_269 : i32 to index
      %parallel_loop3A_271 = tpu.vector_load %arg8[%parallel_loop3A_270] {strides = array<i32>} : memref<20224xf32, #tpu.memory_space<vmem>>, vector<16xf32>,
      tpu.vector_store %arg8[%parallel_loop3A_270], %parallel_loop3A_265 {strides = array<i32>} : memref<20224xf32, #tpu.memory_space<vmem>>, vector<16xf32>,
      %parallel_loop3A_272 = arith.constant 48 : i32
      %parallel_loop3A_273 = arith.addi %parallel_loop3A_176, %parallel_loop3A_272 : i32
      %parallel_loop3A_274 = arith.index_cast %parallel_loop3A_273 : i32 to index
      %parallel_loop3A_275 = tpu.vector_load %arg6[%parallel_loop3A_274] {strides = array<i32>} : memref<10112xi32, #tpu.memory_space<vmem>>, vector<16xi32>,
      %parallel_loop3A_276 = arith.constant 48 : i32
      %parallel_loop3A_277 = arith.addi %parallel_loop3A_176, %parallel_loop3A_276 : i32
      %parallel_loop3A_278 = arith.index_cast %parallel_loop3A_277 : i32 to index
      %parallel_loop3A_279 = tpu.vector_load %arg7[%parallel_loop3A_278] {strides = array<i32>} : memref<10112xi32, #tpu.memory_space<vmem>>, vector<16xi32>,
      %parallel_loop3A_280 = tpu.vector_load_idx %arg5[%parallel_loop3A_275] : memref<20480xi32, #tpu.memory_space<vmem>>[vector<16xi32>], vector<16xi32>,
      %parallel_loop3A_281 = arith.constant 10240 : i32
      %parallel_loop3A_282 = vector.broadcast %parallel_loop3A_281 : i32 to vector<16xi32>
      %parallel_loop3A_283 = arith.addi %parallel_loop3A_279, %parallel_loop3A_282 : vector<16xi32>
      %parallel_loop3A_284 = tpu.vector_load_idx %arg5[%parallel_loop3A_283] : memref<20480xi32, #tpu.memory_space<vmem>>[vector<16xi32>], vector<16xi32>,
      %parallel_loop3A_285 = vector.bitcast %parallel_loop3A_280 : vector<16xi32> to vector<32xbf16>
      %parallel_loop3A_286 = tpu.unpack_subelements %parallel_loop3A_285, 0 {pack_format = #tpu.pack_format<interleaved>} : vector<32xbf16> -> vector<16xf32>
      %parallel_loop3A_287 = tpu.unpack_subelements %parallel_loop3A_285, 1 {pack_format = #tpu.pack_format<interleaved>} : vector<32xbf16> -> vector<16xf32>
      %parallel_loop3A_288 = vector.bitcast %parallel_loop3A_284 : vector<16xi32> to vector<32xbf16>
      %parallel_loop3A_289 = tpu.unpack_subelements %parallel_loop3A_288, 0 {pack_format = #tpu.pack_format<interleaved>} : vector<32xbf16> -> vector<16xf32>
      %parallel_loop3A_290 = tpu.unpack_subelements %parallel_loop3A_288, 1 {pack_format = #tpu.pack_format<interleaved>} : vector<32xbf16> -> vector<16xf32>
      %parallel_loop3A_291 = arith.addf %parallel_loop3A_286, %parallel_loop3A_289 : vector<16xf32>
      %parallel_loop3A_292 = arith.constant 48 : i32
      %parallel_loop3A_293 = arith.addi %parallel_loop3A_178, %parallel_loop3A_292 : i32
      %parallel_loop3A_294 = arith.index_cast %parallel_loop3A_293 : i32 to index
      %parallel_loop3A_295 = tpu.vector_load %arg8[%parallel_loop3A_294] {strides = array<i32>} : memref<20224xf32, #tpu.memory_space<vmem>>, vector<16xf32>,
      tpu.vector_store %arg8[%parallel_loop3A_294], %parallel_loop3A_291 {strides = array<i32>} : memref<20224xf32, #tpu.memory_space<vmem>>, vector<16xf32>,
      %parallel_loop3A_296 = arith.addf %parallel_loop3A_287, %parallel_loop3A_290 : vector<16xf32>
      %parallel_loop3A_297 = arith.constant 128 : i32
      %parallel_loop3A_298 = arith.addi %parallel_loop3A_178, %parallel_loop3A_297 : i32
      %parallel_loop3A_299 = arith.constant 48 : i32
      %parallel_loop3A_300 = arith.addi %parallel_loop3A_298, %parallel_loop3A_299 : i32
      %parallel_loop3A_301 = arith.index_cast %parallel_loop3A_300 : i32 to index
      %parallel_loop3A_302 = tpu.vector_load %arg8[%parallel_loop3A_301] {strides = array<i32>} : memref<20224xf32, #tpu.memory_space<vmem>>, vector<16xf32>,
      tpu.vector_store %arg8[%parallel_loop3A_301], %parallel_loop3A_296 {strides = array<i32>} : memref<20224xf32, #tpu.memory_space<vmem>>, vector<16xf32>,
      %parallel_loop3A_303 = arith.constant 64 : i32
      %parallel_loop3A_304 = arith.addi %parallel_loop3A_176, %parallel_loop3A_303 : i32
      %parallel_loop3A_305 = arith.index_cast %parallel_loop3A_304 : i32 to index
      %parallel_loop3A_306 = tpu.vector_load %arg6[%parallel_loop3A_305] {strides = array<i32>} : memref<10112xi32, #tpu.memory_space<vmem>>, vector<16xi32>,
      %parallel_loop3A_307 = arith.constant 64 : i32
      %parallel_loop3A_308 = arith.addi %parallel_loop3A_176, %parallel_loop3A_307 : i32
      %parallel_loop3A_309 = arith.index_cast %parallel_loop3A_308 : i32 to index
      %parallel_loop3A_310 = tpu.vector_load %arg7[%parallel_loop3A_309] {strides = array<i32>} : memref<10112xi32, #tpu.memory_space<vmem>>, vector<16xi32>,
      %parallel_loop3A_311 = tpu.vector_load_idx %arg5[%parallel_loop3A_306] : memref<20480xi32, #tpu.memory_space<vmem>>[vector<16xi32>], vector<16xi32>,
      %parallel_loop3A_312 = arith.constant 10240 : i32
      %parallel_loop3A_313 = vector.broadcast %parallel_loop3A_312 : i32 to vector<16xi32>
      %parallel_loop3A_314 = arith.addi %parallel_loop3A_310, %parallel_loop3A_313 : vector<16xi32>
      %parallel_loop3A_315 = tpu.vector_load_idx %arg5[%parallel_loop3A_314] : memref<20480xi32, #tpu.memory_space<vmem>>[vector<16xi32>], vector<16xi32>,
      %parallel_loop3A_316 = vector.bitcast %parallel_loop3A_311 : vector<16xi32> to vector<32xbf16>
      %parallel_loop3A_317 = tpu.unpack_subelements %parallel_loop3A_316, 0 {pack_format = #tpu.pack_format<interleaved>} : vector<32xbf16> -> vector<16xf32>
      %parallel_loop3A_318 = tpu.unpack_subelements %parallel_loop3A_316, 1 {pack_format = #tpu.pack_format<interleaved>} : vector<32xbf16> -> vector<16xf32>
      %parallel_loop3A_319 = vector.bitcast %parallel_loop3A_315 : vector<16xi32> to vector<32xbf16>
      %parallel_loop3A_320 = tpu.unpack_subelements %parallel_loop3A_319, 0 {pack_format = #tpu.pack_format<interleaved>} : vector<32xbf16> -> vector<16xf32>
      %parallel_loop3A_321 = tpu.unpack_subelements %parallel_loop3A_319, 1 {pack_format = #tpu.pack_format<interleaved>} : vector<32xbf16> -> vector<16xf32>
      %parallel_loop3A_322 = arith.addf %parallel_loop3A_317, %parallel_loop3A_320 : vector<16xf32>
      %parallel_loop3A_323 = arith.constant 64 : i32
      %parallel_loop3A_324 = arith.addi %parallel_loop3A_178, %parallel_loop3A_323 : i32
      %parallel_loop3A_325 = arith.index_cast %parallel_loop3A_324 : i32 to index
      %parallel_loop3A_326 = tpu.vector_load %arg8[%parallel_loop3A_325] {strides = array<i32>} : memref<20224xf32, #tpu.memory_space<vmem>>, vector<16xf32>,
      tpu.vector_store %arg8[%parallel_loop3A_325], %parallel_loop3A_322 {strides = array<i32>} : memref<20224xf32, #tpu.memory_space<vmem>>, vector<16xf32>,
      %parallel_loop3A_327 = arith.addf %parallel_loop3A_318, %parallel_loop3A_321 : vector<16xf32>
      %parallel_loop3A_328 = arith.constant 128 : i32
      %parallel_loop3A_329 = arith.addi %parallel_loop3A_178, %parallel_loop3A_328 : i32
      %parallel_loop3A_330 = arith.constant 64 : i32
      %parallel_loop3A_331 = arith.addi %parallel_loop3A_329, %parallel_loop3A_330 : i32
      %parallel_loop3A_332 = arith.index_cast %parallel_loop3A_331 : i32 to index
      %parallel_loop3A_333 = tpu.vector_load %arg8[%parallel_loop3A_332] {strides = array<i32>} : memref<20224xf32, #tpu.memory_space<vmem>>, vector<16xf32>,
      tpu.vector_store %arg8[%parallel_loop3A_332], %parallel_loop3A_327 {strides = array<i32>} : memref<20224xf32, #tpu.memory_space<vmem>>, vector<16xf32>,
      %parallel_loop3A_334 = arith.constant 80 : i32
      %parallel_loop3A_335 = arith.addi %parallel_loop3A_176, %parallel_loop3A_334 : i32
      %parallel_loop3A_336 = arith.index_cast %parallel_loop3A_335 : i32 to index
      %parallel_loop3A_337 = tpu.vector_load %arg6[%parallel_loop3A_336] {strides = array<i32>} : memref<10112xi32, #tpu.memory_space<vmem>>, vector<16xi32>,
      %parallel_loop3A_338 = arith.constant 80 : i32
      %parallel_loop3A_339 = arith.addi %parallel_loop3A_176, %parallel_loop3A_338 : i32
      %parallel_loop3A_340 = arith.index_cast %parallel_loop3A_339 : i32 to index
      %parallel_loop3A_341 = tpu.vector_load %arg7[%parallel_loop3A_340] {strides = array<i32>} : memref<10112xi32, #tpu.memory_space<vmem>>, vector<16xi32>,
      %parallel_loop3A_342 = tpu.vector_load_idx %arg5[%parallel_loop3A_337] : memref<20480xi32, #tpu.memory_space<vmem>>[vector<16xi32>], vector<16xi32>,
      %parallel_loop3A_343 = arith.constant 10240 : i32
      %parallel_loop3A_344 = vector.broadcast %parallel_loop3A_343 : i32 to vector<16xi32>
      %parallel_loop3A_345 = arith.addi %parallel_loop3A_341, %parallel_loop3A_344 : vector<16xi32>
      %parallel_loop3A_346 = tpu.vector_load_idx %arg5[%parallel_loop3A_345] : memref<20480xi32, #tpu.memory_space<vmem>>[vector<16xi32>], vector<16xi32>,
      %parallel_loop3A_347 = vector.bitcast %parallel_loop3A_342 : vector<16xi32> to vector<32xbf16>
      %parallel_loop3A_348 = tpu.unpack_subelements %parallel_loop3A_347, 0 {pack_format = #tpu.pack_format<interleaved>} : vector<32xbf16> -> vector<16xf32>
      %parallel_loop3A_349 = tpu.unpack_subelements %parallel_loop3A_347, 1 {pack_format = #tpu.pack_format<interleaved>} : vector<32xbf16> -> vector<16xf32>
      %parallel_loop3A_350 = vector.bitcast %parallel_loop3A_346 : vector<16xi32> to vector<32xbf16>
      %parallel_loop3A_351 = tpu.unpack_subelements %parallel_loop3A_350, 0 {pack_format = #tpu.pack_format<interleaved>} : vector<32xbf16> -> vector<16xf32>
      %parallel_loop3A_352 = tpu.unpack_subelements %parallel_loop3A_350, 1 {pack_format = #tpu.pack_format<interleaved>} : vector<32xbf16> -> vector<16xf32>
      %parallel_loop3A_353 = arith.addf %parallel_loop3A_348, %parallel_loop3A_351 : vector<16xf32>
      %parallel_loop3A_354 = arith.constant 80 : i32
      %parallel_loop3A_355 = arith.addi %parallel_loop3A_178, %parallel_loop3A_354 : i32
      %parallel_loop3A_356 = arith.index_cast %parallel_loop3A_355 : i32 to index
      %parallel_loop3A_357 = tpu.vector_load %arg8[%parallel_loop3A_356] {strides = array<i32>} : memref<20224xf32, #tpu.memory_space<vmem>>, vector<16xf32>,
      tpu.vector_store %arg8[%parallel_loop3A_356], %parallel_loop3A_353 {strides = array<i32>} : memref<20224xf32, #tpu.memory_space<vmem>>, vector<16xf32>,
      %parallel_loop3A_358 = arith.addf %parallel_loop3A_349, %parallel_loop3A_352 : vector<16xf32>
      %parallel_loop3A_359 = arith.constant 128 : i32
      %parallel_loop3A_360 = arith.addi %parallel_loop3A_178, %parallel_loop3A_359 : i32
      %parallel_loop3A_361 = arith.constant 80 : i32
      %parallel_loop3A_362 = arith.addi %parallel_loop3A_360, %parallel_loop3A_361 : i32
      %parallel_loop3A_363 = arith.index_cast %parallel_loop3A_362 : i32 to index
      %parallel_loop3A_364 = tpu.vector_load %arg8[%parallel_loop3A_363] {strides = array<i32>} : memref<20224xf32, #tpu.memory_space<vmem>>, vector<16xf32>,
      tpu.vector_store %arg8[%parallel_loop3A_363], %parallel_loop3A_358 {strides = array<i32>} : memref<20224xf32, #tpu.memory_space<vmem>>, vector<16xf32>,
      %parallel_loop3A_365 = arith.constant 96 : i32
      %parallel_loop3A_366 = arith.addi %parallel_loop3A_176, %parallel_loop3A_365 : i32
      %parallel_loop3A_367 = arith.index_cast %parallel_loop3A_366 : i32 to index
      %parallel_loop3A_368 = tpu.vector_load %arg6[%parallel_loop3A_367] {strides = array<i32>} : memref<10112xi32, #tpu.memory_space<vmem>>, vector<16xi32>,
      %parallel_loop3A_369 = arith.constant 96 : i32
      %parallel_loop3A_370 = arith.addi %parallel_loop3A_176, %parallel_loop3A_369 : i32
      %parallel_loop3A_371 = arith.index_cast %parallel_loop3A_370 : i32 to index
      %parallel_loop3A_372 = tpu.vector_load %arg7[%parallel_loop3A_371] {strides = array<i32>} : memref<10112xi32, #tpu.memory_space<vmem>>, vector<16xi32>,
      %parallel_loop3A_373 = tpu.vector_load_idx %arg5[%parallel_loop3A_368] : memref<20480xi32, #tpu.memory_space<vmem>>[vector<16xi32>], vector<16xi32>,
      %parallel_loop3A_374 = arith.constant 10240 : i32
      %parallel_loop3A_375 = vector.broadcast %parallel_loop3A_374 : i32 to vector<16xi32>
      %parallel_loop3A_376 = arith.addi %parallel_loop3A_372, %parallel_loop3A_375 : vector<16xi32>
      %parallel_loop3A_377 = tpu.vector_load_idx %arg5[%parallel_loop3A_376] : memref<20480xi32, #tpu.memory_space<vmem>>[vector<16xi32>], vector<16xi32>,
      %parallel_loop3A_378 = vector.bitcast %parallel_loop3A_373 : vector<16xi32> to vector<32xbf16>
      %parallel_loop3A_379 = tpu.unpack_subelements %parallel_loop3A_378, 0 {pack_format = #tpu.pack_format<interleaved>} : vector<32xbf16> -> vector<16xf32>
      %parallel_loop3A_380 = tpu.unpack_subelements %parallel_loop3A_378, 1 {pack_format = #tpu.pack_format<interleaved>} : vector<32xbf16> -> vector<16xf32>
      %parallel_loop3A_381 = vector.bitcast %parallel_loop3A_377 : vector<16xi32> to vector<32xbf16>
      %parallel_loop3A_382 = tpu.unpack_subelements %parallel_loop3A_381, 0 {pack_format = #tpu.pack_format<interleaved>} : vector<32xbf16> -> vector<16xf32>
      %parallel_loop3A_383 = tpu.unpack_subelements %parallel_loop3A_381, 1 {pack_format = #tpu.pack_format<interleaved>} : vector<32xbf16> -> vector<16xf32>
      %parallel_loop3A_384 = arith.addf %parallel_loop3A_379, %parallel_loop3A_382 : vector<16xf32>
      %parallel_loop3A_385 = arith.constant 96 : i32
      %parallel_loop3A_386 = arith.addi %parallel_loop3A_178, %parallel_loop3A_385 : i32
      %parallel_loop3A_387 = arith.index_cast %parallel_loop3A_386 : i32 to index
      %parallel_loop3A_388 = tpu.vector_load %arg8[%parallel_loop3A_387] {strides = array<i32>} : memref<20224xf32, #tpu.memory_space<vmem>>, vector<16xf32>,
      tpu.vector_store %arg8[%parallel_loop3A_387], %parallel_loop3A_384 {strides = array<i32>} : memref<20224xf32, #tpu.memory_space<vmem>>, vector<16xf32>,
      %parallel_loop3A_389 = arith.addf %parallel_loop3A_380, %parallel_loop3A_383 : vector<16xf32>
      %parallel_loop3A_390 = arith.constant 128 : i32
      %parallel_loop3A_391 = arith.addi %parallel_loop3A_178, %parallel_loop3A_390 : i32
      %parallel_loop3A_392 = arith.constant 96 : i32
      %parallel_loop3A_393 = arith.addi %parallel_loop3A_391, %parallel_loop3A_392 : i32
      %parallel_loop3A_394 = arith.index_cast %parallel_loop3A_393 : i32 to index
      %parallel_loop3A_395 = tpu.vector_load %arg8[%parallel_loop3A_394] {strides = array<i32>} : memref<20224xf32, #tpu.memory_space<vmem>>, vector<16xf32>,
      tpu.vector_store %arg8[%parallel_loop3A_394], %parallel_loop3A_389 {strides = array<i32>} : memref<20224xf32, #tpu.memory_space<vmem>>, vector<16xf32>,
      %parallel_loop3A_396 = arith.constant 112 : i32
      %parallel_loop3A_397 = arith.addi %parallel_loop3A_176, %parallel_loop3A_396 : i32
      %parallel_loop3A_398 = arith.index_cast %parallel_loop3A_397 : i32 to index
      %parallel_loop3A_399 = tpu.vector_load %arg6[%parallel_loop3A_398] {strides = array<i32>} : memref<10112xi32, #tpu.memory_space<vmem>>, vector<16xi32>,
      %parallel_loop3A_400 = arith.constant 112 : i32
      %parallel_loop3A_401 = arith.addi %parallel_loop3A_176, %parallel_loop3A_400 : i32
      %parallel_loop3A_402 = arith.index_cast %parallel_loop3A_401 : i32 to index
      %parallel_loop3A_403 = tpu.vector_load %arg7[%parallel_loop3A_402] {strides = array<i32>} : memref<10112xi32, #tpu.memory_space<vmem>>, vector<16xi32>,
      %parallel_loop3A_404 = tpu.vector_load_idx %arg5[%parallel_loop3A_399] : memref<20480xi32, #tpu.memory_space<vmem>>[vector<16xi32>], vector<16xi32>,
      %parallel_loop3A_405 = arith.constant 10240 : i32
      %parallel_loop3A_406 = vector.broadcast %parallel_loop3A_405 : i32 to vector<16xi32>
      %parallel_loop3A_407 = arith.addi %parallel_loop3A_403, %parallel_loop3A_406 : vector<16xi32>
      %parallel_loop3A_408 = tpu.vector_load_idx %arg5[%parallel_loop3A_407] : memref<20480xi32, #tpu.memory_space<vmem>>[vector<16xi32>], vector<16xi32>,
      %parallel_loop3A_409 = vector.bitcast %parallel_loop3A_404 : vector<16xi32> to vector<32xbf16>
      %parallel_loop3A_410 = tpu.unpack_subelements %parallel_loop3A_409, 0 {pack_format = #tpu.pack_format<interleaved>} : vector<32xbf16> -> vector<16xf32>
      %parallel_loop3A_411 = tpu.unpack_subelements %parallel_loop3A_409, 1 {pack_format = #tpu.pack_format<interleaved>} : vector<32xbf16> -> vector<16xf32>
      %parallel_loop3A_412 = vector.bitcast %parallel_loop3A_408 : vector<16xi32> to vector<32xbf16>
      %parallel_loop3A_413 = tpu.unpack_subelements %parallel_loop3A_412, 0 {pack_format = #tpu.pack_format<interleaved>} : vector<32xbf16> -> vector<16xf32>
      %parallel_loop3A_414 = tpu.unpack_subelements %parallel_loop3A_412, 1 {pack_format = #tpu.pack_format<interleaved>} : vector<32xbf16> -> vector<16xf32>
      %parallel_loop3A_415 = arith.addf %parallel_loop3A_410, %parallel_loop3A_413 : vector<16xf32>
      %parallel_loop3A_416 = arith.constant 112 : i32
      %parallel_loop3A_417 = arith.addi %parallel_loop3A_178, %parallel_loop3A_416 : i32
      %parallel_loop3A_418 = arith.index_cast %parallel_loop3A_417 : i32 to index
      %parallel_loop3A_419 = tpu.vector_load %arg8[%parallel_loop3A_418] {strides = array<i32>} : memref<20224xf32, #tpu.memory_space<vmem>>, vector<16xf32>,
      tpu.vector_store %arg8[%parallel_loop3A_418], %parallel_loop3A_415 {strides = array<i32>} : memref<20224xf32, #tpu.memory_space<vmem>>, vector<16xf32>,
      %parallel_loop3A_420 = arith.addf %parallel_loop3A_411, %parallel_loop3A_414 : vector<16xf32>
      %parallel_loop3A_421 = arith.constant 128 : i32
      %parallel_loop3A_422 = arith.addi %parallel_loop3A_178, %parallel_loop3A_421 : i32
      %parallel_loop3A_423 = arith.constant 112 : i32
      %parallel_loop3A_424 = arith.addi %parallel_loop3A_422, %parallel_loop3A_423 : i32
      %parallel_loop3A_425 = arith.index_cast %parallel_loop3A_424 : i32 to index
      %parallel_loop3A_426 = tpu.vector_load %arg8[%parallel_loop3A_425] {strides = array<i32>} : memref<20224xf32, #tpu.memory_space<vmem>>, vector<16xf32>,
      tpu.vector_store %arg8[%parallel_loop3A_425], %parallel_loop3A_420 {strides = array<i32>} : memref<20224xf32, #tpu.memory_space<vmem>>, vector<16xf32>,
    } {sc.loop_unroll_factor = 4 : i64, sc.parallel_access}
    %mul3A_123 = arith.constant 256 : i32
    %mul3A_124 = arith.muli %select_n3A, %mul3A_123 : i32
    %dma_start3A_125 = arith.constant 0 : i32
    %dma_start3A_126 = tpu.memref_slice %arg8[%dma_start3A_125] : memref<20224xf32, #tpu.memory_space<vmem>> -> memref<10240xf32, #tpu.memory_space<vmem>>
    %dma_start3A_127 = tpu.memref_slice %arg4[%mul3A_124] : memref<640000xf32, #tpu.memory_space<hbm>> -> memref<10240xf32, #tpu.memory_space<hbm>>
    %dma_start3A_128 = tpu.memref_slice %arg4[%mul3A_124] : memref<640000xf32, #tpu.memory_space<hbm>> -> memref<10240xf32, #tpu.memory_space<hbm>>
    %dma_start3A_129 = arith.constant 0 : i32
    %dma_start3A_130 = tpu.memref_slice %arg8[%dma_start3A_129] : memref<20224xf32, #tpu.memory_space<vmem>> -> memref<10240xf32, #tpu.memory_space<vmem>>
    tpu.enqueue_dma source(%dma_start3A_130 : memref<10240xf32, #tpu.memory_space<vmem>>) target(%dma_start3A_128 : memref<10240xf32, #tpu.memory_space<hbm>>) target_semaphore(%arg11 : memref<!tpu.dma_semaphore, #tpu.memory_space<semaphore_mem>>)
    %dma_wait3A_131 = arith.constant 0 : i32
    %dma_wait3A_132 = arith.constant 5120 : i32
    %dma_wait3A_133 = tpu.memref_slice %arg6[%dma_wait3A_132] : memref<10112xi32, #tpu.memory_space<vmem>> -> memref<4992xi32, #tpu.memory_space<vmem>>
    %dma_wait3A_134 = tpu.memref_slice %arg3[%dma_wait3A_131, %add3A_61] : memref<2x320000xi32, #tpu.memory_space<hbm>> -> memref<1x4992xi32, #tpu.memory_space<hbm>>
    %dma_wait3A_135 = tpu.memref_squeeze %dma_wait3A_134 : memref<1x4992xi32, #tpu.memory_space<hbm>> -> memref<4992xi32, #tpu.memory_space<hbm>>
    %dma_wait3A_136 = arith.constant 5120 : i32
    %dma_wait3A_137 = tpu.memref_slice %arg6[%dma_wait3A_136] : memref<10112xi32, #tpu.memory_space<vmem>> -> memref<4992xi32, #tpu.memory_space<vmem>>
    %dma_wait3A_138 = tpu.memref_slice %arg3[%dma_wait3A_131, %add3A_61] : memref<2x320000xi32, #tpu.memory_space<hbm>> -> memref<1x4992xi32, #tpu.memory_space<hbm>>
    %dma_wait3A_139 = tpu.memref_squeeze %dma_wait3A_138 : memref<1x4992xi32, #tpu.memory_space<hbm>> -> memref<4992xi32, #tpu.memory_space<hbm>>
    tpu.wait_dma2 semaphore(%arg10 : memref<!tpu.dma_semaphore, #tpu.memory_space<semaphore_mem>>) src(%dma_wait3A_139 : memref<4992xi32, #tpu.memory_space<hbm>>) dst(%dma_wait3A_137 : memref<4992xi32, #tpu.memory_space<vmem>>)
    %dma_wait3A_140 = arith.constant 1 : i32
    %dma_wait3A_141 = arith.constant 5120 : i32
    %dma_wait3A_142 = tpu.memref_slice %arg7[%dma_wait3A_141] : memref<10112xi32, #tpu.memory_space<vmem>> -> memref<4992xi32, #tpu.memory_space<vmem>>
    %dma_wait3A_143 = tpu.memref_slice %arg3[%dma_wait3A_140, %add3A_72] : memref<2x320000xi32, #tpu.memory_space<hbm>> -> memref<1x4992xi32, #tpu.memory_space<hbm>>
    %dma_wait3A_144 = tpu.memref_squeeze %dma_wait3A_143 : memref<1x4992xi32, #tpu.memory_space<hbm>> -> memref<4992xi32, #tpu.memory_space<hbm>>
    %dma_wait3A_145 = arith.constant 5120 : i32
    %dma_wait3A_146 = tpu.memref_slice %arg7[%dma_wait3A_145] : memref<10112xi32, #tpu.memory_space<vmem>> -> memref<4992xi32, #tpu.memory_space<vmem>>
    %dma_wait3A_147 = tpu.memref_slice %arg3[%dma_wait3A_140, %add3A_72] : memref<2x320000xi32, #tpu.memory_space<hbm>> -> memref<1x4992xi32, #tpu.memory_space<hbm>>
    %dma_wait3A_148 = tpu.memref_squeeze %dma_wait3A_147 : memref<1x4992xi32, #tpu.memory_space<hbm>> -> memref<4992xi32, #tpu.memory_space<hbm>>
    tpu.wait_dma2 semaphore(%arg10 : memref<!tpu.dma_semaphore, #tpu.memory_space<semaphore_mem>>) src(%dma_wait3A_148 : memref<4992xi32, #tpu.memory_space<hbm>>) dst(%dma_wait3A_146 : memref<4992xi32, #tpu.memory_space<vmem>>)
    %parallel_loop3A_149 = arith.constant 40 : i32
    %parallel_loop3A_150 = arith.constant 79 : i32
    %parallel_loop3A_151 = arith.constant 1 : i32
    scf.for %parallel_loop3A_174 = %parallel_loop3A_149 to %parallel_loop3A_150 step %parallel_loop3A_151  : i32 {
      %parallel_loop3A_175 = arith.constant 128 : i32
      %parallel_loop3A_176 = arith.muli %parallel_loop3A_174, %parallel_loop3A_175 : i32
      %parallel_loop3A_177 = arith.constant 256 : i32
      %parallel_loop3A_178 = arith.muli %parallel_loop3A_174, %parallel_loop3A_177 : i32
      %parallel_loop3A_179 = arith.constant 0 : i32
      %parallel_loop3A_180 = arith.addi %parallel_loop3A_176, %parallel_loop3A_179 : i32
      %parallel_loop3A_181 = arith.index_cast %parallel_loop3A_180 : i32 to index
      %parallel_loop3A_182 = tpu.vector_load %arg6[%parallel_loop3A_181] {strides = array<i32>} : memref<10112xi32, #tpu.memory_space<vmem>>, vector<16xi32>,
      %parallel_loop3A_183 = arith.constant 0 : i32
      %parallel_loop3A_184 = arith.addi %parallel_loop3A_176, %parallel_loop3A_183 : i32
      %parallel_loop3A_185 = arith.index_cast %parallel_loop3A_184 : i32 to index
      %parallel_loop3A_186 = tpu.vector_load %arg7[%parallel_loop3A_185] {strides = array<i32>} : memref<10112xi32, #tpu.memory_space<vmem>>, vector<16xi32>,
      %parallel_loop3A_187 = tpu.vector_load_idx %arg5[%parallel_loop3A_182] : memref<20480xi32, #tpu.memory_space<vmem>>[vector<16xi32>], vector<16xi32>,
      %parallel_loop3A_188 = arith.constant 10240 : i32
      %parallel_loop3A_189 = vector.broadcast %parallel_loop3A_188 : i32 to vector<16xi32>
      %parallel_loop3A_190 = arith.addi %parallel_loop3A_186, %parallel_loop3A_189 : vector<16xi32>
      %parallel_loop3A_191 = tpu.vector_load_idx %arg5[%parallel_loop3A_190] : memref<20480xi32, #tpu.memory_space<vmem>>[vector<16xi32>], vector<16xi32>,
      %parallel_loop3A_192 = vector.bitcast %parallel_loop3A_187 : vector<16xi32> to vector<32xbf16>
      %parallel_loop3A_193 = tpu.unpack_subelements %parallel_loop3A_192, 0 {pack_format = #tpu.pack_format<interleaved>} : vector<32xbf16> -> vector<16xf32>
      %parallel_loop3A_194 = tpu.unpack_subelements %parallel_loop3A_192, 1 {pack_format = #tpu.pack_format<interleaved>} : vector<32xbf16> -> vector<16xf32>
      %parallel_loop3A_195 = vector.bitcast %parallel_loop3A_191 : vector<16xi32> to vector<32xbf16>
      %parallel_loop3A_196 = tpu.unpack_subelements %parallel_loop3A_195, 0 {pack_format = #tpu.pack_format<interleaved>} : vector<32xbf16> -> vector<16xf32>
      %parallel_loop3A_197 = tpu.unpack_subelements %parallel_loop3A_195, 1 {pack_format = #tpu.pack_format<interleaved>} : vector<32xbf16> -> vector<16xf32>
      %parallel_loop3A_198 = arith.addf %parallel_loop3A_193, %parallel_loop3A_196 : vector<16xf32>
      %parallel_loop3A_199 = arith.constant 0 : i32
      %parallel_loop3A_200 = arith.addi %parallel_loop3A_178, %parallel_loop3A_199 : i32
      %parallel_loop3A_201 = arith.index_cast %parallel_loop3A_200 : i32 to index
      %parallel_loop3A_202 = tpu.vector_load %arg8[%parallel_loop3A_201] {strides = array<i32>} : memref<20224xf32, #tpu.memory_space<vmem>>, vector<16xf32>,
      tpu.vector_store %arg8[%parallel_loop3A_201], %parallel_loop3A_198 {strides = array<i32>} : memref<20224xf32, #tpu.memory_space<vmem>>, vector<16xf32>,
      %parallel_loop3A_203 = arith.addf %parallel_loop3A_194, %parallel_loop3A_197 : vector<16xf32>
      %parallel_loop3A_204 = arith.constant 128 : i32
      %parallel_loop3A_205 = arith.addi %parallel_loop3A_178, %parallel_loop3A_204 : i32
      %parallel_loop3A_206 = arith.constant 0 : i32
      %parallel_loop3A_207 = arith.addi %parallel_loop3A_205, %parallel_loop3A_206 : i32
      %parallel_loop3A_208 = arith.index_cast %parallel_loop3A_207 : i32 to index
      %parallel_loop3A_209 = tpu.vector_load %arg8[%parallel_loop3A_208] {strides = array<i32>} : memref<20224xf32, #tpu.memory_space<vmem>>, vector<16xf32>,
      tpu.vector_store %arg8[%parallel_loop3A_208], %parallel_loop3A_203 {strides = array<i32>} : memref<20224xf32, #tpu.memory_space<vmem>>, vector<16xf32>,
      %parallel_loop3A_210 = arith.constant 16 : i32
      %parallel_loop3A_211 = arith.addi %parallel_loop3A_176, %parallel_loop3A_210 : i32
      %parallel_loop3A_212 = arith.index_cast %parallel_loop3A_211 : i32 to index
      %parallel_loop3A_213 = tpu.vector_load %arg6[%parallel_loop3A_212] {strides = array<i32>} : memref<10112xi32, #tpu.memory_space<vmem>>, vector<16xi32>,
      %parallel_loop3A_214 = arith.constant 16 : i32
      %parallel_loop3A_215 = arith.addi %parallel_loop3A_176, %parallel_loop3A_214 : i32
      %parallel_loop3A_216 = arith.index_cast %parallel_loop3A_215 : i32 to index
      %parallel_loop3A_217 = tpu.vector_load %arg7[%parallel_loop3A_216] {strides = array<i32>} : memref<10112xi32, #tpu.memory_space<vmem>>, vector<16xi32>,
      %parallel_loop3A_218 = tpu.vector_load_idx %arg5[%parallel_loop3A_213] : memref<20480xi32, #tpu.memory_space<vmem>>[vector<16xi32>], vector<16xi32>,
      %parallel_loop3A_219 = arith.constant 10240 : i32
      %parallel_loop3A_220 = vector.broadcast %parallel_loop3A_219 : i32 to vector<16xi32>
      %parallel_loop3A_221 = arith.addi %parallel_loop3A_217, %parallel_loop3A_220 : vector<16xi32>
      %parallel_loop3A_222 = tpu.vector_load_idx %arg5[%parallel_loop3A_221] : memref<20480xi32, #tpu.memory_space<vmem>>[vector<16xi32>], vector<16xi32>,
      %parallel_loop3A_223 = vector.bitcast %parallel_loop3A_218 : vector<16xi32> to vector<32xbf16>
      %parallel_loop3A_224 = tpu.unpack_subelements %parallel_loop3A_223, 0 {pack_format = #tpu.pack_format<interleaved>} : vector<32xbf16> -> vector<16xf32>
      %parallel_loop3A_225 = tpu.unpack_subelements %parallel_loop3A_223, 1 {pack_format = #tpu.pack_format<interleaved>} : vector<32xbf16> -> vector<16xf32>
      %parallel_loop3A_226 = vector.bitcast %parallel_loop3A_222 : vector<16xi32> to vector<32xbf16>
      %parallel_loop3A_227 = tpu.unpack_subelements %parallel_loop3A_226, 0 {pack_format = #tpu.pack_format<interleaved>} : vector<32xbf16> -> vector<16xf32>
      %parallel_loop3A_228 = tpu.unpack_subelements %parallel_loop3A_226, 1 {pack_format = #tpu.pack_format<interleaved>} : vector<32xbf16> -> vector<16xf32>
      %parallel_loop3A_229 = arith.addf %parallel_loop3A_224, %parallel_loop3A_227 : vector<16xf32>
      %parallel_loop3A_230 = arith.constant 16 : i32
      %parallel_loop3A_231 = arith.addi %parallel_loop3A_178, %parallel_loop3A_230 : i32
      %parallel_loop3A_232 = arith.index_cast %parallel_loop3A_231 : i32 to index
      %parallel_loop3A_233 = tpu.vector_load %arg8[%parallel_loop3A_232] {strides = array<i32>} : memref<20224xf32, #tpu.memory_space<vmem>>, vector<16xf32>,
      tpu.vector_store %arg8[%parallel_loop3A_232], %parallel_loop3A_229 {strides = array<i32>} : memref<20224xf32, #tpu.memory_space<vmem>>, vector<16xf32>,
      %parallel_loop3A_234 = arith.addf %parallel_loop3A_225, %parallel_loop3A_228 : vector<16xf32>
      %parallel_loop3A_235 = arith.constant 128 : i32
      %parallel_loop3A_236 = arith.addi %parallel_loop3A_178, %parallel_loop3A_235 : i32
      %parallel_loop3A_237 = arith.constant 16 : i32
      %parallel_loop3A_238 = arith.addi %parallel_loop3A_236, %parallel_loop3A_237 : i32
      %parallel_loop3A_239 = arith.index_cast %parallel_loop3A_238 : i32 to index
      %parallel_loop3A_240 = tpu.vector_load %arg8[%parallel_loop3A_239] {strides = array<i32>} : memref<20224xf32, #tpu.memory_space<vmem>>, vector<16xf32>,
      tpu.vector_store %arg8[%parallel_loop3A_239], %parallel_loop3A_234 {strides = array<i32>} : memref<20224xf32, #tpu.memory_space<vmem>>, vector<16xf32>,
      %parallel_loop3A_241 = arith.constant 32 : i32
      %parallel_loop3A_242 = arith.addi %parallel_loop3A_176, %parallel_loop3A_241 : i32
      %parallel_loop3A_243 = arith.index_cast %parallel_loop3A_242 : i32 to index
      %parallel_loop3A_244 = tpu.vector_load %arg6[%parallel_loop3A_243] {strides = array<i32>} : memref<10112xi32, #tpu.memory_space<vmem>>, vector<16xi32>,
      %parallel_loop3A_245 = arith.constant 32 : i32
      %parallel_loop3A_246 = arith.addi %parallel_loop3A_176, %parallel_loop3A_245 : i32
      %parallel_loop3A_247 = arith.index_cast %parallel_loop3A_246 : i32 to index
      %parallel_loop3A_248 = tpu.vector_load %arg7[%parallel_loop3A_247] {strides = array<i32>} : memref<10112xi32, #tpu.memory_space<vmem>>, vector<16xi32>,
      %parallel_loop3A_249 = tpu.vector_load_idx %arg5[%parallel_loop3A_244] : memref<20480xi32, #tpu.memory_space<vmem>>[vector<16xi32>], vector<16xi32>,
      %parallel_loop3A_250 = arith.constant 10240 : i32
      %parallel_loop3A_251 = vector.broadcast %parallel_loop3A_250 : i32 to vector<16xi32>
      %parallel_loop3A_252 = arith.addi %parallel_loop3A_248, %parallel_loop3A_251 : vector<16xi32>
      %parallel_loop3A_253 = tpu.vector_load_idx %arg5[%parallel_loop3A_252] : memref<20480xi32, #tpu.memory_space<vmem>>[vector<16xi32>], vector<16xi32>,
      %parallel_loop3A_254 = vector.bitcast %parallel_loop3A_249 : vector<16xi32> to vector<32xbf16>
      %parallel_loop3A_255 = tpu.unpack_subelements %parallel_loop3A_254, 0 {pack_format = #tpu.pack_format<interleaved>} : vector<32xbf16> -> vector<16xf32>
      %parallel_loop3A_256 = tpu.unpack_subelements %parallel_loop3A_254, 1 {pack_format = #tpu.pack_format<interleaved>} : vector<32xbf16> -> vector<16xf32>
      %parallel_loop3A_257 = vector.bitcast %parallel_loop3A_253 : vector<16xi32> to vector<32xbf16>
      %parallel_loop3A_258 = tpu.unpack_subelements %parallel_loop3A_257, 0 {pack_format = #tpu.pack_format<interleaved>} : vector<32xbf16> -> vector<16xf32>
      %parallel_loop3A_259 = tpu.unpack_subelements %parallel_loop3A_257, 1 {pack_format = #tpu.pack_format<interleaved>} : vector<32xbf16> -> vector<16xf32>
      %parallel_loop3A_260 = arith.addf %parallel_loop3A_255, %parallel_loop3A_258 : vector<16xf32>
      %parallel_loop3A_261 = arith.constant 32 : i32
      %parallel_loop3A_262 = arith.addi %parallel_loop3A_178, %parallel_loop3A_261 : i32
      %parallel_loop3A_263 = arith.index_cast %parallel_loop3A_262 : i32 to index
      %parallel_loop3A_264 = tpu.vector_load %arg8[%parallel_loop3A_263] {strides = array<i32>} : memref<20224xf32, #tpu.memory_space<vmem>>, vector<16xf32>,
      tpu.vector_store %arg8[%parallel_loop3A_263], %parallel_loop3A_260 {strides = array<i32>} : memref<20224xf32, #tpu.memory_space<vmem>>, vector<16xf32>,
      %parallel_loop3A_265 = arith.addf %parallel_loop3A_256, %parallel_loop3A_259 : vector<16xf32>
      %parallel_loop3A_266 = arith.constant 128 : i32
      %parallel_loop3A_267 = arith.addi %parallel_loop3A_178, %parallel_loop3A_266 : i32
      %parallel_loop3A_268 = arith.constant 32 : i32
      %parallel_loop3A_269 = arith.addi %parallel_loop3A_267, %parallel_loop3A_268 : i32
      %parallel_loop3A_270 = arith.index_cast %parallel_loop3A_269 : i32 to index
      %parallel_loop3A_271 = tpu.vector_load %arg8[%parallel_loop3A_270] {strides = array<i32>} : memref<20224xf32, #tpu.memory_space<vmem>>, vector<16xf32>,
      tpu.vector_store %arg8[%parallel_loop3A_270], %parallel_loop3A_265 {strides = array<i32>} : memref<20224xf32, #tpu.memory_space<vmem>>, vector<16xf32>,
      %parallel_loop3A_272 = arith.constant 48 : i32
      %parallel_loop3A_273 = arith.addi %parallel_loop3A_176, %parallel_loop3A_272 : i32
      %parallel_loop3A_274 = arith.index_cast %parallel_loop3A_273 : i32 to index
      %parallel_loop3A_275 = tpu.vector_load %arg6[%parallel_loop3A_274] {strides = array<i32>} : memref<10112xi32, #tpu.memory_space<vmem>>, vector<16xi32>,
      %parallel_loop3A_276 = arith.constant 48 : i32
      %parallel_loop3A_277 = arith.addi %parallel_loop3A_176, %parallel_loop3A_276 : i32
      %parallel_loop3A_278 = arith.index_cast %parallel_loop3A_277 : i32 to index
      %parallel_loop3A_279 = tpu.vector_load %arg7[%parallel_loop3A_278] {strides = array<i32>} : memref<10112xi32, #tpu.memory_space<vmem>>, vector<16xi32>,
      %parallel_loop3A_280 = tpu.vector_load_idx %arg5[%parallel_loop3A_275] : memref<20480xi32, #tpu.memory_space<vmem>>[vector<16xi32>], vector<16xi32>,
      %parallel_loop3A_281 = arith.constant 10240 : i32
      %parallel_loop3A_282 = vector.broadcast %parallel_loop3A_281 : i32 to vector<16xi32>
      %parallel_loop3A_283 = arith.addi %parallel_loop3A_279, %parallel_loop3A_282 : vector<16xi32>
      %parallel_loop3A_284 = tpu.vector_load_idx %arg5[%parallel_loop3A_283] : memref<20480xi32, #tpu.memory_space<vmem>>[vector<16xi32>], vector<16xi32>,
      %parallel_loop3A_285 = vector.bitcast %parallel_loop3A_280 : vector<16xi32> to vector<32xbf16>
      %parallel_loop3A_286 = tpu.unpack_subelements %parallel_loop3A_285, 0 {pack_format = #tpu.pack_format<interleaved>} : vector<32xbf16> -> vector<16xf32>
      %parallel_loop3A_287 = tpu.unpack_subelements %parallel_loop3A_285, 1 {pack_format = #tpu.pack_format<interleaved>} : vector<32xbf16> -> vector<16xf32>
      %parallel_loop3A_288 = vector.bitcast %parallel_loop3A_284 : vector<16xi32> to vector<32xbf16>
      %parallel_loop3A_289 = tpu.unpack_subelements %parallel_loop3A_288, 0 {pack_format = #tpu.pack_format<interleaved>} : vector<32xbf16> -> vector<16xf32>
      %parallel_loop3A_290 = tpu.unpack_subelements %parallel_loop3A_288, 1 {pack_format = #tpu.pack_format<interleaved>} : vector<32xbf16> -> vector<16xf32>
      %parallel_loop3A_291 = arith.addf %parallel_loop3A_286, %parallel_loop3A_289 : vector<16xf32>
      %parallel_loop3A_292 = arith.constant 48 : i32
      %parallel_loop3A_293 = arith.addi %parallel_loop3A_178, %parallel_loop3A_292 : i32
      %parallel_loop3A_294 = arith.index_cast %parallel_loop3A_293 : i32 to index
      %parallel_loop3A_295 = tpu.vector_load %arg8[%parallel_loop3A_294] {strides = array<i32>} : memref<20224xf32, #tpu.memory_space<vmem>>, vector<16xf32>,
      tpu.vector_store %arg8[%parallel_loop3A_294], %parallel_loop3A_291 {strides = array<i32>} : memref<20224xf32, #tpu.memory_space<vmem>>, vector<16xf32>,
      %parallel_loop3A_296 = arith.addf %parallel_loop3A_287, %parallel_loop3A_290 : vector<16xf32>
      %parallel_loop3A_297 = arith.constant 128 : i32
      %parallel_loop3A_298 = arith.addi %parallel_loop3A_178, %parallel_loop3A_297 : i32
      %parallel_loop3A_299 = arith.constant 48 : i32
      %parallel_loop3A_300 = arith.addi %parallel_loop3A_298, %parallel_loop3A_299 : i32
      %parallel_loop3A_301 = arith.index_cast %parallel_loop3A_300 : i32 to index
      %parallel_loop3A_302 = tpu.vector_load %arg8[%parallel_loop3A_301] {strides = array<i32>} : memref<20224xf32, #tpu.memory_space<vmem>>, vector<16xf32>,
      tpu.vector_store %arg8[%parallel_loop3A_301], %parallel_loop3A_296 {strides = array<i32>} : memref<20224xf32, #tpu.memory_space<vmem>>, vector<16xf32>,
      %parallel_loop3A_303 = arith.constant 64 : i32
      %parallel_loop3A_304 = arith.addi %parallel_loop3A_176, %parallel_loop3A_303 : i32
      %parallel_loop3A_305 = arith.index_cast %parallel_loop3A_304 : i32 to index
      %parallel_loop3A_306 = tpu.vector_load %arg6[%parallel_loop3A_305] {strides = array<i32>} : memref<10112xi32, #tpu.memory_space<vmem>>, vector<16xi32>,
      %parallel_loop3A_307 = arith.constant 64 : i32
      %parallel_loop3A_308 = arith.addi %parallel_loop3A_176, %parallel_loop3A_307 : i32
      %parallel_loop3A_309 = arith.index_cast %parallel_loop3A_308 : i32 to index
      %parallel_loop3A_310 = tpu.vector_load %arg7[%parallel_loop3A_309] {strides = array<i32>} : memref<10112xi32, #tpu.memory_space<vmem>>, vector<16xi32>,
      %parallel_loop3A_311 = tpu.vector_load_idx %arg5[%parallel_loop3A_306] : memref<20480xi32, #tpu.memory_space<vmem>>[vector<16xi32>], vector<16xi32>,
      %parallel_loop3A_312 = arith.constant 10240 : i32
      %parallel_loop3A_313 = vector.broadcast %parallel_loop3A_312 : i32 to vector<16xi32>
      %parallel_loop3A_314 = arith.addi %parallel_loop3A_310, %parallel_loop3A_313 : vector<16xi32>
      %parallel_loop3A_315 = tpu.vector_load_idx %arg5[%parallel_loop3A_314] : memref<20480xi32, #tpu.memory_space<vmem>>[vector<16xi32>], vector<16xi32>,
      %parallel_loop3A_316 = vector.bitcast %parallel_loop3A_311 : vector<16xi32> to vector<32xbf16>
      %parallel_loop3A_317 = tpu.unpack_subelements %parallel_loop3A_316, 0 {pack_format = #tpu.pack_format<interleaved>} : vector<32xbf16> -> vector<16xf32>
      %parallel_loop3A_318 = tpu.unpack_subelements %parallel_loop3A_316, 1 {pack_format = #tpu.pack_format<interleaved>} : vector<32xbf16> -> vector<16xf32>
      %parallel_loop3A_319 = vector.bitcast %parallel_loop3A_315 : vector<16xi32> to vector<32xbf16>
      %parallel_loop3A_320 = tpu.unpack_subelements %parallel_loop3A_319, 0 {pack_format = #tpu.pack_format<interleaved>} : vector<32xbf16> -> vector<16xf32>
      %parallel_loop3A_321 = tpu.unpack_subelements %parallel_loop3A_319, 1 {pack_format = #tpu.pack_format<interleaved>} : vector<32xbf16> -> vector<16xf32>
      %parallel_loop3A_322 = arith.addf %parallel_loop3A_317, %parallel_loop3A_320 : vector<16xf32>
      %parallel_loop3A_323 = arith.constant 64 : i32
      %parallel_loop3A_324 = arith.addi %parallel_loop3A_178, %parallel_loop3A_323 : i32
      %parallel_loop3A_325 = arith.index_cast %parallel_loop3A_324 : i32 to index
      %parallel_loop3A_326 = tpu.vector_load %arg8[%parallel_loop3A_325] {strides = array<i32>} : memref<20224xf32, #tpu.memory_space<vmem>>, vector<16xf32>,
      tpu.vector_store %arg8[%parallel_loop3A_325], %parallel_loop3A_322 {strides = array<i32>} : memref<20224xf32, #tpu.memory_space<vmem>>, vector<16xf32>,
      %parallel_loop3A_327 = arith.addf %parallel_loop3A_318, %parallel_loop3A_321 : vector<16xf32>
      %parallel_loop3A_328 = arith.constant 128 : i32
      %parallel_loop3A_329 = arith.addi %parallel_loop3A_178, %parallel_loop3A_328 : i32
      %parallel_loop3A_330 = arith.constant 64 : i32
      %parallel_loop3A_331 = arith.addi %parallel_loop3A_329, %parallel_loop3A_330 : i32
      %parallel_loop3A_332 = arith.index_cast %parallel_loop3A_331 : i32 to index
      %parallel_loop3A_333 = tpu.vector_load %arg8[%parallel_loop3A_332] {strides = array<i32>} : memref<20224xf32, #tpu.memory_space<vmem>>, vector<16xf32>,
      tpu.vector_store %arg8[%parallel_loop3A_332], %parallel_loop3A_327 {strides = array<i32>} : memref<20224xf32, #tpu.memory_space<vmem>>, vector<16xf32>,
      %parallel_loop3A_334 = arith.constant 80 : i32
      %parallel_loop3A_335 = arith.addi %parallel_loop3A_176, %parallel_loop3A_334 : i32
      %parallel_loop3A_336 = arith.index_cast %parallel_loop3A_335 : i32 to index
      %parallel_loop3A_337 = tpu.vector_load %arg6[%parallel_loop3A_336] {strides = array<i32>} : memref<10112xi32, #tpu.memory_space<vmem>>, vector<16xi32>,
      %parallel_loop3A_338 = arith.constant 80 : i32
      %parallel_loop3A_339 = arith.addi %parallel_loop3A_176, %parallel_loop3A_338 : i32
      %parallel_loop3A_340 = arith.index_cast %parallel_loop3A_339 : i32 to index
      %parallel_loop3A_341 = tpu.vector_load %arg7[%parallel_loop3A_340] {strides = array<i32>} : memref<10112xi32, #tpu.memory_space<vmem>>, vector<16xi32>,
      %parallel_loop3A_342 = tpu.vector_load_idx %arg5[%parallel_loop3A_337] : memref<20480xi32, #tpu.memory_space<vmem>>[vector<16xi32>], vector<16xi32>,
      %parallel_loop3A_343 = arith.constant 10240 : i32
      %parallel_loop3A_344 = vector.broadcast %parallel_loop3A_343 : i32 to vector<16xi32>
      %parallel_loop3A_345 = arith.addi %parallel_loop3A_341, %parallel_loop3A_344 : vector<16xi32>
      %parallel_loop3A_346 = tpu.vector_load_idx %arg5[%parallel_loop3A_345] : memref<20480xi32, #tpu.memory_space<vmem>>[vector<16xi32>], vector<16xi32>,
      %parallel_loop3A_347 = vector.bitcast %parallel_loop3A_342 : vector<16xi32> to vector<32xbf16>
      %parallel_loop3A_348 = tpu.unpack_subelements %parallel_loop3A_347, 0 {pack_format = #tpu.pack_format<interleaved>} : vector<32xbf16> -> vector<16xf32>
      %parallel_loop3A_349 = tpu.unpack_subelements %parallel_loop3A_347, 1 {pack_format = #tpu.pack_format<interleaved>} : vector<32xbf16> -> vector<16xf32>
      %parallel_loop3A_350 = vector.bitcast %parallel_loop3A_346 : vector<16xi32> to vector<32xbf16>
      %parallel_loop3A_351 = tpu.unpack_subelements %parallel_loop3A_350, 0 {pack_format = #tpu.pack_format<interleaved>} : vector<32xbf16> -> vector<16xf32>
      %parallel_loop3A_352 = tpu.unpack_subelements %parallel_loop3A_350, 1 {pack_format = #tpu.pack_format<interleaved>} : vector<32xbf16> -> vector<16xf32>
      %parallel_loop3A_353 = arith.addf %parallel_loop3A_348, %parallel_loop3A_351 : vector<16xf32>
      %parallel_loop3A_354 = arith.constant 80 : i32
      %parallel_loop3A_355 = arith.addi %parallel_loop3A_178, %parallel_loop3A_354 : i32
      %parallel_loop3A_356 = arith.index_cast %parallel_loop3A_355 : i32 to index
      %parallel_loop3A_357 = tpu.vector_load %arg8[%parallel_loop3A_356] {strides = array<i32>} : memref<20224xf32, #tpu.memory_space<vmem>>, vector<16xf32>,
      tpu.vector_store %arg8[%parallel_loop3A_356], %parallel_loop3A_353 {strides = array<i32>} : memref<20224xf32, #tpu.memory_space<vmem>>, vector<16xf32>,
      %parallel_loop3A_358 = arith.addf %parallel_loop3A_349, %parallel_loop3A_352 : vector<16xf32>
      %parallel_loop3A_359 = arith.constant 128 : i32
      %parallel_loop3A_360 = arith.addi %parallel_loop3A_178, %parallel_loop3A_359 : i32
      %parallel_loop3A_361 = arith.constant 80 : i32
      %parallel_loop3A_362 = arith.addi %parallel_loop3A_360, %parallel_loop3A_361 : i32
      %parallel_loop3A_363 = arith.index_cast %parallel_loop3A_362 : i32 to index
      %parallel_loop3A_364 = tpu.vector_load %arg8[%parallel_loop3A_363] {strides = array<i32>} : memref<20224xf32, #tpu.memory_space<vmem>>, vector<16xf32>,
      tpu.vector_store %arg8[%parallel_loop3A_363], %parallel_loop3A_358 {strides = array<i32>} : memref<20224xf32, #tpu.memory_space<vmem>>, vector<16xf32>,
      %parallel_loop3A_365 = arith.constant 96 : i32
      %parallel_loop3A_366 = arith.addi %parallel_loop3A_176, %parallel_loop3A_365 : i32
      %parallel_loop3A_367 = arith.index_cast %parallel_loop3A_366 : i32 to index
      %parallel_loop3A_368 = tpu.vector_load %arg6[%parallel_loop3A_367] {strides = array<i32>} : memref<10112xi32, #tpu.memory_space<vmem>>, vector<16xi32>,
      %parallel_loop3A_369 = arith.constant 96 : i32
      %parallel_loop3A_370 = arith.addi %parallel_loop3A_176, %parallel_loop3A_369 : i32
      %parallel_loop3A_371 = arith.index_cast %parallel_loop3A_370 : i32 to index
      %parallel_loop3A_372 = tpu.vector_load %arg7[%parallel_loop3A_371] {strides = array<i32>} : memref<10112xi32, #tpu.memory_space<vmem>>, vector<16xi32>,
      %parallel_loop3A_373 = tpu.vector_load_idx %arg5[%parallel_loop3A_368] : memref<20480xi32, #tpu.memory_space<vmem>>[vector<16xi32>], vector<16xi32>,
      %parallel_loop3A_374 = arith.constant 10240 : i32
      %parallel_loop3A_375 = vector.broadcast %parallel_loop3A_374 : i32 to vector<16xi32>
      %parallel_loop3A_376 = arith.addi %parallel_loop3A_372, %parallel_loop3A_375 : vector<16xi32>
      %parallel_loop3A_377 = tpu.vector_load_idx %arg5[%parallel_loop3A_376] : memref<20480xi32, #tpu.memory_space<vmem>>[vector<16xi32>], vector<16xi32>,
      %parallel_loop3A_378 = vector.bitcast %parallel_loop3A_373 : vector<16xi32> to vector<32xbf16>
      %parallel_loop3A_379 = tpu.unpack_subelements %parallel_loop3A_378, 0 {pack_format = #tpu.pack_format<interleaved>} : vector<32xbf16> -> vector<16xf32>
      %parallel_loop3A_380 = tpu.unpack_subelements %parallel_loop3A_378, 1 {pack_format = #tpu.pack_format<interleaved>} : vector<32xbf16> -> vector<16xf32>
      %parallel_loop3A_381 = vector.bitcast %parallel_loop3A_377 : vector<16xi32> to vector<32xbf16>
      %parallel_loop3A_382 = tpu.unpack_subelements %parallel_loop3A_381, 0 {pack_format = #tpu.pack_format<interleaved>} : vector<32xbf16> -> vector<16xf32>
      %parallel_loop3A_383 = tpu.unpack_subelements %parallel_loop3A_381, 1 {pack_format = #tpu.pack_format<interleaved>} : vector<32xbf16> -> vector<16xf32>
      %parallel_loop3A_384 = arith.addf %parallel_loop3A_379, %parallel_loop3A_382 : vector<16xf32>
      %parallel_loop3A_385 = arith.constant 96 : i32
      %parallel_loop3A_386 = arith.addi %parallel_loop3A_178, %parallel_loop3A_385 : i32
      %parallel_loop3A_387 = arith.index_cast %parallel_loop3A_386 : i32 to index
      %parallel_loop3A_388 = tpu.vector_load %arg8[%parallel_loop3A_387] {strides = array<i32>} : memref<20224xf32, #tpu.memory_space<vmem>>, vector<16xf32>,
      tpu.vector_store %arg8[%parallel_loop3A_387], %parallel_loop3A_384 {strides = array<i32>} : memref<20224xf32, #tpu.memory_space<vmem>>, vector<16xf32>,
      %parallel_loop3A_389 = arith.addf %parallel_loop3A_380, %parallel_loop3A_383 : vector<16xf32>
      %parallel_loop3A_390 = arith.constant 128 : i32
      %parallel_loop3A_391 = arith.addi %parallel_loop3A_178, %parallel_loop3A_390 : i32
      %parallel_loop3A_392 = arith.constant 96 : i32
      %parallel_loop3A_393 = arith.addi %parallel_loop3A_391, %parallel_loop3A_392 : i32
      %parallel_loop3A_394 = arith.index_cast %parallel_loop3A_393 : i32 to index
      %parallel_loop3A_395 = tpu.vector_load %arg8[%parallel_loop3A_394] {strides = array<i32>} : memref<20224xf32, #tpu.memory_space<vmem>>, vector<16xf32>,
      tpu.vector_store %arg8[%parallel_loop3A_394], %parallel_loop3A_389 {strides = array<i32>} : memref<20224xf32, #tpu.memory_space<vmem>>, vector<16xf32>,
      %parallel_loop3A_396 = arith.constant 112 : i32
      %parallel_loop3A_397 = arith.addi %parallel_loop3A_176, %parallel_loop3A_396 : i32
      %parallel_loop3A_398 = arith.index_cast %parallel_loop3A_397 : i32 to index
      %parallel_loop3A_399 = tpu.vector_load %arg6[%parallel_loop3A_398] {strides = array<i32>} : memref<10112xi32, #tpu.memory_space<vmem>>, vector<16xi32>,
      %parallel_loop3A_400 = arith.constant 112 : i32
      %parallel_loop3A_401 = arith.addi %parallel_loop3A_176, %parallel_loop3A_400 : i32
      %parallel_loop3A_402 = arith.index_cast %parallel_loop3A_401 : i32 to index
      %parallel_loop3A_403 = tpu.vector_load %arg7[%parallel_loop3A_402] {strides = array<i32>} : memref<10112xi32, #tpu.memory_space<vmem>>, vector<16xi32>,
      %parallel_loop3A_404 = tpu.vector_load_idx %arg5[%parallel_loop3A_399] : memref<20480xi32, #tpu.memory_space<vmem>>[vector<16xi32>], vector<16xi32>,
      %parallel_loop3A_405 = arith.constant 10240 : i32
      %parallel_loop3A_406 = vector.broadcast %parallel_loop3A_405 : i32 to vector<16xi32>
      %parallel_loop3A_407 = arith.addi %parallel_loop3A_403, %parallel_loop3A_406 : vector<16xi32>
      %parallel_loop3A_408 = tpu.vector_load_idx %arg5[%parallel_loop3A_407] : memref<20480xi32, #tpu.memory_space<vmem>>[vector<16xi32>], vector<16xi32>,
      %parallel_loop3A_409 = vector.bitcast %parallel_loop3A_404 : vector<16xi32> to vector<32xbf16>
      %parallel_loop3A_410 = tpu.unpack_subelements %parallel_loop3A_409, 0 {pack_format = #tpu.pack_format<interleaved>} : vector<32xbf16> -> vector<16xf32>
      %parallel_loop3A_411 = tpu.unpack_subelements %parallel_loop3A_409, 1 {pack_format = #tpu.pack_format<interleaved>} : vector<32xbf16> -> vector<16xf32>
      %parallel_loop3A_412 = vector.bitcast %parallel_loop3A_408 : vector<16xi32> to vector<32xbf16>
      %parallel_loop3A_413 = tpu.unpack_subelements %parallel_loop3A_412, 0 {pack_format = #tpu.pack_format<interleaved>} : vector<32xbf16> -> vector<16xf32>
      %parallel_loop3A_414 = tpu.unpack_subelements %parallel_loop3A_412, 1 {pack_format = #tpu.pack_format<interleaved>} : vector<32xbf16> -> vector<16xf32>
      %parallel_loop3A_415 = arith.addf %parallel_loop3A_410, %parallel_loop3A_413 : vector<16xf32>
      %parallel_loop3A_416 = arith.constant 112 : i32
      %parallel_loop3A_417 = arith.addi %parallel_loop3A_178, %parallel_loop3A_416 : i32
      %parallel_loop3A_418 = arith.index_cast %parallel_loop3A_417 : i32 to index
      %parallel_loop3A_419 = tpu.vector_load %arg8[%parallel_loop3A_418] {strides = array<i32>} : memref<20224xf32, #tpu.memory_space<vmem>>, vector<16xf32>,
      tpu.vector_store %arg8[%parallel_loop3A_418], %parallel_loop3A_415 {strides = array<i32>} : memref<20224xf32, #tpu.memory_space<vmem>>, vector<16xf32>,
      %parallel_loop3A_420 = arith.addf %parallel_loop3A_411, %parallel_loop3A_414 : vector<16xf32>
      %parallel_loop3A_421 = arith.constant 128 : i32
      %parallel_loop3A_422 = arith.addi %parallel_loop3A_178, %parallel_loop3A_421 : i32
      %parallel_loop3A_423 = arith.constant 112 : i32
      %parallel_loop3A_424 = arith.addi %parallel_loop3A_422, %parallel_loop3A_423 : i32
      %parallel_loop3A_425 = arith.index_cast %parallel_loop3A_424 : i32 to index
      %parallel_loop3A_426 = tpu.vector_load %arg8[%parallel_loop3A_425] {strides = array<i32>} : memref<20224xf32, #tpu.memory_space<vmem>>, vector<16xf32>,
      tpu.vector_store %arg8[%parallel_loop3A_425], %parallel_loop3A_420 {strides = array<i32>} : memref<20224xf32, #tpu.memory_space<vmem>>, vector<16xf32>,
    } {sc.loop_unroll_factor = 4 : i64, sc.parallel_access}
    %add3A_152 = arith.constant 40 : i32
    %add3A_153 = arith.addi %select_n3A, %add3A_152 : i32
    %mul3A_154 = arith.constant 256 : i32
    %mul3A_155 = arith.muli %add3A_153, %mul3A_154 : i32
    %dma_start3A_156 = arith.constant 10240 : i32
    %dma_start3A_157 = tpu.memref_slice %arg8[%dma_start3A_156] : memref<20224xf32, #tpu.memory_space<vmem>> -> memref<9984xf32, #tpu.memory_space<vmem>>
    %dma_start3A_158 = tpu.memref_slice %arg4[%mul3A_155] : memref<640000xf32, #tpu.memory_space<hbm>> -> memref<9984xf32, #tpu.memory_space<hbm>>
    %dma_start3A_159 = tpu.memref_slice %arg4[%mul3A_155] : memref<640000xf32, #tpu.memory_space<hbm>> -> memref<9984xf32, #tpu.memory_space<hbm>>
    %dma_start3A_160 = arith.constant 10240 : i32
    %dma_start3A_161 = tpu.memref_slice %arg8[%dma_start3A_160] : memref<20224xf32, #tpu.memory_space<vmem>> -> memref<9984xf32, #tpu.memory_space<vmem>>
    tpu.enqueue_dma source(%dma_start3A_161 : memref<9984xf32, #tpu.memory_space<vmem>>) target(%dma_start3A_159 : memref<9984xf32, #tpu.memory_space<hbm>>) target_semaphore(%arg11 : memref<!tpu.dma_semaphore, #tpu.memory_space<semaphore_mem>>)
    %dma_wait3A_162 = arith.constant 0 : i32
    %dma_wait3A_163 = tpu.memref_slice %arg8[%dma_wait3A_162] : memref<20224xf32, #tpu.memory_space<vmem>> -> memref<10240xf32, #tpu.memory_space<vmem>>
    %dma_wait3A_164 = tpu.memref_slice %arg4[%mul3A_124] : memref<640000xf32, #tpu.memory_space<hbm>> -> memref<10240xf32, #tpu.memory_space<hbm>>
    %dma_wait3A_165 = tpu.memref_slice %arg4[%mul3A_124] : memref<640000xf32, #tpu.memory_space<hbm>> -> memref<10240xf32, #tpu.memory_space<hbm>>
    %dma_wait3A_166 = arith.constant 0 : i32
    %dma_wait3A_167 = tpu.memref_slice %arg8[%dma_wait3A_166] : memref<20224xf32, #tpu.memory_space<vmem>> -> memref<10240xf32, #tpu.memory_space<vmem>>
    tpu.wait_dma2 semaphore(%arg11 : memref<!tpu.dma_semaphore, #tpu.memory_space<semaphore_mem>>) src(%dma_wait3A_167 : memref<10240xf32, #tpu.memory_space<vmem>>) dst(%dma_wait3A_165 : memref<10240xf32, #tpu.memory_space<hbm>>)
    %dma_wait3A_168 = arith.constant 10240 : i32
    %dma_wait3A_169 = tpu.memref_slice %arg8[%dma_wait3A_168] : memref<20224xf32, #tpu.memory_space<vmem>> -> memref<9984xf32, #tpu.memory_space<vmem>>
    %dma_wait3A_170 = tpu.memref_slice %arg4[%mul3A_155] : memref<640000xf32, #tpu.memory_space<hbm>> -> memref<9984xf32, #tpu.memory_space<hbm>>
    %dma_wait3A_171 = tpu.memref_slice %arg4[%mul3A_155] : memref<640000xf32, #tpu.memory_space<hbm>> -> memref<9984xf32, #tpu.memory_space<hbm>>
    %dma_wait3A_172 = arith.constant 10240 : i32
    %dma_wait3A_173 = tpu.memref_slice %arg8[%dma_wait3A_172] : memref<20224xf32, #tpu.memory_space<vmem>> -> memref<9984xf32, #tpu.memory_space<vmem>>
    tpu.wait_dma2 semaphore(%arg11 : memref<!tpu.dma_semaphore, #tpu.memory_space<semaphore_mem>>) src(%dma_wait3A_173 : memref<9984xf32, #tpu.memory_space<vmem>>) dst(%dma_wait3A_171 : memref<9984xf32, #tpu.memory_space<hbm>>)
    return
  }
}

module attributes {stable_mosaic.version = 14 : i64} {
  func.func @_proj_body(%arg0: memref<2x256xf32, #tpu.memory_space<vmem>>, %arg1: memref<10000x128xf32, #tpu.memory_space<any>>, %arg2: memref<2xf32, #tpu.memory_space<smem>>, %arg3: memref<2x10240xi32, #tpu.memory_space<vmem>>, %arg4: memref<10240x128xf32, #tpu.memory_space<vmem>>, %arg5: memref<!tpu.dma_semaphore, #tpu.memory_space<semaphore_mem>>) attributes {dimension_semantics = [], scalar_prefetch = 0 : i64, scratch_operands = 2 : i64, tpu.core_type = #tpu.core_type<tc>} {
    %dma_start3A = arith.constant 0 : i32
    %dma_start3A_0 = arith.constant 0 : i32
    %dma_start3A_1 = tpu.memref_slice %arg4[%dma_start3A, %dma_start3A_0] : memref<10240x128xf32, #tpu.memory_space<vmem>> -> memref<2560x128xf32, #tpu.memory_space<vmem>>
    %dma_start3A_2 = arith.constant 0 : i32
    %dma_start3A_3 = arith.constant 0 : i32
    %dma_start3A_4 = tpu.memref_slice %arg1[%dma_start3A_2, %dma_start3A_3] : memref<10000x128xf32, #tpu.memory_space<any>> -> memref<2560x128xf32, #tpu.memory_space<any>>
    tpu.enqueue_dma source(%dma_start3A_4 : memref<2560x128xf32, #tpu.memory_space<any>>) target(%dma_start3A_1 : memref<2560x128xf32, #tpu.memory_space<vmem>>) target_semaphore(%arg5 : memref<!tpu.dma_semaphore, #tpu.memory_space<semaphore_mem>>)
    %dma_start3A_5 = arith.constant 2560 : i32
    %dma_start3A_6 = arith.constant 0 : i32
    %dma_start3A_7 = tpu.memref_slice %arg4[%dma_start3A_5, %dma_start3A_6] : memref<10240x128xf32, #tpu.memory_space<vmem>> -> memref<2560x128xf32, #tpu.memory_space<vmem>>
    %dma_start3A_8 = arith.constant 2560 : i32
    %dma_start3A_9 = arith.constant 0 : i32
    %dma_start3A_10 = tpu.memref_slice %arg1[%dma_start3A_8, %dma_start3A_9] : memref<10000x128xf32, #tpu.memory_space<any>> -> memref<2560x128xf32, #tpu.memory_space<any>>
    tpu.enqueue_dma source(%dma_start3A_10 : memref<2560x128xf32, #tpu.memory_space<any>>) target(%dma_start3A_7 : memref<2560x128xf32, #tpu.memory_space<vmem>>) target_semaphore(%arg5 : memref<!tpu.dma_semaphore, #tpu.memory_space<semaphore_mem>>)
    %dma_start3A_11 = arith.constant 5120 : i32
    %dma_start3A_12 = arith.constant 0 : i32
    %dma_start3A_13 = tpu.memref_slice %arg4[%dma_start3A_11, %dma_start3A_12] : memref<10240x128xf32, #tpu.memory_space<vmem>> -> memref<2560x128xf32, #tpu.memory_space<vmem>>
    %dma_start3A_14 = arith.constant 5120 : i32
    %dma_start3A_15 = arith.constant 0 : i32
    %dma_start3A_16 = tpu.memref_slice %arg1[%dma_start3A_14, %dma_start3A_15] : memref<10000x128xf32, #tpu.memory_space<any>> -> memref<2560x128xf32, #tpu.memory_space<any>>
    tpu.enqueue_dma source(%dma_start3A_16 : memref<2560x128xf32, #tpu.memory_space<any>>) target(%dma_start3A_13 : memref<2560x128xf32, #tpu.memory_space<vmem>>) target_semaphore(%arg5 : memref<!tpu.dma_semaphore, #tpu.memory_space<semaphore_mem>>)
    %dma_start3A_17 = arith.constant 7680 : i32
    %dma_start3A_18 = arith.constant 0 : i32
    %dma_start3A_19 = tpu.memref_slice %arg4[%dma_start3A_17, %dma_start3A_18] : memref<10240x128xf32, #tpu.memory_space<vmem>> -> memref<2320x128xf32, #tpu.memory_space<vmem>>
    %dma_start3A_20 = arith.constant 7680 : i32
    %dma_start3A_21 = arith.constant 0 : i32
    %dma_start3A_22 = tpu.memref_slice %arg1[%dma_start3A_20, %dma_start3A_21] : memref<10000x128xf32, #tpu.memory_space<any>> -> memref<2320x128xf32, #tpu.memory_space<any>>
    tpu.enqueue_dma source(%dma_start3A_22 : memref<2320x128xf32, #tpu.memory_space<any>>) target(%dma_start3A_19 : memref<2320x128xf32, #tpu.memory_space<vmem>>) target_semaphore(%arg5 : memref<!tpu.dma_semaphore, #tpu.memory_space<semaphore_mem>>)
    %dma_wait3A = arith.constant 0 : i32
    %dma_wait3A_23 = arith.constant 0 : i32
    %dma_wait3A_24 = tpu.memref_slice %arg4[%dma_wait3A, %dma_wait3A_23] : memref<10240x128xf32, #tpu.memory_space<vmem>> -> memref<2560x128xf32, #tpu.memory_space<vmem>>
    %dma_wait3A_25 = arith.constant 0 : i32
    %dma_wait3A_26 = arith.constant 0 : i32
    %dma_wait3A_27 = tpu.memref_slice %arg1[%dma_wait3A_25, %dma_wait3A_26] : memref<10000x128xf32, #tpu.memory_space<any>> -> memref<2560x128xf32, #tpu.memory_space<any>>
    tpu.wait_dma2 semaphore(%arg5 : memref<!tpu.dma_semaphore, #tpu.memory_space<semaphore_mem>>) src(%dma_wait3A_27 : memref<2560x128xf32, #tpu.memory_space<any>>) dst(%dma_wait3A_24 : memref<2560x128xf32, #tpu.memory_space<vmem>>)
    %dma_wait3A_28 = arith.constant 2560 : i32
    %dma_wait3A_29 = arith.constant 0 : i32
    %dma_wait3A_30 = tpu.memref_slice %arg4[%dma_wait3A_28, %dma_wait3A_29] : memref<10240x128xf32, #tpu.memory_space<vmem>> -> memref<2560x128xf32, #tpu.memory_space<vmem>>
    %dma_wait3A_31 = arith.constant 2560 : i32
    %dma_wait3A_32 = arith.constant 0 : i32
    %dma_wait3A_33 = tpu.memref_slice %arg1[%dma_wait3A_31, %dma_wait3A_32] : memref<10000x128xf32, #tpu.memory_space<any>> -> memref<2560x128xf32, #tpu.memory_space<any>>
    tpu.wait_dma2 semaphore(%arg5 : memref<!tpu.dma_semaphore, #tpu.memory_space<semaphore_mem>>) src(%dma_wait3A_33 : memref<2560x128xf32, #tpu.memory_space<any>>) dst(%dma_wait3A_30 : memref<2560x128xf32, #tpu.memory_space<vmem>>)
    %dma_wait3A_34 = arith.constant 5120 : i32
    %dma_wait3A_35 = arith.constant 0 : i32
    %dma_wait3A_36 = tpu.memref_slice %arg4[%dma_wait3A_34, %dma_wait3A_35] : memref<10240x128xf32, #tpu.memory_space<vmem>> -> memref<2560x128xf32, #tpu.memory_space<vmem>>
    %dma_wait3A_37 = arith.constant 5120 : i32
    %dma_wait3A_38 = arith.constant 0 : i32
    %dma_wait3A_39 = tpu.memref_slice %arg1[%dma_wait3A_37, %dma_wait3A_38] : memref<10000x128xf32, #tpu.memory_space<any>> -> memref<2560x128xf32, #tpu.memory_space<any>>
    tpu.wait_dma2 semaphore(%arg5 : memref<!tpu.dma_semaphore, #tpu.memory_space<semaphore_mem>>) src(%dma_wait3A_39 : memref<2560x128xf32, #tpu.memory_space<any>>) dst(%dma_wait3A_36 : memref<2560x128xf32, #tpu.memory_space<vmem>>)
    %dma_wait3A_40 = arith.constant 7680 : i32
    %dma_wait3A_41 = arith.constant 0 : i32
    %dma_wait3A_42 = tpu.memref_slice %arg4[%dma_wait3A_40, %dma_wait3A_41] : memref<10240x128xf32, #tpu.memory_space<vmem>> -> memref<2320x128xf32, #tpu.memory_space<vmem>>
    %dma_wait3A_43 = arith.constant 7680 : i32
    %dma_wait3A_44 = arith.constant 0 : i32
    %dma_wait3A_45 = tpu.memref_slice %arg1[%dma_wait3A_43, %dma_wait3A_44] : memref<10000x128xf32, #tpu.memory_space<any>> -> memref<2320x128xf32, #tpu.memory_space<any>>
    tpu.wait_dma2 semaphore(%arg5 : memref<!tpu.dma_semaphore, #tpu.memory_space<semaphore_mem>>) src(%dma_wait3A_45 : memref<2320x128xf32, #tpu.memory_space<any>>) dst(%dma_wait3A_42 : memref<2320x128xf32, #tpu.memory_space<vmem>>)
    %get3A = arith.constant 0 : index
    %get3A_46 = arith.constant 0 : index
    %get3A_47 = vector.load %arg0[%get3A, %get3A_46] : memref<2x256xf32, #tpu.memory_space<vmem>>, vector<2x128xf32>
    %get3A_48 = arith.constant 0 : index
    %get3A_49 = arith.constant 128 : index
    %get3A_50 = vector.load %arg0[%get3A_48, %get3A_49] : memref<2x256xf32, #tpu.memory_space<vmem>>, vector<2x128xf32>
    %concatenate3A = tpu.concatenate %get3A_47, %get3A_50 in 0 : vector<2x128xf32>, vector<2x128xf32> -> vector<4x128xf32>
    %get3A_51 = arith.constant 0 : index
    %get3A_52 = arith.constant 0 : index
    %get3A_53 = vector.load %arg4[%get3A_51, %get3A_52] : memref<10240x128xf32, #tpu.memory_space<vmem>>, vector<10240x128xf32>
    %dot_general3A = arith.constant dense<0.000000e+00> : vector<4x10240xf32>
    %dot_general3A_54 = tpu.matmul %concatenate3A, %get3A_53, %dot_general3A {dimension_numbers = #tpu.dot_dimension_numbers<[1], [1], [0], [0], [0, 0, 1, 0], [], []>, transpose_lhs_hint = false} : vector<4x128xf32>, vector<10240x128xf32>, vector<4x10240xf32> -> vector<4x10240xf32>
    %slice3A = vector.extract_strided_slice %dot_general3A_54 {offsets = [0, 0], sizes = [1, 10240], strides = [1, 1]} : vector<4x10240xf32> to vector<1x10240xf32>
    %get3A_55 = arith.constant 0 : index
    %get3A_56 = memref.load %arg2[%get3A_55] : memref<2xf32, #tpu.memory_space<smem>>
    %add3A = vector.broadcast %get3A_56 : f32 to vector<1x10240xf32>
    %add3A_57 = arith.addf %slice3A, %add3A : vector<1x10240xf32>
    %convert_element_type3A = arith.truncf %add3A_57 : vector<1x10240xf32> to vector<1x10240xbf16>
    %bitcast_convert_type3A = tpu.bitcast %convert_element_type3A : vector<1x10240xbf16> -> vector<1x10240xi16>
    %convert_element_type3A_58 = arith.extui %bitcast_convert_type3A : vector<1x10240xi16> to vector<1x10240xi32>
    %slice3A_59 = vector.extract_strided_slice %dot_general3A_54 {offsets = [1, 0], sizes = [1, 10240], strides = [1, 1]} : vector<4x10240xf32> to vector<1x10240xf32>
    %get3A_60 = arith.constant 1 : index
    %get3A_61 = memref.load %arg2[%get3A_60] : memref<2xf32, #tpu.memory_space<smem>>
    %add3A_62 = vector.broadcast %get3A_61 : f32 to vector<1x10240xf32>
    %add3A_63 = arith.addf %slice3A_59, %add3A_62 : vector<1x10240xf32>
    %convert_element_type3A_64 = arith.truncf %add3A_63 : vector<1x10240xf32> to vector<1x10240xbf16>
    %bitcast_convert_type3A_65 = tpu.bitcast %convert_element_type3A_64 : vector<1x10240xbf16> -> vector<1x10240xi16>
    %convert_element_type3A_66 = arith.extui %bitcast_convert_type3A_65 : vector<1x10240xi16> to vector<1x10240xi32>
    %slice3A_67 = vector.extract_strided_slice %dot_general3A_54 {offsets = [2, 0], sizes = [1, 10240], strides = [1, 1]} : vector<4x10240xf32> to vector<1x10240xf32>
    %convert_element_type3A_68 = arith.truncf %slice3A_67 : vector<1x10240xf32> to vector<1x10240xbf16>
    %bitcast_convert_type3A_69 = tpu.bitcast %convert_element_type3A_68 : vector<1x10240xbf16> -> vector<1x10240xi16>
    %convert_element_type3A_70 = arith.extui %bitcast_convert_type3A_69 : vector<1x10240xi16> to vector<1x10240xi32>
    %slice3A_71 = vector.extract_strided_slice %dot_general3A_54 {offsets = [3, 0], sizes = [1, 10240], strides = [1, 1]} : vector<4x10240xf32> to vector<1x10240xf32>
    %convert_element_type3A_72 = arith.truncf %slice3A_71 : vector<1x10240xf32> to vector<1x10240xbf16>
    %bitcast_convert_type3A_73 = tpu.bitcast %convert_element_type3A_72 : vector<1x10240xbf16> -> vector<1x10240xi16>
    %convert_element_type3A_74 = arith.extui %bitcast_convert_type3A_73 : vector<1x10240xi16> to vector<1x10240xi32>
    %shift_left3A = arith.constant 16 : i32
    %shift_left3A_75 = vector.broadcast %shift_left3A : i32 to vector<1x10240xi32>
    %shift_left3A_76 = arith.shli %convert_element_type3A_66, %shift_left3A_75 : vector<1x10240xi32>
    %or3A = arith.ori %convert_element_type3A_58, %shift_left3A_76 : vector<1x10240xi32>
    %swap3A = arith.constant 0 : index
    %swap3A_77 = arith.constant 0 : index
    %swap3A_78 = vector.load %arg3[%swap3A, %swap3A_77] : memref<2x10240xi32, #tpu.memory_space<vmem>>, vector<1x10240xi32>
    tpu.vector_store %arg3[%swap3A, %swap3A_77], %or3A {strides = array<i32>} : memref<2x10240xi32, #tpu.memory_space<vmem>>, vector<1x10240xi32>,
    %shift_left3A_79 = arith.constant 16 : i32
    %shift_left3A_80 = vector.broadcast %shift_left3A_79 : i32 to vector<1x10240xi32>
    %shift_left3A_81 = arith.shli %convert_element_type3A_74, %shift_left3A_80 : vector<1x10240xi32>
    %or3A_82 = arith.ori %convert_element_type3A_70, %shift_left3A_81 : vector<1x10240xi32>
    %swap3A_83 = arith.constant 1 : index
    %swap3A_84 = arith.constant 0 : index
    %swap3A_85 = vector.load %arg3[%swap3A_83, %swap3A_84] : memref<2x10240xi32, #tpu.memory_space<vmem>>, vector<1x10240xi32>
    tpu.vector_store %arg3[%swap3A_83, %swap3A_84], %or3A_82 {strides = array<i32>} : memref<2x10240xi32, #tpu.memory_space<vmem>>, vector<1x10240xi32>,
    return
  }
}

</mosaic_0001>

<sc_bundles>
// kernel: kernel.4.cloned.1.call-start
scs
__scs_entry_jumppad:
0x0: {  	(pc) =	sbr.rel $0x88, $3  }
0x1: {  	(tag) =	ssettag $0x0;
	lr =	simm.s32 $0x1  }
0x2: {  	[smem:$0x3F9D] =	sst lr;
	_ =	strace $0xD0000000  }
0x3: {  	_ = 	snop  }
0x4: {  	_ = 	snop  }
0x5: {  	_ = 	snop  }
0x6: {  	_ = 	snop  }
0x7: {  	_ = 	snop  }
__scs_overlays_trampoline_lowered:
0x8: {  	[smem:$0x3FAC] =	sst s0  }
0x9: {  	[smem:$0x3FAD] =	sst s1  }
0xa: {  	[smem:$0x3FAE] =	sst s2  }
0xb: {  	[smem:$0x3FAF] =	sst s3  }
0xc: {  	[smem:$0x3FB0] =	sst s4  }
0xd: {  	[smem:$0x3FB1] =	sst s5  }
0xe: {  	[smem:$0x3FB2] =	sst s6  }
0xf: {  	[smem:$0x3FB3] =	sst s7  }
0x10: {  	[smem:$0x3FB4] =	sst s8  }
0x11: {  	[smem:$0x3FB5] =	sst s9;
	s0 =	simm.s32 @!p0 $0x0  }
0x12: {  	s1 =	sld [smem:$0x3F9B];
	s0 =	simm.s32 @p0 $0x1  }
0x13: {  	[smem:$0x3FB6] =	sst s0;
	s0 =	simm.s32 @!p1 $0x0  }
0x14: {  	s2 =	sld [smem:$0x3F9A];
	s0 =	simm.s32 @p1 $0x1  }
0x15: {  	[smem:$0x3FB7] =	sst s0;
	s0 =	simm.s32 @!p2 $0x0  }
0x16: {  	s3 =	sld [smem:$0x3FDB];
	s0 =	simm.s32 @p2 $0x1  }
0x17: {  	s4 =	simm.s32 $0x1BF5;
	[smem:$0x3FB9] =	sst s0  }
0x18: {  	s0 =	sld [smem:$0x3F9C];
	_ =	swait.ge [sflag:s4], $0x0  }
0x19: {  	s7 =	sld [smem:$0x3F9D]  }
0x1a: {  	s8 =	sadd.s32 $0xFFFFE003, lr  }
0x1b: {  	s9 =	sadd.s32 $0xFFFFFEF7, lr;
	s5 =	simm.s32 $0xFFFFFFFF;
	p2 =	slt.u32 s8, $0xFFFFF086  }
0x1c: {  	p1 =	slt.u32 s9, $0xF7A;
	s5 =	simm.s32 @!p2 $0x0  }
0x1d: {  	s5 =	simm.s32 @p1 $0x1;
	p0 =	seq.s32 s7, s2  }
0x1e: {  	s7 =	smul.u32 @!p0 $0xF7A, s2;
	p2 =	seq.s32 @!p0 s5, $0x0  }
0x1f: {  	s9 =	smul.u32 $0xF7A, s1;
	s8 =	simm.s32 @!p0 $0x1BF5;
	p2 =	por !p2, p0  }
0x20: {  	[sflag:s8] =	ssyncset.s32 @!p0 $0xFFFFF086;
	s6 =	sadd.s32 @!p0 s3, s7;
	s7 =	simm.s32 @!p0 $0x108  }
0x21: {  	s3 =	sadd.s32 s3, s9;
	s6 =	sadd.s32 @!p0 $0x88, s6;
	s7 =	simm.s32 @p2 $0x1082  }
0x22: {  	[simem:s7], [sflag:s8] =	dma.local @!p0 [hbm:s6], $0xF7A  }
0x23: {  	s9 =	sor.u32 $0xD0000000, s2;
	s6 =	simm.s32 $0x108;
	_ =	swait.ge @!p0 [sflag:s8], $0x0  }
0x24: {  	s3 =	sadd.s32 $0x88, s3;
	s6 =	simm.s32 @!p1 $0x1082;
	[sflag:s4] =	ssyncset.s32 $0xFFFFF086  }
0x25: {  	[simem:s6], [sflag:s4] =	dma.local [hbm:s3], $0xF7A  }
0x26: {  	[smem:$0x3F9D] =	sst s1;
	(tag) =	ssettag s2;
	_ =	strace s9  }
0x27: {  	s1 =	sld [smem:$0x3FAD]  }
0x28: {  	s2 =	sld [smem:$0x3FAE]  }
0x29: {  	s4 =	sld [smem:$0x3FB0]  }
0x2a: {  	p0 =	seq.s32 s5, $0x0;
	s5 =	sld [smem:$0x3FB1]  }
0x2b: {  	s6 =	sld [smem:$0x3FB2]  }
0x2c: {  	s7 =	sld [smem:$0x3FB3]  }
0x2d: {  	s3 =	simm.s32 $0x108;
	s8 =	sld [smem:$0x3FB4]  }
0x2e: {  	s3 =	simm.s32 @!p0 $0x1082;
	s9 =	sld [smem:$0x3FB5]  }
0x2f: {  	lr =	sadd.s32 s0, s3;
	s0 =	sld [smem:$0x3FAC]  }
0x30: {  	s3 =	sld [smem:$0x3FAF]  }
0x31: {  	[smem:$0x3FB8] =	sst s10  }
0x32: {  	s10 =	sld [smem:$0x3FB6];
	_ =	sdelay $0x3  }
0x33: {  	p0 =	seq.s32 s10, $0x1;
	s10 =	sld [smem:$0x3FB8];
	_ =	sdelay $0x3  }
0x34: {  	[smem:$0x3FB8] =	sst s10  }
0x35: {  	s10 =	sld [smem:$0x3FB7];
	_ =	sdelay $0x3  }
0x36: {  	p1 =	seq.s32 s10, $0x1;
	s10 =	sld [smem:$0x3FB8];
	_ =	sdelay $0x3  }
0x37: {  	[smem:$0x3FB8] =	sst s10  }
0x38: {  	s10 =	sld [smem:$0x3FB9]  }
0x39: {  	_ = 	snop;
	(pc) =	sbr.ind lr, $3  }
0x3a: {  	_ = 	snop  }
0x3b: {  	_ = 	snop  }
0x3c: {  	p2 =	seq.s32 s10, $0x1;
	s10 =	sld [smem:$0x3FB8]  }
0x3d: {  	_ =	shalt  }
0x3e: {  	_ =	shalt  }
0x3f: {  	_ =	shalt  }
0x40: {  	_ =	shalt  }
0x41: {  	_ =	shalt  }
0x42: {  	_ =	shalt  }
0x43: {  	_ =	shalt  }
0x44: {  	_ =	shalt  }
0x45: {  	_ =	shalt  }
0x46: {  	_ =	shalt  }
0x47: {  	_ =	shalt  }
0x48: {  	_ =	shalt  }
0x49: {  	_ =	shalt  }
0x4a: {  	_ =	shalt  }
0x4b: {  	_ =	shalt  }
0x4c: {  	_ =	shalt  }
0x4d: {  	_ =	shalt  }
0x4e: {  	_ =	shalt  }
0x4f: {  	_ =	shalt  }
0x50: {  	_ =	shalt  }
0x51: {  	_ =	shalt  }
0x52: {  	_ =	shalt  }
0x53: {  	_ =	shalt  }
0x54: {  	_ =	shalt  }
0x55: {  	_ =	shalt  }
0x56: {  	_ =	shalt  }
0x57: {  	_ =	shalt  }
0x58: {  	_ =	shalt  }
0x59: {  	_ =	shalt  }
0x5a: {  	_ =	shalt  }
0x5b: {  	_ =	shalt  }
0x5c: {  	_ =	shalt  }
0x5d: {  	_ =	shalt  }
0x5e: {  	_ =	shalt  }
0x5f: {  	_ =	shalt  }
0x60: {  	_ =	shalt  }
0x61: {  	_ =	shalt  }
0x62: {  	_ =	shalt  }
0x63: {  	_ =	shalt  }
0x64: {  	_ =	shalt  }
0x65: {  	_ =	shalt  }
0x66: {  	_ =	shalt  }
0x67: {  	_ =	shalt  }
0x68: {  	_ =	shalt  }
0x69: {  	_ =	shalt  }
0x6a: {  	_ =	shalt  }
0x6b: {  	_ =	shalt  }
0x6c: {  	_ =	shalt  }
0x6d: {  	_ =	shalt  }
0x6e: {  	_ =	shalt  }
0x6f: {  	_ =	shalt  }
0x70: {  	_ =	shalt  }
0x71: {  	_ =	shalt  }
0x72: {  	_ =	shalt  }
0x73: {  	_ =	shalt  }
0x74: {  	_ =	shalt  }
0x75: {  	_ =	shalt  }
0x76: {  	_ =	shalt  }
0x77: {  	_ =	shalt  }
0x78: {  	_ =	shalt  }
0x79: {  	_ =	shalt  }
0x7a: {  	_ =	shalt  }
0x7b: {  	_ =	shalt  }
0x7c: {  	_ =	shalt  }
0x7d: {  	_ =	shalt  }
0x7e: {  	_ =	shalt  }
0x7f: {  	_ =	shalt  }
0x80: {  	_ =	shalt  }
0x81: {  	_ =	shalt  }
0x82: {  	_ =	shalt  }
0x83: {  	_ =	shalt  }
0x84: {  	_ =	shalt  }
0x85: {  	_ =	shalt  }
0x86: {  	_ =	shalt  }
0x87: {  	_ =	shalt  }
.Lfunc_end0:
.L_simem_size_0:
called_computation_lowered:
.L_overlay_start_0:
0x88: {  	s2 =	sld [smem:$0x3FD9]  }
0x89: {  	s3 =	sld [smem:$0x3FFE];
	_ =	sdelay $0x1  }
0x8a: {  	s1 =	srdreg.scid  }
0x8b: {  	s0 =	sand.u32 $0x1, s1  }
0x8c: {  	s17 =	sshll.u32 s0, $0xA;
	s2 =	sadd.s32 s3, s2  }
0x8d: {  	s2 =	sadd.s32 s2, s17  }
0x8e: {  	[smem:$0x3FC4] =	sst s2  }
0x8f: {  	_ = 	snop  }
0x90: {  	s2 =	sld [smem:$0x3FC8]  }
0x91: {  	s18 =	sld [smem:$0x3FD0];
	(tm) =	ssettm $0x1  }
0x92: {  	s4 =	sld [smem:$0x3FFB];
	_ =	sdelay $0x3  }
0x93: {  	_ =	strace s4  }
0x94: {  	s4 =	sld [smem:$0x3FFC];
	_ =	sdelay $0x3  }
0x95: {  	_ =	strace s4  }
0x96: {  	s4 =	sld [smem:$0x3FFD];
	_ =	sdelay $0x3  }
0x97: {  	_ =	strace s4  }
0x98: {  	_ =	strace $0x8FFFFFFF  }
0x99: {  	s19 =	sld [smem:$0x3FDB];
	_ =	sdelay $0x1  }
0x9a: {  	s5 =	simm.s32 $_scs_section_size  }
0x9b: {  	s6 =	simm.s32 $_size__tile_overlayer_lowered;
	s7 =	simm.s32 $_tile_overlayer_lowered  }
0x9c: {  	s22 =	simm.s32 $0x1BFF;
	s21 =	sshll.u32 s7, $0x1;
	s4 =	sadd.s32 s5, s19  }
0x9d: {  	s8 =	simm.s32 $0x0;
	s20 =	sshll.u32 s6, $0x1;
	s6 =	sadd.s32 s21, s4  }
0x9e: {  	[timem:s8], [sflag:s22] =	dma.local [hbm:s6], s20  }
0x9f: {  	_ =	swait.ge [sflag:s22], s20  }
0xa0: {  	s5 =	ssub.s32 $0x0, s20;
	[sflag:s22] =	ssyncset.done $0x0  }
0xa1: {  	[sflag:s22] =	ssyncadd.s32 s5;
	_ =	sdelay $0x1  }
0xa2: {  	s23 =	simm.s32 $0x1B8B  }
0xa3: {  	_ =	swait.ge [sflag:s23], $0x1  }
0xa4: {  	[sflag:s23] =	ssyncset.done $0x0  }
0xa5: {  	s25 =	simm.s32 $0x1B8E;
	s24 =	sld [smem:$0x3FFE];
	[sflag:s23] =	ssyncadd.s32 $0xFFFFFFFF  }
0xa6: {  	s26 =	simm.s32 $execute0_lowered;
	[smem:$0x3FD2] =	sst s25  }
0xa7: {  	s6 =	sshll.u32 s26, $0x1;
	_ =	strace $0x80000046;
	[dreg:$0x1] =	wrdreg $0xFFFFFFFF  }
0xa8: {  	s28 =	simm.s32 $_size_execute0_lowered;
	s4 =	sadd.s32 s4, s6;
	[dreg:$0x0] =	wrdreg $0x0  }
0xa9: {  	s6 =	sshll.u32 s28, $0x1;
	[dreg:$0x2] =	wrdreg s4  }
0xaa: {  	[dreg:$0x3] =	wrdreg s6  }
0xab: {  	[dreg:$0x4] =	wrdreg $0xC0  }
0xac: {  	_ =	task [dreg:s8], $0x5FFFF  }
0xad: {  	[dreg:$0x1] =	wrdreg $0xFFFFFFFF  }
0xae: {  	[dreg:$0x0] =	wrdreg $0x60  }
0xaf: {  	[dreg:$0x2] =	wrdreg s24  }
0xb0: {  	[dreg:$0x3] =	wrdreg s2  }
0xb1: {  	[dreg:$0x4] =	wrdreg s18  }
0xb2: {  	[dreg:$0x5] =	wrdreg $0x9  }
0xb3: {  	_ =	task.clear_ibuf [dreg:s8], $0x6FFFF;
	_ =	strace $0x90000046  }
0xb4: {  	s29 =	simm.s32 $0x9;
	_ =	strace $0x80000048  }
0xb5: {  	_ =	swait.ge [sflag:s29], $0x1  }
0xb6: {  	[sflag:s29] =	ssyncadd.s32 $0xFFFFFFFF  }
0xb7: {  	_ =	strace $0x90000048  }
0xb8: {  	_ =	sfence  }
0xb9: {  	s30 =	sld [smem:$0x0];
	_ =	sdelay $0x2  }
0xba: {  	s31 =	sshll.u32 s1, $0xD;
	s1 =	sshrl.u32 s1, $0x2  }
0xbb: {  	s3 =	sand.u32 $0x4000, s31;
	s1 =	sadd.s32 s1, s30  }
0xbc: {  	s0 =	sor.u32 s3, s0;
	s1 =	sshll.u32 s1, $0x11  }
0xbd: {  	s0 =	sor.u32 s1, s0  }
0xbe: {  	s0 =	sadd.s32 $0x8F2B, s0  }
0xbf: {  	[sflag:s0] =	ssyncadd.remote.s32 $0x1  }
0xc0: {  	_ =	sfence.sel $0xFFFF  }
0xc1: {  	[dreg:$0x0] =	wrdreg $0xFFFFFFFF;
	(pc) =	sbr.abs _section_cstart, $3  }
0xc2: {  	[dreg:$0x1] =	wrdreg $0xFFFFFFFF  }
0xc3: {  	_ =	task.clear_ibuf [dreg:s8], $0x2FFFF;
	_ =	strace $0x9FFFFFFF  }
0xc4: {  	(tm) =	ssettm $0x7FFFFFFF  }
0xc5: {  	_ =	shalt  }
tec
execute0_lowered:
.L_overlay_start_1:
0x0: {  	(tag) =	ssettag $0x1  }
0x1: {  	s0 =	srdreg.scid;
	s5 =	rddreg [dreg:$0x0]  }
0x2: {  	s1 =	stileid.u32;
	s7 =	rddreg [dreg:$0x1]  }
0x3: {  	s10 =	rddreg [dreg:$0x2];
	s2 =	simm.s32 $0x0;
	s12 =	simm.s32 $0x80  }
0x4: {  	s13 =	simm.s32 $0x100;
	s0 =	sand.u32 $0x1, s0;
	s1 =	sshll.u32 s1, $0x1  }
0x5: {  	s17 =	simm.s32 $0x6400;
	s18 =	simm.s32 $0x8B80;
	s1 =	sor.u32 s0, s1  }
0x6: {  	s19 =	simm.s32 $0x1;
	s20 =	simm.s32 $0x9F00;
	s1 =	smul.u32 $0x975, s1  }
0x7: {  	s21 =	simm.s32 $0x2;
	s22 =	simm.s32 $0xC700;
	s23 =	simm.s32 $0x3  }
0x8: {  	s24 =	simm.s32 $0x0;
	[smem:$0x7FF] =	sst s2;
	s1 =	smulhi.u32 $0x8421085, s1  }
0x9: {  	s3 =	sadd.s32 $0xC00, s5;
	s5 =	sadd.s32 $0xC10, s5;
	s0 =	ssub.s32 $0x2, s0  }
0xa: {  	_ =	strace $0x80000047;
	s4 =	sshrl.u32 s0, $0x1;
	s1 =	sshll.u32 s1, $0x5  }
0xb: {  	s0 =	ssub.s32 s0, s4;
	s4 =	sadd.s32 s7, s1;
	s11 =	sadd.s32 $0x500, s1  }
0xc: {  	s9 =	sadd.s32 s10, s1;
	s6 =	sadd.s32 $0x10, s4;
	s7 =	sadd.s32 s7, s11  }
0xd: {  	s8 =	sadd.s32 $0x510, s4;
	s10 =	sadd.s32 s10, s11;
	s11 =	smax.u32 s0, $0x1  }
.LBB2_1:
0xe: {  	[tilespmem:s2], [sflag:$0x1] =	stream.strided.gather [hbm4b:s3+s12], $0x2800, s13, s12, $0x38;
	[tilespmem:$0xEE00] =	vst v63  }
0xf: {  	s0 =	simm.s32 $0x2800  }
0x10: {  	[tilespmem:s0], [sflag:$0x1] =	stream.strided.gather [hbm4b:s5+s12], $0x2800, s13, s12, $0x38;
	[tilespmem:$0xEE00] =	vst v63  }
0x11: {  	s25 =	simm.s32 $0x5000  }
0x12: {  	[tilespmem:s25], [sflag:$0x1] =	stream.strided.gather [hbm4b:s4+s12], $0x1400, s13, s12, $0x38;
	[tilespmem:$0xEE00] =	vst v63  }
0x13: {  	s26 =	simm.s32 $0x7780  }
0x14: {  	[tilespmem:s26], [sflag:$0x1] =	stream.strided.gather [hbm4b:s6+s12], $0x1400, s13, s12, $0x38;
	[tilespmem:$0xEE00] =	vst v63  }
0x15: {  	_ = 	snop  }
0x16: {  	[tilespmem:s17], [sflag:$0x2] =	stream.strided.gather [hbm4b:s7+s12], $0x1380, s13, s12, $0x38;
	[tilespmem:$0xEE00] =	vst v63  }
0x17: {  	_ = 	snop  }
0x18: {  	[tilespmem:s18], [sflag:$0x2] =	stream.strided.gather [hbm4b:s8+s12], $0x1380, s13, s12, $0x38;
	[tilespmem:$0xEE00] =	vst v63  }
0x19: {  	_ =	swait.ge [sflag:s19], $0x2800  }
0x1a: {  	[sflag:s19] =	ssyncset.done $0x0  }
0x1b: {  	[sflag:s19] =	ssyncadd.s32 $0xFFFFD800  }
0x1c: {  	_ =	swait.ge [sflag:s19], $0x2800  }
0x1d: {  	[sflag:s19] =	ssyncset.done $0x0  }
0x1e: {  	[sflag:s19] =	ssyncadd.s32 $0xFFFFD800  }
0x1f: {  	_ =	swait.ge [sflag:s19], $0x1400  }
0x20: {  	[sflag:s19] =	ssyncset.done $0x0  }
0x21: {  	[sflag:s19] =	ssyncadd.s32 $0xFFFFEC00  }
0x22: {  	_ =	swait.ge [sflag:s19], $0x1400  }
0x23: {  	[sflag:s19] =	ssyncset.done $0x0  }
0x24: {  	s1 =	simm.s32 $0x7880;
	[sflag:s19] =	ssyncadd.s32 $0xFFFFEC00  }
0x25: {  	s31 =	simm.s32 $0x5100;
	v0 =	vld [tilespmem:s1+$0x80]  }
0x26: {  	v1 =	vld [tilespmem:s31+$0x80];
	_ =	sdelay $0x3  }
0x27: {  	v0 =	vadd.s32 $0x2800, v0;
	_ =	sdelay $0x1  }
0x28: {  	v2 =	vld [tilespmem:s1+$0xFFFFFF80]  }
0x29: {  	v3 =	vld [tilespmem:s31+$0xFFFFFF80]  }
0x2a: {  	v1 =	vld.idx.msk [tilespmem:v1+s2+$0x0], $0xffff  }
0x2b: {  	v0 =	vld.idx.msk [tilespmem:v0+s2+$0x0], $0xffff;
	_ =	sdelay $0x1  }
0x2c: {  	v2 =	vadd.s32 $0x2800, v2  }
0x2d: {  	v4 =	vld [tilespmem:s1+$0xFFFFFF00]  }
0x2e: {  	v5 =	vld [tilespmem:s1+$0x0]  }
0x2f: {  	v9 =	vld [tilespmem:s31+$0xFFFFFF00];
	v7 =	vunpack.i.l.bf16.f32 v1;
	v8 =	vunpack.i.l.bf16.f32 v0  }
0x30: {  	v3 =	vld.idx.msk [tilespmem:v3+s2+$0x0], $0xffff;
	v1 =	vunpack.i.u.bf16.f32 v1;
	v0 =	vunpack.i.u.bf16.f32 v0;
	v7 =	vadd.f32 v8, v7  }
0x31: {  	s25 =	simm.s32 $0xA100;
	v2 =	vld.idx.msk [tilespmem:v2+s2+$0x0], $0xffff;
	v0 =	vadd.f32 v0, v1  }
0x32: {  	v6 =	vld [tilespmem:s31+$0x0];
	[tilespmem:s25+$0x100] =	vst v7  }
0x33: {  	v1 =	vadd.s32 $0x2800, v4;
	[tilespmem:s25+$0x180] =	vst v0  }
0x34: {  	v0 =	vadd.s32 $0x2800, v5;
	v4 =	vld [tilespmem:s1+$0x90]  }
0x35: {  	v5 =	vld [tilespmem:s31+$0x90]  }
0x36: {  	v8 =	vunpack.i.l.bf16.f32 v3;
	v7 =	vunpack.i.l.bf16.f32 v2  }
0x37: {  	v7 =	vadd.f32 v7, v8;
	v8 =	vld.idx.msk [tilespmem:v9+s2+$0x0], $0xffff  }
0x38: {  	v3 =	vunpack.i.u.bf16.f32 v3;
	v2 =	vunpack.i.u.bf16.f32 v2;
	v1 =	vld.idx.msk [tilespmem:v1+s2+$0x0], $0xffff  }
0x39: {  	v2 =	vadd.f32 v2, v3;
	v0 =	vld.idx.msk [tilespmem:v0+s2+$0x0], $0xffff;
	v3 =	vadd.s32 $0x2800, v4  }
0x3a: {  	[tilespmem:s25+$0xFFFFFF00] =	vst v7;
	v4 =	vld.idx.msk [tilespmem:v6+s2+$0x0], $0xffff  }
0x3b: {  	[tilespmem:s25+$0xFFFFFF80] =	vst v2  }
0x3c: {  	v2 =	vld [tilespmem:s1+$0xFFFFFF90]  }
0x3d: {  	v7 =	vunpack.i.l.bf16.f32 v8;
	v6 =	vunpack.i.l.bf16.f32 v1;
	v5 =	vld.idx.msk [tilespmem:v5+s2+$0x0], $0xffff  }
0x3e: {  	v8 =	vunpack.i.u.bf16.f32 v8;
	v1 =	vunpack.i.u.bf16.f32 v1;
	v6 =	vadd.f32 v6, v7;
	v3 =	vld.idx.msk [tilespmem:v3+s2+$0x0], $0xffff  }
0x3f: {  	v1 =	vadd.f32 v1, v8;
	v7 =	vunpack.i.l.bf16.f32 v0;
	v9 =	vunpack.i.l.bf16.f32 v4  }
0x40: {  	v0 =	vunpack.i.u.bf16.f32 v0;
	v4 =	vunpack.i.u.bf16.f32 v4;
	[tilespmem:s25+$0xFFFFFE00] =	vst v6;
	v7 =	vadd.f32 v7, v9  }
0x41: {  	[tilespmem:s25+$0xFFFFFE80] =	vst v1;
	v0 =	vadd.f32 v0, v4;
	v4 =	vld [tilespmem:s31+$0xFFFFFF90]  }
0x42: {  	v1 =	vadd.s32 $0x2800, v2;
	v2 =	vld [tilespmem:s1+$0xFFFFFF10];
	[tilespmem:s25+$0x0] =	vst v7  }
0x43: {  	[tilespmem:s25+$0x80] =	vst v0;
	v0 =	vunpack.i.l.bf16.f32 v5;
	v6 =	vunpack.i.l.bf16.f32 v3  }
0x44: {  	v5 =	vunpack.i.u.bf16.f32 v5;
	v7 =	vld [tilespmem:s1+$0x10];
	v3 =	vunpack.i.u.bf16.f32 v3;
	v0 =	vadd.f32 v6, v0  }
0x45: {  	v6 =	vld [tilespmem:s31+$0xFFFFFF10];
	v3 =	vadd.f32 v3, v5  }
0x46: {  	v5 =	vld [tilespmem:s31+$0x10];
	[tilespmem:s25+$0x110] =	vst v0  }
0x47: {  	v0 =	vld.idx.msk [tilespmem:v1+s2+$0x0], $0xffff;
	v1 =	vadd.s32 $0x2800, v2;
	[tilespmem:s25+$0x190] =	vst v3  }
0x48: {  	v2 =	vld [tilespmem:s1+$0xA0]  }
0x49: {  	v3 =	vld [tilespmem:s31+$0xA0]  }
0x4a: {  	v4 =	vld.idx.msk [tilespmem:v4+s2+$0x0], $0xffff;
	v7 =	vadd.s32 $0x2800, v7;
	_ =	sdelay $0x1  }
0x4b: {  	v1 =	vld.idx.msk [tilespmem:v1+s2+$0x0], $0xffff  }
0x4c: {  	v6 =	vld.idx.msk [tilespmem:v6+s2+$0x0], $0xffff;
	v2 =	vadd.s32 $0x2800, v2  }
0x4d: {  	v5 =	vld.idx.msk [tilespmem:v5+s2+$0x0], $0xffff  }
0x4e: {  	v8 =	vunpack.i.l.bf16.f32 v0;
	v9 =	vunpack.i.l.bf16.f32 v4;
	v7 =	vld.idx.msk [tilespmem:v7+s2+$0x0], $0xffff  }
0x4f: {  	v0 =	vunpack.i.u.bf16.f32 v0;
	v4 =	vunpack.i.u.bf16.f32 v4;
	v8 =	vadd.f32 v8, v9  }
0x50: {  	v0 =	vadd.f32 v0, v4;
	v3 =	vld.idx.msk [tilespmem:v3+s2+$0x0], $0xffff  }
0x51: {  	[tilespmem:s25+$0xFFFFFF10] =	vst v8;
	v4 =	vunpack.i.l.bf16.f32 v1;
	v8 =	vunpack.i.l.bf16.f32 v6;
	v2 =	vld.idx.msk [tilespmem:v2+s2+$0x0], $0xffff  }
0x52: {  	[tilespmem:s25+$0xFFFFFF90] =	vst v0;
	v0 =	vunpack.i.u.bf16.f32 v1;
	v1 =	vunpack.i.u.bf16.f32 v6;
	v4 =	vadd.f32 v4, v8  }
0x53: {  	v6 =	vunpack.i.l.bf16.f32 v5;
	v9 =	vunpack.i.l.bf16.f32 v7;
	v8 =	vld [tilespmem:s1+$0xFFFFFFA0];
	v0 =	vadd.f32 v0, v1  }
0x54: {  	v1 =	vunpack.i.u.bf16.f32 v5;
	v5 =	vunpack.i.u.bf16.f32 v7;
	v6 =	vadd.f32 v9, v6;
	[tilespmem:s25+$0xFFFFFE10] =	vst v4  }
0x55: {  	v1 =	vadd.f32 v5, v1;
	v4 =	vld [tilespmem:s31+$0xFFFFFFA0];
	[tilespmem:s25+$0xFFFFFE90] =	vst v0  }
0x56: {  	[tilespmem:s25+$0x10] =	vst v6;
	v5 =	vunpack.i.l.bf16.f32 v3;
	v0 =	vld [tilespmem:s1+$0xFFFFFF20];
	v6 =	vunpack.i.l.bf16.f32 v2  }
0x57: {  	[tilespmem:s25+$0x90] =	vst v1;
	v1 =	vunpack.i.u.bf16.f32 v3;
	v2 =	vunpack.i.u.bf16.f32 v2;
	v3 =	vadd.f32 v6, v5  }
0x58: {  	v5 =	vadd.s32 $0x2800, v8;
	v6 =	vld [tilespmem:s1+$0x20];
	v1 =	vadd.f32 v2, v1  }
0x59: {  	v2 =	vld [tilespmem:s31+$0xFFFFFF20];
	[tilespmem:s25+$0x120] =	vst v3  }
0x5a: {  	v3 =	vld [tilespmem:s31+$0x20];
	[tilespmem:s25+$0x1A0] =	vst v1  }
0x5b: {  	v0 =	vadd.s32 $0x2800, v0;
	v1 =	vld [tilespmem:s1+$0xB0]  }
0x5c: {  	v7 =	vld [tilespmem:s31+$0xB0]  }
0x5d: {  	v5 =	vld.idx.msk [tilespmem:v5+s2+$0x0], $0xffff;
	v6 =	vadd.s32 $0x2800, v6  }
0x5e: {  	v4 =	vld.idx.msk [tilespmem:v4+s2+$0x0], $0xffff;
	_ =	sdelay $0x1  }
0x5f: {  	v0 =	vld.idx.msk [tilespmem:v0+s2+$0x0], $0xffff;
	v1 =	vadd.s32 $0x2800, v1  }
0x60: {  	v2 =	vld.idx.msk [tilespmem:v2+s2+$0x0], $0xffff  }
0x61: {  	v6 =	vld.idx.msk [tilespmem:v6+s2+$0x0], $0xffff  }
0x62: {  	v8 =	vunpack.i.l.bf16.f32 v5;
	v9 =	vunpack.i.l.bf16.f32 v4;
	v3 =	vld.idx.msk [tilespmem:v3+s2+$0x0], $0xffff  }
0x63: {  	v5 =	vunpack.i.u.bf16.f32 v5;
	v4 =	vunpack.i.u.bf16.f32 v4;
	v8 =	vadd.f32 v8, v9;
	v7 =	vld.idx.msk [tilespmem:v7+s2+$0x0], $0xffff  }
0x64: {  	v4 =	vadd.f32 v5, v4;
	v1 =	vld.idx.msk [tilespmem:v1+s2+$0x0], $0xffff  }
0x65: {  	[tilespmem:s25+$0xFFFFFF20] =	vst v8;
	v5 =	vunpack.i.l.bf16.f32 v0;
	v8 =	vunpack.i.l.bf16.f32 v2  }
0x66: {  	[tilespmem:s25+$0xFFFFFFA0] =	vst v4;
	v0 =	vunpack.i.u.bf16.f32 v0;
	v2 =	vunpack.i.u.bf16.f32 v2;
	v4 =	vadd.f32 v5, v8  }
0x67: {  	v5 =	vld [tilespmem:s1+$0xFFFFFFB0];
	v0 =	vadd.f32 v0, v2;
	v8 =	vunpack.i.l.bf16.f32 v6;
	v9 =	vunpack.i.l.bf16.f32 v3  }
0x68: {  	v2 =	vunpack.i.u.bf16.f32 v6;
	v3 =	vunpack.i.u.bf16.f32 v3;
	v6 =	vadd.f32 v8, v9;
	[tilespmem:s25+$0xFFFFFE20] =	vst v4  }
0x69: {  	v4 =	vld [tilespmem:s31+$0xFFFFFFB0];
	v2 =	vadd.f32 v2, v3;
	[tilespmem:s25+$0xFFFFFEA0] =	vst v0;
	v0 =	vunpack.i.l.bf16.f32 v7;
	v3 =	vunpack.i.l.bf16.f32 v1  }
0x6a: {  	v8 =	vld [tilespmem:s1+$0xFFFFFF30];
	[tilespmem:s25+$0x20] =	vst v6;
	v6 =	vunpack.i.u.bf16.f32 v7;
	v1 =	vunpack.i.u.bf16.f32 v1;
	v0 =	vadd.f32 v3, v0  }
0x6b: {  	[tilespmem:s25+$0xA0] =	vst v2;
	v3 =	vld [tilespmem:s31+$0xFFFFFF30];
	v1 =	vadd.f32 v1, v6  }
0x6c: {  	v2 =	vadd.s32 $0x2800, v5;
	v5 =	vld [tilespmem:s1+$0x30];
	[tilespmem:s25+$0x130] =	vst v0  }
0x6d: {  	v0 =	vld [tilespmem:s31+$0x30];
	[tilespmem:s25+$0x1B0] =	vst v1  }
0x6e: {  	v1 =	vld [tilespmem:s1+$0xC0]  }
0x6f: {  	v6 =	vadd.s32 $0x2800, v8;
	v7 =	vld [tilespmem:s31+$0xC0];
	_ =	sdelay $0x1  }
0x70: {  	v2 =	vld.idx.msk [tilespmem:v2+s2+$0x0], $0xffff;
	v5 =	vadd.s32 $0x2800, v5  }
0x71: {  	v4 =	vld.idx.msk [tilespmem:v4+s2+$0x0], $0xffff  }
0x72: {  	v3 =	vld.idx.msk [tilespmem:v3+s2+$0x0], $0xffff;
	v1 =	vadd.s32 $0x2800, v1  }
0x73: {  	v6 =	vld.idx.msk [tilespmem:v6+s2+$0x0], $0xffff  }
0x74: {  	v0 =	vld.idx.msk [tilespmem:v0+s2+$0x0], $0xffff  }
0x75: {  	v5 =	vld.idx.msk [tilespmem:v5+s2+$0x0], $0xffff  }
0x76: {  	v8 =	vunpack.i.l.bf16.f32 v2;
	v9 =	vunpack.i.l.bf16.f32 v4;
	v7 =	vld.idx.msk [tilespmem:v7+s2+$0x0], $0xffff  }
0x77: {  	v2 =	vunpack.i.u.bf16.f32 v2;
	v4 =	vunpack.i.u.bf16.f32 v4;
	v8 =	vadd.f32 v8, v9;
	v1 =	vld.idx.msk [tilespmem:v1+s2+$0x0], $0xffff  }
0x78: {  	v2 =	vadd.f32 v2, v4;
	v4 =	vunpack.i.l.bf16.f32 v3;
	v9 =	vunpack.i.l.bf16.f32 v6  }
0x79: {  	v3 =	vunpack.i.u.bf16.f32 v3;
	v6 =	vunpack.i.u.bf16.f32 v6;
	[tilespmem:s25+$0xFFFFFF30] =	vst v8;
	v4 =	vadd.f32 v9, v4  }
0x7a: {  	[tilespmem:s25+$0xFFFFFFB0] =	vst v2;
	v3 =	vadd.f32 v6, v3;
	v2 =	vunpack.i.l.bf16.f32 v0;
	v6 =	vunpack.i.l.bf16.f32 v5  }
0x7b: {  	v8 =	vld [tilespmem:s1+$0xFFFFFFC0];
	v0 =	vunpack.i.u.bf16.f32 v0;
	v5 =	vunpack.i.u.bf16.f32 v5;
	[tilespmem:s25+$0xFFFFFE30] =	vst v4;
	v2 =	vadd.f32 v6, v2  }
0x7c: {  	v4 =	vld [tilespmem:s31+$0xFFFFFFC0];
	v0 =	vadd.f32 v5, v0;
	[tilespmem:s25+$0xFFFFFEB0] =	vst v3;
	v3 =	vunpack.i.l.bf16.f32 v7;
	v5 =	vunpack.i.l.bf16.f32 v1  }
0x7d: {  	v6 =	vld [tilespmem:s1+$0xFFFFFF40];
	[tilespmem:s25+$0x30] =	vst v2;
	v2 =	vunpack.i.u.bf16.f32 v7;
	v1 =	vunpack.i.u.bf16.f32 v1;
	v3 =	vadd.f32 v5, v3  }
0x7e: {  	[tilespmem:s25+$0xB0] =	vst v0;
	v5 =	vld [tilespmem:s31+$0xFFFFFF40];
	v0 =	vadd.f32 v1, v2  }
0x7f: {  	v1 =	vld [tilespmem:s1+$0x40];
	[tilespmem:s25+$0x140] =	vst v3  }
0x80: {  	v2 =	vadd.s32 $0x2800, v8;
	v3 =	vld [tilespmem:s31+$0x40];
	[tilespmem:s25+$0x1C0] =	vst v0  }
0x81: {  	v0 =	vld [tilespmem:s1+$0xD0]  }
0x82: {  	v6 =	vadd.s32 $0x2800, v6;
	v7 =	vld [tilespmem:s31+$0xD0];
	_ =	sdelay $0x1  }
0x83: {  	v4 =	vld.idx.msk [tilespmem:v4+s2+$0x0], $0xffff;
	v1 =	vadd.s32 $0x2800, v1  }
0x84: {  	v2 =	vld.idx.msk [tilespmem:v2+s2+$0x0], $0xffff  }
0x85: {  	v5 =	vld.idx.msk [tilespmem:v5+s2+$0x0], $0xffff;
	v0 =	vadd.s32 $0x2800, v0  }
0x86: {  	v6 =	vld.idx.msk [tilespmem:v6+s2+$0x0], $0xffff  }
0x87: {  	v3 =	vld.idx.msk [tilespmem:v3+s2+$0x0], $0xffff  }
0x88: {  	v1 =	vld.idx.msk [tilespmem:v1+s2+$0x0], $0xffff  }
0x89: {  	v8 =	vunpack.i.l.bf16.f32 v4;
	v7 =	vld.idx.msk [tilespmem:v7+s2+$0x0], $0xffff  }
0x8a: {  	v9 =	vunpack.i.l.bf16.f32 v2;
	v4 =	vunpack.i.u.bf16.f32 v4;
	v2 =	vunpack.i.u.bf16.f32 v2;
	v0 =	vld.idx.msk [tilespmem:v0+s2+$0x0], $0xffff  }
0x8b: {  	v8 =	vadd.f32 v9, v8;
	v2 =	vadd.f32 v2, v4;
	v4 =	vunpack.i.l.bf16.f32 v5  }
0x8c: {  	v9 =	vunpack.i.l.bf16.f32 v6;
	v5 =	vunpack.i.u.bf16.f32 v5;
	v6 =	vunpack.i.u.bf16.f32 v6  }
0x8d: {  	s26 =	simm.s32 $0x7A80;
	[tilespmem:s25+$0xFFFFFFC0] =	vst v2;
	v5 =	vadd.f32 v6, v5;
	v2 =	vunpack.i.l.bf16.f32 v3;
	v6 =	vunpack.i.l.bf16.f32 v1  }
0x8e: {  	v10 =	vld [tilespmem:s26+$0xFFFFFF00];
	v3 =	vunpack.i.u.bf16.f32 v3;
	v1 =	vunpack.i.u.bf16.f32 v1;
	v2 =	vadd.f32 v6, v2  }
0x8f: {  	s29 =	simm.s32 $0x5300;
	v11 =	vld [tilespmem:s26+$0xFFFFFF80];
	v1 =	vadd.f32 v1, v3;
	[tilespmem:s25+$0xFFFFFEC0] =	vst v5;
	v3 =	vunpack.i.l.bf16.f32 v7;
	v5 =	vunpack.i.l.bf16.f32 v0  }
0x90: {  	v13 =	vld [tilespmem:s29+$0xFFFFFF80];
	[tilespmem:s25+$0x40] =	vst v2;
	v2 =	vunpack.i.u.bf16.f32 v7;
	v0 =	vunpack.i.u.bf16.f32 v0;
	v3 =	vadd.f32 v5, v3  }
0x91: {  	v14 =	vld [tilespmem:s29+$0x0];
	v0 =	vadd.f32 v0, v2  }
0x92: {  	v15 =	vld [tilespmem:s29+$0xFFFFFF00];
	[tilespmem:s25+$0x150] =	vst v3  }
0x93: {  	v12 =	vld [tilespmem:s26+$0x0];
	[tilespmem:s25+$0x1D0] =	vst v0  }
0x94: {  	v0 =	vld [tilespmem:s1+$0xE0]  }
0x95: {  	v2 =	vld [tilespmem:s31+$0xE0]  }
0x96: {  	v10 =	vadd.s32 $0x2800, v10;
	v3 =	vld [tilespmem:s26+$0x80]  }
0x97: {  	v11 =	vadd.s32 $0x2800, v11;
	v4 =	vadd.f32 v9, v4;
	v9 =	vld [tilespmem:s29+$0x80]  }
0x98: {  	v13 =	vld.idx.msk [tilespmem:v13+s2+$0x0], $0xffff  }
0x99: {  	v14 =	vld.idx.msk [tilespmem:v14+s2+$0x0], $0xffff;
	v0 =	vadd.s32 $0x2800, v0  }
0x9a: {  	v15 =	vld.idx.msk [tilespmem:v15+s2+$0x0], $0xffff  }
0x9b: {  	v10 =	vld.idx.msk [tilespmem:v10+s2+$0x0], $0xffff;
	v3 =	vadd.s32 $0x2800, v3  }
0x9c: {  	v12 =	vadd.s32 $0x2800, v12;
	v11 =	vld.idx.msk [tilespmem:v11+s2+$0x0], $0xffff  }
0x9d: {  	v2 =	vld.idx.msk [tilespmem:v2+s2+$0x0], $0xffff  }
0x9e: {  	v0 =	vld.idx.msk [tilespmem:v0+s2+$0x0], $0xffff  }
0x9f: {  	v9 =	vld.idx.msk [tilespmem:v9+s2+$0x0], $0xffff  }
0xa0: {  	v3 =	vld.idx.msk [tilespmem:v3+s2+$0x0], $0xffff  }
0xa1: {  	v12 =	vld.idx.msk [tilespmem:v12+s2+$0x0], $0xffff;
	[tilespmem:s25+$0xFFFFFF40] =	vst v8  }
0xa2: {  	v8 =	vld [tilespmem:s1+$0xFFFFFFD0];
	[tilespmem:s25+$0xC0] =	vst v1  }
0xa3: {  	[tilespmem:s25+$0xFFFFFE40] =	vst v4;
	v1 =	vld [tilespmem:s1+$0x50];
	v16 =	vunpack.i.l.bf16.f32 v2;
	v17 =	vunpack.i.l.bf16.f32 v0  }
0xa4: {  	v6 =	vld [tilespmem:s1+$0xFFFFFF50];
	v2 =	vunpack.i.u.bf16.f32 v2;
	v0 =	vunpack.i.u.bf16.f32 v0;
	v16 =	vadd.f32 v17, v16  }
0xa5: {  	v4 =	vld [tilespmem:s31+$0xFFFFFFD0];
	v18 =	vunpack.i.l.bf16.f32 v3;
	v17 =	vunpack.i.l.bf16.f32 v9;
	v0 =	vadd.f32 v0, v2  }
0xa6: {  	v5 =	vld [tilespmem:s31+$0xFFFFFF50];
	v3 =	vunpack.i.u.bf16.f32 v3;
	v2 =	vunpack.i.u.bf16.f32 v9;
	v9 =	vadd.f32 v18, v17;
	[tilespmem:s25+$0x160] =	vst v16  }
0xa7: {  	s28 =	simm.s32 $0xA500;
	v7 =	vld [tilespmem:s31+$0x50];
	v8 =	vadd.s32 $0x2800, v8;
	v2 =	vadd.f32 v3, v2;
	[tilespmem:s25+$0x1E0] =	vst v0  }
0xa8: {  	v0 =	vadd.s32 $0x2800, v1;
	[tilespmem:s28+$0x100] =	vst v9;
	v1 =	vld [tilespmem:s1+$0xF0]  }
0xa9: {  	v6 =	vadd.s32 $0x2800, v6;
	[tilespmem:s28+$0x180] =	vst v2;
	v2 =	vld [tilespmem:s31+$0xF0]  }
0xaa: {  	v3 =	vunpack.i.l.bf16.f32 v11;
	v9 =	vunpack.i.l.bf16.f32 v13;
	v16 =	vld [tilespmem:s26+$0x90]  }
0xab: {  	v11 =	vunpack.i.u.bf16.f32 v11;
	v13 =	vunpack.i.u.bf16.f32 v13;
	v3 =	vadd.f32 v3, v9;
	v9 =	vld [tilespmem:s29+$0x90]  }
0xac: {  	v8 =	vld.idx.msk [tilespmem:v8+s2+$0x0], $0xffff;
	v11 =	vadd.f32 v11, v13  }
0xad: {  	v4 =	vld.idx.msk [tilespmem:v4+s2+$0x0], $0xffff;
	[tilespmem:s28+$0xFFFFFF00] =	vst v3  }
0xae: {  	v6 =	vld.idx.msk [tilespmem:v6+s2+$0x0], $0xffff;
	[tilespmem:s28+$0xFFFFFF80] =	vst v11  }
0xaf: {  	v11 =	vld [tilespmem:s26+$0xFFFFFF90];
	v1 =	vadd.s32 $0x2800, v1  }
0xb0: {  	v17 =	vld [tilespmem:s29+$0xFFFFFF90];
	v13 =	vadd.s32 $0x2800, v16  }
0xb1: {  	v5 =	vld.idx.msk [tilespmem:v5+s2+$0x0], $0xffff;
	v3 =	vunpack.i.l.bf16.f32 v12;
	v16 =	vunpack.i.l.bf16.f32 v14  }
0xb2: {  	v12 =	vunpack.i.u.bf16.f32 v12;
	v14 =	vunpack.i.u.bf16.f32 v14;
	v16 =	vadd.f32 v3, v16;
	v3 =	vld.idx.msk [tilespmem:v2+s2+$0x0], $0xffff  }
0xb3: {  	v18 =	vunpack.i.l.bf16.f32 v10;
	v12 =	vadd.f32 v12, v14;
	v14 =	vunpack.i.l.bf16.f32 v15;
	v9 =	vld.idx.msk [tilespmem:v9+s2+$0x0], $0xffff  }
0xb4: {  	v14 =	vadd.f32 v18, v14;
	[tilespmem:s28+$0x0] =	vst v16;
	v2 =	vld.idx.msk [tilespmem:v1+s2+$0x0], $0xffff;
	v1 =	vunpack.i.u.bf16.f32 v10;
	v10 =	vunpack.i.u.bf16.f32 v15  }
0xb5: {  	[tilespmem:s28+$0x80] =	vst v12;
	v1 =	vadd.f32 v1, v10;
	v10 =	vadd.s32 $0x2800, v11;
	v11 =	vld.idx.msk [tilespmem:v13+s2+$0x0], $0xffff  }
0xb6: {  	v7 =	vld.idx.msk [tilespmem:v7+s2+$0x0], $0xffff;
	[tilespmem:s28+$0xFFFFFE00] =	vst v14;
	v14 =	vunpack.i.u.bf16.f32 v6  }
0xb7: {  	v12 =	vld [tilespmem:s26+$0x10];
	v15 =	vunpack.i.u.bf16.f32 v5;
	v6 =	vunpack.i.l.bf16.f32 v6;
	v5 =	vunpack.i.l.bf16.f32 v5  }
0xb8: {  	v5 =	vadd.f32 v6, v5;
	v6 =	vld.idx.msk [tilespmem:v17+s2+$0x0], $0xffff  }
0xb9: {  	v14 =	vadd.f32 v14, v15;
	[tilespmem:s28+$0xFFFFFE80] =	vst v1;
	v1 =	vld [tilespmem:s29+$0x10]  }
0xba: {  	v13 =	vld [tilespmem:s26+$0xFFFFFF10];
	v15 =	vunpack.i.l.bf16.f32 v9;
	v17 =	vunpack.i.l.bf16.f32 v11  }
0xbb: {  	[tilespmem:s25+$0xFFFFFED0] =	vst v14;
	v16 =	vld [tilespmem:s29+$0xFFFFFF10];
	v9 =	vunpack.i.u.bf16.f32 v9;
	v11 =	vunpack.i.u.bf16.f32 v11;
	v14 =	vadd.f32 v17, v15  }
0xbc: {  	[tilespmem:s25+$0xFFFFFE50] =	vst v5;
	v10 =	vld.idx.msk [tilespmem:v10+s2+$0x0], $0xffff;
	v9 =	vadd.f32 v11, v9  }
0xbd: {  	v0 =	vld.idx.msk [tilespmem:v0+s2+$0x0], $0xffff;
	v11 =	vadd.s32 $0x2800, v12;
	[tilespmem:s28+$0x110] =	vst v14  }
0xbe: {  	v12 =	vld [tilespmem:s1+$0xFFFFFF60];
	[tilespmem:s28+$0x190] =	vst v9  }
0xbf: {  	v9 =	vld [tilespmem:s26+$0xA0]  }
0xc0: {  	v5 =	vadd.s32 $0x2800, v13;
	v14 =	vunpack.i.l.bf16.f32 v6;
	v15 =	vld [tilespmem:s29+$0xA0]  }
0xc1: {  	v6 =	vunpack.i.u.bf16.f32 v6;
	v1 =	vld.idx.msk [tilespmem:v1+s2+$0x0], $0xffff;
	v13 =	vunpack.i.l.bf16.f32 v10;
	v10 =	vunpack.i.u.bf16.f32 v10  }
0xc2: {  	v13 =	vadd.f32 v13, v14;
	v14 =	vunpack.i.l.bf16.f32 v8;
	v6 =	vadd.f32 v10, v6;
	v10 =	vld.idx.msk [tilespmem:v11+s2+$0x0], $0xffff  }
0xc3: {  	v11 =	vunpack.i.l.bf16.f32 v4;
	v8 =	vunpack.i.u.bf16.f32 v8;
	v4 =	vunpack.i.u.bf16.f32 v4;
	v16 =	vld.idx.msk [tilespmem:v16+s2+$0x0], $0xffff  }
0xc4: {  	v11 =	vadd.f32 v14, v11;
	v4 =	vadd.f32 v8, v4;
	v8 =	vld [tilespmem:s31+$0xFFFFFF60];
	[tilespmem:s28+$0xFFFFFF10] =	vst v13  }
0xc5: {  	v5 =	vld.idx.msk [tilespmem:v5+s2+$0x0], $0xffff;
	[tilespmem:s28+$0xFFFFFF90] =	vst v6;
	v6 =	vadd.s32 $0x2800, v9  }
0xc6: {  	v13 =	vunpack.i.l.bf16.f32 v7;
	v9 =	vunpack.i.l.bf16.f32 v0;
	v14 =	vld [tilespmem:s26+$0xFFFFFFA0];
	[tilespmem:s25+$0xFFFFFF50] =	vst v11  }
0xc7: {  	v7 =	vunpack.i.u.bf16.f32 v7;
	v0 =	vunpack.i.u.bf16.f32 v0;
	v11 =	vld [tilespmem:s29+$0xFFFFFFA0];
	[tilespmem:s25+$0xFFFFFFD0] =	vst v4;
	v9 =	vadd.f32 v9, v13  }
0xc8: {  	v0 =	vadd.f32 v0, v7;
	v4 =	vld [tilespmem:s1+$0xFFFFFFE0]  }
0xc9: {  	v7 =	vadd.s32 $0x2800, v12;
	v12 =	vunpack.i.l.bf16.f32 v1;
	[tilespmem:s25+$0x50] =	vst v9;
	v9 =	vunpack.i.l.bf16.f32 v10;
	v13 =	vld.idx.msk [tilespmem:v15+s2+$0x0], $0xffff  }
0xca: {  	[tilespmem:s25+$0xD0] =	vst v0;
	v0 =	vunpack.i.l.bf16.f32 v16;
	v15 =	vunpack.i.l.bf16.f32 v5;
	v9 =	vadd.f32 v9, v12;
	v6 =	vld.idx.msk [tilespmem:v6+s2+$0x0], $0xffff  }
0xcb: {  	v5 =	vunpack.i.u.bf16.f32 v5;
	v12 =	vunpack.i.u.bf16.f32 v16;
	v0 =	vadd.f32 v15, v0;
	v15 =	vld [tilespmem:s1+$0x60]  }
0xcc: {  	v1 =	vunpack.i.u.bf16.f32 v1;
	v10 =	vunpack.i.u.bf16.f32 v10;
	v5 =	vadd.f32 v5, v12;
	[tilespmem:s28+$0x10] =	vst v9;
	v9 =	vld [tilespmem:s31+$0xFFFFFFE0]  }
0xcd: {  	v1 =	vadd.f32 v10, v1;
	v8 =	vld.idx.msk [tilespmem:v8+s2+$0x0], $0xffff;
	[tilespmem:s28+$0xFFFFFE10] =	vst v0  }
0xce: {  	[tilespmem:s28+$0xFFFFFE90] =	vst v5;
	v5 =	vld.idx.msk [tilespmem:v7+s2+$0x0], $0xffff  }
0xcf: {  	v10 =	vadd.s32 $0x2800, v14;
	[tilespmem:s28+$0x90] =	vst v1;
	v7 =	vld [tilespmem:s26+$0xFFFFFF20];
	v1 =	vunpack.i.l.bf16.f32 v13;
	v12 =	vunpack.i.l.bf16.f32 v6  }
0xd0: {  	v14 =	vld [tilespmem:s26+$0x20];
	v13 =	vunpack.i.u.bf16.f32 v13;
	v6 =	vunpack.i.u.bf16.f32 v6;
	v1 =	vadd.f32 v12, v1  }
0xd1: {  	v11 =	vld.idx.msk [tilespmem:v11+s2+$0x0], $0xffff;
	v6 =	vadd.f32 v6, v13  }
0xd2: {  	v12 =	vld [tilespmem:s29+$0xFFFFFF20];
	[tilespmem:s28+$0x120] =	vst v1  }
0xd3: {  	v4 =	vadd.s32 $0x2800, v4;
	v13 =	vld [tilespmem:s29+$0x20];
	[tilespmem:s28+$0x1A0] =	vst v6  }
0xd4: {  	v6 =	vadd.s32 $0x2800, v7;
	v7 =	vld [tilespmem:s26+$0xB0]  }
0xd5: {  	v1 =	vadd.s32 $0x2800, v15;
	v15 =	vld [tilespmem:s29+$0xB0]  }
0xd6: {  	v10 =	vld.idx.msk [tilespmem:v10+s2+$0x0], $0xffff;
	v14 =	vadd.s32 $0x2800, v14  }
0xd7: {  	v0 =	vld [tilespmem:s31+$0x60]  }
0xd8: {  	v4 =	vld.idx.msk [tilespmem:v4+s2+$0x0], $0xffff  }
0xd9: {  	v6 =	vld.idx.msk [tilespmem:v6+s2+$0x0], $0xffff;
	v7 =	vadd.s32 $0x2800, v7  }
0xda: {  	v12 =	vld.idx.msk [tilespmem:v12+s2+$0x0], $0xffff  }
0xdb: {  	v17 =	vunpack.i.l.bf16.f32 v11;
	v16 =	vunpack.i.l.bf16.f32 v10;
	v14 =	vld.idx.msk [tilespmem:v14+s2+$0x0], $0xffff  }
0xdc: {  	v11 =	vunpack.i.u.bf16.f32 v11;
	v10 =	vunpack.i.u.bf16.f32 v10;
	v16 =	vadd.f32 v16, v17;
	v13 =	vld.idx.msk [tilespmem:v13+s2+$0x0], $0xffff  }
0xdd: {  	v10 =	vadd.f32 v10, v11;
	v11 =	vld.idx.msk [tilespmem:v15+s2+$0x0], $0xffff  }
0xde: {  	[tilespmem:s28+$0xFFFFFF20] =	vst v16;
	v7 =	vld.idx.msk [tilespmem:v7+s2+$0x0], $0xffff  }
0xdf: {  	v9 =	vld.idx.msk [tilespmem:v9+s2+$0x0], $0xffff;
	[tilespmem:s28+$0xFFFFFFA0] =	vst v10;
	v10 =	vunpack.i.l.bf16.f32 v6;
	v15 =	vunpack.i.l.bf16.f32 v12  }
0xe0: {  	v16 =	vld [tilespmem:s26+$0xFFFFFFB0];
	v6 =	vunpack.i.u.bf16.f32 v6;
	v12 =	vunpack.i.u.bf16.f32 v12;
	v10 =	vadd.f32 v10, v15  }
0xe1: {  	v0 =	vld.idx.msk [tilespmem:v0+s2+$0x0], $0xffff;
	v18 =	vunpack.i.l.bf16.f32 v13;
	v15 =	vunpack.i.l.bf16.f32 v14;
	v6 =	vadd.f32 v6, v12  }
0xe2: {  	v1 =	vld.idx.msk [tilespmem:v1+s2+$0x0], $0xffff;
	v13 =	vunpack.i.u.bf16.f32 v13;
	v12 =	vunpack.i.u.bf16.f32 v14;
	v14 =	vadd.f32 v15, v18;
	[tilespmem:s28+$0xFFFFFE20] =	vst v10  }
0xe3: {  	v17 =	vld [tilespmem:s29+$0xFFFFFFB0];
	v10 =	vadd.f32 v12, v13;
	[tilespmem:s28+$0xFFFFFEA0] =	vst v6;
	v6 =	vunpack.i.l.bf16.f32 v11;
	v12 =	vunpack.i.l.bf16.f32 v7  }
0xe4: {  	v11 =	vunpack.i.u.bf16.f32 v11;
	v13 =	vld [tilespmem:s26+$0xFFFFFF30];
	[tilespmem:s28+$0x20] =	vst v14;
	v7 =	vunpack.i.u.bf16.f32 v7;
	v6 =	vadd.f32 v12, v6  }
0xe5: {  	v14 =	vld [tilespmem:s29+$0xFFFFFF30];
	[tilespmem:s28+$0xA0] =	vst v10;
	v12 =	vadd.s32 $0x2800, v16;
	v7 =	vadd.f32 v7, v11  }
0xe6: {  	v10 =	vld [tilespmem:s26+$0x30];
	[tilespmem:s28+$0x130] =	vst v6  }
0xe7: {  	v11 =	vunpack.i.l.bf16.f32 v8;
	v15 =	vld [tilespmem:s29+$0x30];
	v6 =	vunpack.i.l.bf16.f32 v5;
	[tilespmem:s28+$0x1B0] =	vst v7  }
0xe8: {  	v5 =	vunpack.i.u.bf16.f32 v5;
	v7 =	vunpack.i.u.bf16.f32 v8;
	v6 =	vadd.f32 v6, v11;
	v8 =	vld [tilespmem:s26+$0xC0]  }
0xe9: {  	v5 =	vadd.f32 v5, v7;
	v7 =	vadd.s32 $0x2800, v13;
	v11 =	vld [tilespmem:s29+$0xC0]  }
0xea: {  	[tilespmem:s25+$0xFFFFFE60] =	vst v6;
	v6 =	vld.idx.msk [tilespmem:v12+s2+$0x0], $0xffff  }
0xeb: {  	v16 =	vunpack.i.l.bf16.f32 v9;
	[tilespmem:s25+$0xFFFFFEE0] =	vst v5;
	v5 =	vld.idx.msk [tilespmem:v17+s2+$0x0], $0xffff;
	v10 =	vadd.s32 $0x2800, v10  }
0xec: {  	v9 =	vunpack.i.u.bf16.f32 v9;
	v13 =	vunpack.i.l.bf16.f32 v4;
	v4 =	vunpack.i.u.bf16.f32 v4;
	v12 =	vld [tilespmem:s1+$0xFFFFFF70]  }
0xed: {  	v13 =	vadd.f32 v13, v16;
	v16 =	vunpack.i.l.bf16.f32 v1;
	v4 =	vadd.f32 v4, v9;
	v14 =	vld.idx.msk [tilespmem:v14+s2+$0x0], $0xffff  }
0xee: {  	v1 =	vunpack.i.u.bf16.f32 v1;
	v17 =	vunpack.i.l.bf16.f32 v0;
	v0 =	vunpack.i.u.bf16.f32 v0;
	v7 =	vld.idx.msk [tilespmem:v7+s2+$0x0], $0xffff  }
0xef: {  	[tilespmem:s25+$0xFFFFFF60] =	vst v13;
	v0 =	vadd.f32 v1, v0;
	v8 =	vadd.s32 $0x2800, v8;
	v9 =	vld.idx.msk [tilespmem:v15+s2+$0x0], $0xffff  }
0xf0: {  	[tilespmem:s25+$0xFFFFFFE0] =	vst v4;
	v15 =	vadd.f32 v16, v17;
	v10 =	vld.idx.msk [tilespmem:v10+s2+$0x0], $0xffff;
	v1 =	vunpack.i.l.bf16.f32 v6  }
0xf1: {  	[tilespmem:s25+$0xE0] =	vst v0;
	v4 =	vunpack.i.l.bf16.f32 v5;
	v6 =	vunpack.i.u.bf16.f32 v6;
	v5 =	vunpack.i.u.bf16.f32 v5;
	v11 =	vld.idx.msk [tilespmem:v11+s2+$0x0], $0xffff  }
0xf2: {  	[tilespmem:s25+$0x60] =	vst v15;
	v1 =	vadd.f32 v1, v4;
	v0 =	vadd.f32 v6, v5;
	v5 =	vld [tilespmem:s1+$0xFFFFFFF0]  }
0xf3: {  	v13 =	vld [tilespmem:s1+$0x70]  }
0xf4: {  	v6 =	vunpack.i.l.bf16.f32 v14;
	v4 =	vld.idx.msk [tilespmem:v8+s2+$0x0], $0xffff;
	v8 =	vunpack.i.l.bf16.f32 v7;
	[tilespmem:s28+$0xFFFFFF30] =	vst v1  }
0xf5: {  	v1 =	vunpack.i.u.bf16.f32 v14;
	v7 =	vunpack.i.u.bf16.f32 v7;
	[tilespmem:s28+$0xFFFFFFB0] =	vst v0;
	v6 =	vadd.f32 v8, v6;
	v8 =	vld [tilespmem:s31+$0xFFFFFF70]  }
0xf6: {  	v0 =	vunpack.i.l.bf16.f32 v9;
	v1 =	vadd.f32 v7, v1;
	v7 =	vld [tilespmem:s26+$0xFFFFFFC0];
	v14 =	vunpack.i.l.bf16.f32 v10  }
0xf7: {  	v9 =	vunpack.i.u.bf16.f32 v9;
	v10 =	vunpack.i.u.bf16.f32 v10;
	[tilespmem:s28+$0xFFFFFE30] =	vst v6;
	v6 =	vld [tilespmem:s29+$0xFFFFFFC0];
	v14 =	vadd.f32 v14, v0  }
0xf8: {  	v9 =	vadd.f32 v10, v9;
	[tilespmem:s28+$0xFFFFFEB0] =	vst v1;
	v0 =	vld [tilespmem:s31+$0xFFFFFFF0]  }
0xf9: {  	v1 =	vunpack.i.l.bf16.f32 v11;
	v15 =	vld [tilespmem:s26+$0xFFFFFF40];
	v10 =	vunpack.i.l.bf16.f32 v4;
	[tilespmem:s28+$0x30] =	vst v14  }
0xfa: {  	v11 =	vunpack.i.u.bf16.f32 v11;
	v4 =	vunpack.i.u.bf16.f32 v4;
	[tilespmem:s28+$0xB0] =	vst v9;
	v1 =	vadd.f32 v10, v1;
	v10 =	vld [tilespmem:s29+$0xFFFFFF40]  }
0xfb: {  	v4 =	vadd.f32 v4, v11;
	v9 =	vld [tilespmem:s26+$0x40]  }
0xfc: {  	v7 =	vadd.s32 $0x2800, v7;
	v11 =	vld [tilespmem:s29+$0x40];
	[tilespmem:s28+$0x140] =	vst v1  }
0xfd: {  	v5 =	vadd.s32 $0x2800, v5;
	[tilespmem:s28+$0x1C0] =	vst v4;
	v1 =	vld [tilespmem:s31+$0x70]  }
0xfe: {  	v4 =	vld [tilespmem:s26+$0xD0]  }
0xff: {  	v14 =	vadd.s32 $0x2800, v15;
	v15 =	vld [tilespmem:s29+$0xD0]  }
0x100: {  	v6 =	vld.idx.msk [tilespmem:v6+s2+$0x0], $0xffff  }
0x101: {  	v7 =	vld.idx.msk [tilespmem:v7+s2+$0x0], $0xffff;
	v9 =	vadd.s32 $0x2800, v9  }
0x102: {  	v5 =	vld.idx.msk [tilespmem:v5+s2+$0x0], $0xffff  }
0x103: {  	v10 =	vld.idx.msk [tilespmem:v10+s2+$0x0], $0xffff;
	v4 =	vadd.s32 $0x2800, v4  }
0x104: {  	v12 =	vadd.s32 $0x2800, v12;
	v14 =	vld.idx.msk [tilespmem:v14+s2+$0x0], $0xffff  }
0x105: {  	v13 =	vadd.s32 $0x2800, v13;
	v11 =	vld.idx.msk [tilespmem:v11+s2+$0x0], $0xffff  }
0x106: {  	v9 =	vld.idx.msk [tilespmem:v9+s2+$0x0], $0xffff;
	v16 =	vunpack.i.l.bf16.f32 v6;
	v17 =	vunpack.i.l.bf16.f32 v7  }
0x107: {  	v6 =	vunpack.i.u.bf16.f32 v6;
	v7 =	vunpack.i.u.bf16.f32 v7;
	v15 =	vld.idx.msk [tilespmem:v15+s2+$0x0], $0xffff;
	v16 =	vadd.f32 v17, v16  }
0x108: {  	v17 =	vunpack.i.l.bf16.f32 v3;
	v6 =	vadd.f32 v7, v6;
	v4 =	vld.idx.msk [tilespmem:v4+s2+$0x0], $0xffff  }
0x109: {  	v7 =	vld.idx.msk [tilespmem:v12+s2+$0x0], $0xffff;
	v3 =	vunpack.i.u.bf16.f32 v3;
	v12 =	vunpack.i.l.bf16.f32 v10;
	v18 =	vunpack.i.l.bf16.f32 v14;
	[tilespmem:s28+$0xFFFFFF40] =	vst v16  }
0x10a: {  	v13 =	vld.idx.msk [tilespmem:v13+s2+$0x0], $0xffff;
	v10 =	vunpack.i.u.bf16.f32 v10;
	v14 =	vunpack.i.u.bf16.f32 v14;
	[tilespmem:s28+$0xFFFFFFC0] =	vst v6;
	v12 =	vadd.f32 v18, v12  }
0x10b: {  	v16 =	vunpack.i.l.bf16.f32 v11;
	v10 =	vadd.f32 v14, v10;
	v14 =	vld [tilespmem:s26+$0xFFFFFFD0];
	v18 =	vunpack.i.l.bf16.f32 v9  }
0x10c: {  	v11 =	vunpack.i.u.bf16.f32 v11;
	v6 =	vld [tilespmem:s29+$0xFFFFFFD0];
	v9 =	vunpack.i.u.bf16.f32 v9;
	[tilespmem:s28+$0xFFFFFE40] =	vst v12;
	v12 =	vadd.f32 v18, v16  }
0x10d: {  	v9 =	vadd.f32 v9, v11;
	[tilespmem:s28+$0xFFFFFEC0] =	vst v10;
	v10 =	vunpack.i.l.bf16.f32 v15;
	v18 =	vld.idx.msk [tilespmem:v8+s2+$0x0], $0xffff;
	v11 =	vunpack.i.l.bf16.f32 v4  }
0x10e: {  	v19 =	vld [tilespmem:s26+$0xFFFFFF50];
	[tilespmem:s28+$0x40] =	vst v12;
	v12 =	vunpack.i.u.bf16.f32 v15;
	v4 =	vunpack.i.u.bf16.f32 v4;
	v10 =	vadd.f32 v11, v10  }
0x10f: {  	v8 =	vld [tilespmem:s29+$0xFFFFFF50];
	[tilespmem:s28+$0xC0] =	vst v9;
	v9 =	vunpack.i.u.bf16.f32 v7;
	v11 =	vunpack.i.u.bf16.f32 v2;
	v4 =	vadd.f32 v4, v12  }
0x110: {  	v2 =	vunpack.i.l.bf16.f32 v2;
	v16 =	vld [tilespmem:s26+$0x50];
	v12 =	vadd.s32 $0x2800, v14;
	v3 =	vadd.f32 v11, v3;
	[tilespmem:s28+$0x150] =	vst v10  }
0x111: {  	v15 =	vadd.f32 v2, v17;
	v2 =	vunpack.i.u.bf16.f32 v5;
	v10 =	vunpack.i.l.bf16.f32 v7;
	v7 =	vld [tilespmem:s29+$0x50];
	[tilespmem:s28+$0x1D0] =	vst v4  }
0x112: {  	s14 =	simm.s32 $0x7C80;
	v5 =	vunpack.i.l.bf16.f32 v5;
	v4 =	vunpack.i.l.bf16.f32 v13;
	v11 =	vunpack.i.u.bf16.f32 v18;
	[tilespmem:s25+$0x1F0] =	vst v3;
	v17 =	vld [tilespmem:s26+$0xE0]  }
0x113: {  	s30 =	simm.s32 $0xA500;
	s0 =	simm.s32 $0x5300;
	s1 =	simm.s32 $0x4;
	v3 =	vunpack.i.u.bf16.f32 v13;
	[tilespmem:s25+$0x170] =	vst v15;
	v14 =	vadd.s32 $0x2800, v19;
	v15 =	vld [tilespmem:s29+$0xE0];
	v13 =	vunpack.i.l.bf16.f32 v18  }
.LBB2_2:
0x114: {  	v18 =	vld [tilespmem:s14+$0x80];
	s29 =	sadd.s32 $0x200, s29;
	v10 =	vadd.f32 v10, v13;
	v9 =	vadd.f32 v9, v11  }
0x115: {  	v11 =	vld [tilespmem:s29+$0x80];
	v13 =	vadd.s32 $0x2800, v16  }
0x116: {  	v16 =	vld [tilespmem:s14+$0xFFFFFF00];
	[tilespmem:s25+$0xFFFFFE70] =	vst v10  }
0x117: {  	v10 =	vld [tilespmem:s14+$0xFFFFFF80];
	v17 =	vadd.s32 $0x2800, v17;
	[tilespmem:s25+$0xFFFFFEF0] =	vst v9  }
0x118: {  	v9 =	vld [tilespmem:s14+$0x0]  }
0x119: {  	v19 =	vld [tilespmem:s29+$0xFFFFFF80];
	v18 =	vadd.s32 $0x2800, v18  }
0x11a: {  	v20 =	vld [tilespmem:s29+$0x0]  }
0x11b: {  	s1 =	sadd.s32 $0x4, s1;
	v16 =	vadd.s32 $0x2800, v16;
	v15 =	vld.idx.msk [tilespmem:v15+s2+$0x0], $0xffff  }
0x11c: {  	p0 =	slt.u32 s1, $0x24;
	v10 =	vadd.s32 $0x2800, v10;
	v17 =	vld.idx.msk [tilespmem:v17+s2+$0x0], $0xffff  }
0x11d: {  	v9 =	vadd.s32 $0x2800, v9;
	v11 =	vld.idx.msk [tilespmem:v11+s2+$0x0], $0xffff  }
0x11e: {  	v18 =	vld.idx.msk [tilespmem:v18+s2+$0x0], $0xffff  }
0x11f: {  	v21 =	vld [tilespmem:s29+$0xFFFFFF00]  }
0x120: {  	v16 =	vld.idx.msk [tilespmem:v16+s2+$0x0], $0xffff  }
0x121: {  	v10 =	vld.idx.msk [tilespmem:v10+s2+$0x0], $0xffff  }
0x122: {  	v22 =	vunpack.i.l.bf16.f32 v15;
	v23 =	vunpack.i.l.bf16.f32 v17;
	v9 =	vld.idx.msk [tilespmem:v9+s2+$0x0], $0xffff  }
0x123: {  	v15 =	vunpack.i.u.bf16.f32 v15;
	v17 =	vunpack.i.u.bf16.f32 v17;
	v22 =	vadd.f32 v23, v22;
	v19 =	vld.idx.msk [tilespmem:v19+s2+$0x0], $0xffff  }
0x124: {  	v23 =	vunpack.i.l.bf16.f32 v11;
	v15 =	vadd.f32 v17, v15;
	v24 =	vunpack.i.l.bf16.f32 v18;
	v20 =	vld.idx.msk [tilespmem:v20+s2+$0x0], $0xffff  }
0x125: {  	v11 =	vunpack.i.u.bf16.f32 v11;
	v17 =	vunpack.i.u.bf16.f32 v18;
	v18 =	vadd.f32 v24, v23;
	v14 =	vld.idx.msk [tilespmem:v14+s2+$0x0], $0xffff;
	[tilespmem:s28+$0x160] =	vst v22  }
0x126: {  	v11 =	vadd.f32 v17, v11;
	v22 =	vunpack.i.u.bf16.f32 v16;
	v16 =	vunpack.i.l.bf16.f32 v16;
	s28 =	sadd.s32 $0x400, s28;
	v12 =	vld.idx.msk [tilespmem:v12+s2+$0x0], $0xffff;
	[tilespmem:s30+$0x1E0] =	vst v15  }
0x127: {  	v15 =	vunpack.i.u.bf16.f32 v10;
	v10 =	vunpack.i.l.bf16.f32 v10;
	[tilespmem:s28+$0x100] =	vst v18;
	v17 =	vld [tilespmem:s26+$0xF0]  }
0x128: {  	v18 =	vunpack.i.u.bf16.f32 v9;
	v9 =	vunpack.i.l.bf16.f32 v9;
	[tilespmem:s28+$0x180] =	vst v11;
	v11 =	vld [tilespmem:s0+$0xF0]  }
0x129: {  	v23 =	vunpack.i.u.bf16.f32 v19;
	v19 =	vunpack.i.l.bf16.f32 v19;
	v24 =	vld [tilespmem:s14+$0x90]  }
0x12a: {  	v10 =	vadd.f32 v10, v19;
	v19 =	vunpack.i.u.bf16.f32 v20;
	v20 =	vunpack.i.l.bf16.f32 v20;
	v25 =	vld [tilespmem:s29+$0x90]  }
0x12b: {  	v15 =	vadd.f32 v15, v23;
	v9 =	vadd.f32 v9, v20;
	v20 =	vunpack.i.u.bf16.f32 v14;
	v21 =	vld.idx.msk [tilespmem:v21+s2+$0x0], $0xffff  }
0x12c: {  	v14 =	vunpack.i.l.bf16.f32 v14;
	[tilespmem:s28+$0xFFFFFF00] =	vst v10;
	v10 =	vadd.f32 v18, v19;
	v13 =	vld.idx.msk [tilespmem:v13+s2+$0x0], $0xffff;
	v17 =	vadd.s32 $0x2800, v17  }
0x12d: {  	[tilespmem:s28+$0xFFFFFF80] =	vst v15;
	v8 =	vld.idx.msk [tilespmem:v8+s2+$0x0], $0xffff;
	v15 =	vunpack.i.u.bf16.f32 v12;
	v12 =	vunpack.i.l.bf16.f32 v12  }
0x12e: {  	v18 =	vld [tilespmem:s14+$0xFFFFFF90];
	[tilespmem:s28+$0x0] =	vst v9;
	v9 =	vadd.s32 $0x2800, v24  }
0x12f: {  	v19 =	vld [tilespmem:s29+$0xFFFFFF90];
	[tilespmem:s28+$0x80] =	vst v10  }
0x130: {  	v10 =	vld.idx.msk [tilespmem:v11+s2+$0x0], $0xffff  }
0x131: {  	v11 =	vunpack.i.u.bf16.f32 v21;
	v21 =	vunpack.i.l.bf16.f32 v21;
	v17 =	vld.idx.msk [tilespmem:v17+s2+$0x0], $0xffff  }
0x132: {  	v16 =	vadd.f32 v16, v21;
	v11 =	vadd.f32 v22, v11;
	v22 =	vunpack.i.u.bf16.f32 v13;
	v21 =	vld.idx.msk [tilespmem:v25+s2+$0x0], $0xffff  }
0x133: {  	v13 =	vunpack.i.l.bf16.f32 v13;
	v23 =	vunpack.i.u.bf16.f32 v8;
	v18 =	vadd.s32 $0x2800, v18;
	v9 =	vld.idx.msk [tilespmem:v9+s2+$0x0], $0xffff  }
0x134: {  	v8 =	vunpack.i.l.bf16.f32 v8;
	v20 =	vadd.f32 v20, v23;
	[tilespmem:s28+$0xFFFFFE00] =	vst v16;
	v16 =	vld [tilespmem:s14+$0x10]  }
0x135: {  	v8 =	vadd.f32 v14, v8;
	[tilespmem:s28+$0xFFFFFE80] =	vst v11;
	v11 =	vld [tilespmem:s29+$0x10]  }
0x136: {  	v14 =	vld [tilespmem:s14+$0xFFFFFF10];
	[tilespmem:s30+$0xFFFFFED0] =	vst v20;
	v20 =	vunpack.i.l.bf16.f32 v10  }
0x137: {  	v23 =	vld [tilespmem:s29+$0xFFFFFF10];
	[tilespmem:s30+$0xFFFFFE50] =	vst v8;
	v8 =	vunpack.i.u.bf16.f32 v10;
	v10 =	vunpack.i.u.bf16.f32 v17;
	v17 =	vunpack.i.l.bf16.f32 v17  }
0x138: {  	v18 =	vld.idx.msk [tilespmem:v18+s2+$0x0], $0xffff;
	v17 =	vadd.f32 v17, v20;
	v8 =	vadd.f32 v10, v8  }
0x139: {  	v20 =	vunpack.i.l.bf16.f32 v9;
	v10 =	vld.idx.msk [tilespmem:v19+s2+$0x0], $0xffff;
	v16 =	vadd.s32 $0x2800, v16;
	v19 =	vunpack.i.l.bf16.f32 v21  }
0x13a: {  	v9 =	vunpack.i.u.bf16.f32 v9;
	v21 =	vunpack.i.u.bf16.f32 v21;
	v19 =	vadd.f32 v20, v19;
	v6 =	vld.idx.msk [tilespmem:v6+s2+$0x0], $0xffff;
	[tilespmem:s30+$0x1F0] =	vst v8  }
0x13b: {  	v9 =	vadd.f32 v9, v21;
	v8 =	vadd.s32 $0x2800, v14;
	v7 =	vld.idx.msk [tilespmem:v7+s2+$0x0], $0xffff;
	[tilespmem:s30+$0x170] =	vst v17  }
0x13c: {  	[tilespmem:s28+$0x110] =	vst v19;
	v14 =	vld [tilespmem:s26+$0xFFFFFF60]  }
0x13d: {  	v11 =	vld.idx.msk [tilespmem:v11+s2+$0x0], $0xffff;
	[tilespmem:s28+$0x190] =	vst v9  }
0x13e: {  	v9 =	vunpack.i.u.bf16.f32 v18;
	v17 =	vunpack.i.l.bf16.f32 v18;
	v18 =	vld [tilespmem:s14+$0xA0]  }
0x13f: {  	v19 =	vunpack.i.u.bf16.f32 v10;
	v10 =	vunpack.i.l.bf16.f32 v10;
	v20 =	vld [tilespmem:s29+$0xA0]  }
0x140: {  	v10 =	vadd.f32 v17, v10;
	v9 =	vadd.f32 v9, v19;
	v17 =	vunpack.i.u.bf16.f32 v6;
	v8 =	vld.idx.msk [tilespmem:v8+s2+$0x0], $0xffff  }
0x141: {  	v6 =	vunpack.i.l.bf16.f32 v6;
	v19 =	vunpack.i.u.bf16.f32 v7;
	v7 =	vunpack.i.l.bf16.f32 v7;
	v16 =	vld.idx.msk [tilespmem:v16+s2+$0x0], $0xffff  }
0x142: {  	v6 =	vadd.f32 v12, v6;
	v12 =	vadd.f32 v15, v17;
	v21 =	vld.idx.msk [tilespmem:v23+s2+$0x0], $0xffff;
	[tilespmem:s28+$0xFFFFFF10] =	vst v10;
	v10 =	vadd.s32 $0x2800, v14  }
0x143: {  	[tilespmem:s28+$0xFFFFFF90] =	vst v9;
	v9 =	vunpack.i.u.bf16.f32 v11;
	v11 =	vunpack.i.l.bf16.f32 v11;
	v14 =	vadd.s32 $0x2800, v18;
	v15 =	vld [tilespmem:s0+$0xFFFFFF60]  }
0x144: {  	v17 =	vld [tilespmem:s14+$0xFFFFFFA0];
	[tilespmem:s30+$0xFFFFFF50] =	vst v6;
	v6 =	vadd.f32 v13, v7;
	v7 =	vadd.f32 v22, v19  }
0x145: {  	v13 =	vld [tilespmem:s29+$0xFFFFFFA0];
	[tilespmem:s30+$0xFFFFFFD0] =	vst v12  }
0x146: {  	v12 =	vunpack.i.u.bf16.f32 v8;
	v8 =	vunpack.i.l.bf16.f32 v8;
	v18 =	vld [tilespmem:s26+$0xFFFFFFE0];
	[tilespmem:s30+$0x50] =	vst v6  }
0x147: {  	v6 =	vunpack.i.u.bf16.f32 v16;
	v16 =	vunpack.i.l.bf16.f32 v16;
	v19 =	vld.idx.msk [tilespmem:v20+s2+$0x0], $0xffff;
	[tilespmem:s30+$0xD0] =	vst v7  }
0x148: {  	v7 =	vunpack.i.u.bf16.f32 v21;
	v20 =	vunpack.i.l.bf16.f32 v21;
	v11 =	vadd.f32 v16, v11;
	v14 =	vld.idx.msk [tilespmem:v14+s2+$0x0], $0xffff  }
0x149: {  	v8 =	vadd.f32 v8, v20;
	v7 =	vadd.f32 v12, v7;
	v12 =	vadd.s32 $0x2800, v17;
	v16 =	vld [tilespmem:s26+$0x60]  }
0x14a: {  	v6 =	vadd.f32 v6, v9;
	[tilespmem:s28+$0x10] =	vst v11;
	v9 =	vld [tilespmem:s0+$0xFFFFFFE0]  }
0x14b: {  	[tilespmem:s28+$0xFFFFFE10] =	vst v8;
	v8 =	vadd.s32 $0x2800, v18;
	v11 =	vld [tilespmem:s0+$0x60]  }
0x14c: {  	[tilespmem:s28+$0xFFFFFE90] =	vst v7;
	v7 =	vld.idx.msk [tilespmem:v10+s2+$0x0], $0xffff  }
0x14d: {  	v10 =	vld [tilespmem:s14+$0xFFFFFF20];
	[tilespmem:s28+$0x90] =	vst v6  }
0x14e: {  	v17 =	vunpack.i.l.bf16.f32 v19;
	v18 =	vunpack.i.l.bf16.f32 v14;
	v6 =	vld [tilespmem:s14+$0x20];
	v16 =	vadd.s32 $0x2800, v16  }
0x14f: {  	v19 =	vunpack.i.u.bf16.f32 v19;
	v14 =	vunpack.i.u.bf16.f32 v14;
	v17 =	vadd.f32 v18, v17;
	v20 =	vld [tilespmem:s29+$0xFFFFFF20]  }
0x150: {  	v14 =	vadd.f32 v14, v19;
	v18 =	vld [tilespmem:s29+$0x20]  }
0x151: {  	v12 =	vld.idx.msk [tilespmem:v12+s2+$0x0], $0xffff;
	[tilespmem:s28+$0x120] =	vst v17  }
0x152: {  	v10 =	vadd.s32 $0x2800, v10;
	v13 =	vld.idx.msk [tilespmem:v13+s2+$0x0], $0xffff;
	[tilespmem:s28+$0x1A0] =	vst v14;
	v14 =	vunpack.i.u.bf16.f32 v7;
	v7 =	vunpack.i.l.bf16.f32 v7  }
0x153: {  	v6 =	vadd.s32 $0x2800, v6;
	v17 =	vld [tilespmem:s14+$0xB0]  }
0x154: {  	v19 =	vld [tilespmem:s29+$0xB0]  }
0x155: {  	v8 =	vld.idx.msk [tilespmem:v8+s2+$0x0], $0xffff  }
0x156: {  	v16 =	vld.idx.msk [tilespmem:v16+s2+$0x0], $0xffff  }
0x157: {  	v21 =	vunpack.i.u.bf16.f32 v12;
	v12 =	vunpack.i.l.bf16.f32 v12;
	v10 =	vld.idx.msk [tilespmem:v10+s2+$0x0], $0xffff  }
0x158: {  	v22 =	vunpack.i.u.bf16.f32 v13;
	v13 =	vunpack.i.l.bf16.f32 v13;
	v6 =	vld.idx.msk [tilespmem:v6+s2+$0x0], $0xffff;
	v17 =	vadd.s32 $0x2800, v17  }
0x159: {  	v12 =	vadd.f32 v12, v13;
	v13 =	vadd.f32 v21, v22;
	v20 =	vld.idx.msk [tilespmem:v20+s2+$0x0], $0xffff  }
0x15a: {  	v18 =	vld.idx.msk [tilespmem:v18+s2+$0x0], $0xffff  }
0x15b: {  	[tilespmem:s28+$0xFFFFFF20] =	vst v12;
	v12 =	vld.idx.msk [tilespmem:v15+s2+$0x0], $0xffff;
	v15 =	vunpack.i.u.bf16.f32 v8;
	v8 =	vunpack.i.l.bf16.f32 v8  }
0x15c: {  	[tilespmem:s28+$0xFFFFFFA0] =	vst v13;
	v13 =	vld.idx.msk [tilespmem:v19+s2+$0x0], $0xffff;
	v19 =	vunpack.i.u.bf16.f32 v16;
	v16 =	vunpack.i.l.bf16.f32 v16  }
0x15d: {  	v21 =	vunpack.i.u.bf16.f32 v10;
	v10 =	vunpack.i.l.bf16.f32 v10;
	v17 =	vld.idx.msk [tilespmem:v17+s2+$0x0], $0xffff  }
0x15e: {  	v23 =	vunpack.i.u.bf16.f32 v6;
	v6 =	vunpack.i.l.bf16.f32 v6;
	v22 =	vld [tilespmem:s14+$0xFFFFFFB0]  }
0x15f: {  	v24 =	vunpack.i.u.bf16.f32 v20;
	v20 =	vunpack.i.l.bf16.f32 v20;
	v25 =	vld [tilespmem:s29+$0xFFFFFFB0]  }
0x160: {  	v10 =	vadd.f32 v10, v20;
	v20 =	vunpack.i.u.bf16.f32 v18;
	v18 =	vunpack.i.l.bf16.f32 v18;
	v9 =	vld.idx.msk [tilespmem:v9+s2+$0x0], $0xffff  }
0x161: {  	v21 =	vadd.f32 v21, v24;
	v6 =	vadd.f32 v6, v18;
	v18 =	vunpack.i.u.bf16.f32 v12;
	v11 =	vld.idx.msk [tilespmem:v11+s2+$0x0], $0xffff  }
0x162: {  	v12 =	vunpack.i.l.bf16.f32 v12;
	v14 =	vadd.f32 v14, v18;
	[tilespmem:s28+$0xFFFFFE20] =	vst v10;
	v10 =	vadd.f32 v23, v20;
	v0 =	vld.idx.msk [tilespmem:v0+s2+$0x0], $0xffff  }
0x163: {  	v20 =	vunpack.i.l.bf16.f32 v13;
	[tilespmem:s28+$0xFFFFFEA0] =	vst v21;
	v18 =	vadd.s32 $0x2800, v22;
	v21 =	vunpack.i.l.bf16.f32 v17;
	v1 =	vld.idx.msk [tilespmem:v1+s2+$0x0], $0xffff  }
0x164: {  	v22 =	vld [tilespmem:s14+$0xFFFFFF30];
	[tilespmem:s28+$0x20] =	vst v6;
	v6 =	vunpack.i.u.bf16.f32 v13;
	v13 =	vunpack.i.u.bf16.f32 v17;
	v17 =	vadd.f32 v21, v20  }
0x165: {  	v7 =	vadd.f32 v7, v12;
	v20 =	vld [tilespmem:s29+$0xFFFFFF30];
	[tilespmem:s28+$0xA0] =	vst v10;
	v6 =	vadd.f32 v13, v6  }
0x166: {  	v12 =	vunpack.i.u.bf16.f32 v9;
	v9 =	vunpack.i.l.bf16.f32 v9;
	v10 =	vld [tilespmem:s14+$0x30];
	[tilespmem:s28+$0x130] =	vst v17  }
0x167: {  	v13 =	vld [tilespmem:s29+$0x30];
	[tilespmem:s28+$0x1B0] =	vst v6;
	v6 =	vadd.f32 v8, v9;
	v8 =	vunpack.i.u.bf16.f32 v11;
	v9 =	vunpack.i.l.bf16.f32 v11  }
0x168: {  	v11 =	vld [tilespmem:s14+$0xC0];
	[tilespmem:s30+$0xFFFFFE60] =	vst v7;
	v7 =	vadd.f32 v15, v12;
	v9 =	vadd.f32 v16, v9;
	v12 =	vunpack.i.u.bf16.f32 v0  }
0x169: {  	v8 =	vadd.f32 v19, v8;
	v0 =	vunpack.i.l.bf16.f32 v0;
	v15 =	vadd.s32 $0x2800, v22;
	v16 =	vld [tilespmem:s29+$0xC0];
	[tilespmem:s30+$0xFFFFFEE0] =	vst v14  }
0x16a: {  	v0 =	vadd.f32 v5, v0;
	v5 =	vunpack.i.u.bf16.f32 v1;
	v1 =	vunpack.i.l.bf16.f32 v1;
	v14 =	vld.idx.msk [tilespmem:v18+s2+$0x0], $0xffff;
	[tilespmem:s30+$0xFFFFFF60] =	vst v6  }
0x16b: {  	v2 =	vadd.f32 v2, v12;
	v1 =	vadd.f32 v4, v1;
	v6 =	vld.idx.msk [tilespmem:v25+s2+$0x0], $0xffff;
	v10 =	vadd.s32 $0x2800, v10;
	[tilespmem:s30+$0xFFFFFFE0] =	vst v7  }
0x16c: {  	v3 =	vadd.f32 v3, v5;
	v4 =	vld [tilespmem:s26+$0xFFFFFF70];
	[tilespmem:s30+$0x60] =	vst v9  }
0x16d: {  	v5 =	vld.idx.msk [tilespmem:v20+s2+$0x0], $0xffff;
	v7 =	vadd.s32 $0x2800, v11;
	[tilespmem:s30+$0xE0] =	vst v8  }
0x16e: {  	v8 =	vld.idx.msk [tilespmem:v15+s2+$0x0], $0xffff;
	[tilespmem:s25+$0xFFFFFF70] =	vst v0  }
0x16f: {  	v0 =	vld.idx.msk [tilespmem:v13+s2+$0x0], $0xffff;
	[tilespmem:s25+$0xFFFFFFF0] =	vst v2  }
0x170: {  	v2 =	vunpack.i.u.bf16.f32 v14;
	v9 =	vunpack.i.l.bf16.f32 v14;
	v10 =	vld.idx.msk [tilespmem:v10+s2+$0x0], $0xffff;
	[tilespmem:s25+$0x70] =	vst v1  }
0x171: {  	v1 =	vunpack.i.u.bf16.f32 v6;
	v6 =	vunpack.i.l.bf16.f32 v6;
	v11 =	vld.idx.msk [tilespmem:v16+s2+$0x0], $0xffff;
	v4 =	vadd.s32 $0x2800, v4;
	[tilespmem:s25+$0xF0] =	vst v3;
	s25 =	smov.u32 s30;
	s30 =	smov.u32 s28  }
0x172: {  	v3 =	vadd.f32 v9, v6;
	v1 =	vadd.f32 v2, v1;
	v2 =	vld.idx.msk [tilespmem:v7+s2+$0x0], $0xffff  }
0x173: {  	v6 =	vunpack.i.u.bf16.f32 v5;
	v5 =	vunpack.i.l.bf16.f32 v5;
	v7 =	vld [tilespmem:s26+$0xFFFFFFF0]  }
0x174: {  	v9 =	vunpack.i.u.bf16.f32 v8;
	v8 =	vunpack.i.l.bf16.f32 v8;
	[tilespmem:s28+$0xFFFFFF30] =	vst v3;
	v3 =	vld [tilespmem:s26+$0x70];
	s26 =	smov.u32 s14  }
0x175: {  	v5 =	vadd.f32 v8, v5;
	[tilespmem:s28+$0xFFFFFFB0] =	vst v1;
	v1 =	vunpack.i.u.bf16.f32 v0;
	v0 =	vunpack.i.l.bf16.f32 v0;
	v8 =	vld [tilespmem:s0+$0xFFFFFF70]  }
0x176: {  	v6 =	vadd.f32 v9, v6;
	v12 =	vunpack.i.u.bf16.f32 v10;
	v10 =	vunpack.i.l.bf16.f32 v10;
	v9 =	vld [tilespmem:s14+$0xFFFFFFC0]  }
0x177: {  	v10 =	vadd.f32 v10, v0;
	v1 =	vadd.f32 v12, v1;
	[tilespmem:s28+$0xFFFFFE30] =	vst v5;
	v5 =	vld [tilespmem:s29+$0xFFFFFFC0]  }
0x178: {  	v12 =	vunpack.i.l.bf16.f32 v2;
	[tilespmem:s28+$0xFFFFFEB0] =	vst v6;
	v6 =	vunpack.i.l.bf16.f32 v11;
	v0 =	vld [tilespmem:s0+$0xFFFFFFF0];
	v7 =	vadd.s32 $0x2800, v7  }
0x179: {  	v2 =	vunpack.i.u.bf16.f32 v2;
	v13 =	vld [tilespmem:s14+$0xFFFFFF40];
	[tilespmem:s28+$0x30] =	vst v10;
	v10 =	vunpack.i.u.bf16.f32 v11;
	v6 =	vadd.f32 v12, v6  }
0x17a: {  	v11 =	vld [tilespmem:s29+$0xFFFFFF40];
	[tilespmem:s28+$0xB0] =	vst v1;
	v1 =	vadd.f32 v2, v10;
	v2 =	vadd.s32 $0x2800, v3  }
0x17b: {  	v3 =	vadd.s32 $0x2800, v9;
	v9 =	vld [tilespmem:s14+$0x40];
	[tilespmem:s28+$0x140] =	vst v6  }
0x17c: {  	v6 =	vld [tilespmem:s29+$0x40];
	[tilespmem:s28+$0x1C0] =	vst v1  }
0x17d: {  	v10 =	vld [tilespmem:s14+$0xD0]  }
0x17e: {  	v12 =	vadd.s32 $0x2800, v13;
	v13 =	vld [tilespmem:s29+$0xD0]  }
0x17f: {  	v5 =	vld.idx.msk [tilespmem:v5+s2+$0x0], $0xffff  }
0x180: {  	v3 =	vld.idx.msk [tilespmem:v3+s2+$0x0], $0xffff;
	v9 =	vadd.s32 $0x2800, v9  }
0x181: {  	v1 =	vld [tilespmem:s0+$0x70];
	s0 =	smov.u32 s29  }
0x182: {  	v11 =	vld.idx.msk [tilespmem:v11+s2+$0x0], $0xffff;
	v10 =	vadd.s32 $0x2800, v10  }
0x183: {  	v12 =	vld.idx.msk [tilespmem:v12+s2+$0x0], $0xffff  }
0x184: {  	v6 =	vld.idx.msk [tilespmem:v6+s2+$0x0], $0xffff  }
0x185: {  	v14 =	vunpack.i.u.bf16.f32 v5;
	v5 =	vunpack.i.l.bf16.f32 v5;
	v9 =	vld.idx.msk [tilespmem:v9+s2+$0x0], $0xffff  }
0x186: {  	v15 =	vunpack.i.u.bf16.f32 v3;
	v3 =	vunpack.i.l.bf16.f32 v3;
	v13 =	vld.idx.msk [tilespmem:v13+s2+$0x0], $0xffff  }
0x187: {  	v3 =	vadd.f32 v3, v5;
	v5 =	vadd.f32 v15, v14;
	v10 =	vld.idx.msk [tilespmem:v10+s2+$0x0], $0xffff  }
0x188: {  	v14 =	vunpack.i.u.bf16.f32 v11;
	v11 =	vunpack.i.l.bf16.f32 v11;
	v4 =	vld.idx.msk [tilespmem:v4+s2+$0x0], $0xffff  }
0x189: {  	v15 =	vunpack.i.u.bf16.f32 v12;
	v12 =	vunpack.i.l.bf16.f32 v12;
	[tilespmem:s28+$0xFFFFFF40] =	vst v3;
	v3 =	vld.idx.msk [tilespmem:v7+s2+$0x0], $0xffff  }
0x18a: {  	v7 =	vadd.f32 v12, v11;
	v11 =	vunpack.i.l.bf16.f32 v6;
	[tilespmem:s28+$0xFFFFFFC0] =	vst v5;
	v5 =	vunpack.i.u.bf16.f32 v6;
	v17 =	vld.idx.msk [tilespmem:v2+s2+$0x0], $0xffff  }
0x18b: {  	v2 =	vadd.f32 v15, v14;
	v14 =	vunpack.i.u.bf16.f32 v9;
	v9 =	vunpack.i.l.bf16.f32 v9;
	v12 =	vld [tilespmem:s14+$0xFFFFFFD0]  }
0x18c: {  	v5 =	vadd.f32 v14, v5;
	[tilespmem:s28+$0xFFFFFE40] =	vst v7;
	v6 =	vld [tilespmem:s29+$0xFFFFFFD0];
	v7 =	vadd.f32 v9, v11  }
0x18d: {  	v9 =	vunpack.i.l.bf16.f32 v10;
	[tilespmem:s28+$0xFFFFFEC0] =	vst v2;
	v2 =	vunpack.i.l.bf16.f32 v13;
	v18 =	vld.idx.msk [tilespmem:v8+s2+$0x0], $0xffff  }
0x18e: {  	v10 =	vunpack.i.u.bf16.f32 v10;
	v11 =	vld [tilespmem:s14+$0xFFFFFF50];
	[tilespmem:s28+$0x40] =	vst v7;
	v7 =	vunpack.i.u.bf16.f32 v13;
	v2 =	vadd.f32 v9, v2  }
.Ltmp0:
0x18f: {  	v9 =	vunpack.i.u.bf16.f32 v4;
	v8 =	vld [tilespmem:s29+$0xFFFFFF50];
	[tilespmem:s28+$0xC0] =	vst v5;
	v13 =	vadd.f32 v10, v7;
	v10 =	vunpack.i.l.bf16.f32 v4;
	(pc) =	sbr.rel @p0 .LBB2_2-.Ltmp0, $4  }
0x190: {  	v5 =	vunpack.i.l.bf16.f32 v3;
	v12 =	vadd.s32 $0x2800, v12;
	v16 =	vld [tilespmem:s14+$0x50];
	[tilespmem:s28+$0x150] =	vst v2;
	v2 =	vunpack.i.u.bf16.f32 v3  }
0x191: {  	v4 =	vunpack.i.l.bf16.f32 v17;
	v3 =	vunpack.i.u.bf16.f32 v17;
	v7 =	vld [tilespmem:s29+$0x50];
	[tilespmem:s28+$0x1D0] =	vst v13  }
0x192: {  	v17 =	vld [tilespmem:s14+$0xE0]  }
0x193: {  	s14 =	sadd.s32 $0x200, s14;
	v13 =	vunpack.i.l.bf16.f32 v18;
	v14 =	vadd.s32 $0x2800, v11;
	v15 =	vld [tilespmem:s29+$0xE0];
	v11 =	vunpack.i.u.bf16.f32 v18  }
0x194: {  	_ =	sdelay $0x3  }
0x195: {  	v14 =	vld.idx.msk [tilespmem:v14+s2+$0x0], $0xffff  }
0x196: {  	v8 =	vld.idx.msk [tilespmem:v8+s2+$0x0], $0xffff;
	v16 =	vadd.s32 $0x2800, v16  }
0x197: {  	v12 =	vld.idx.msk [tilespmem:v12+s2+$0x0], $0xffff  }
0x198: {  	v6 =	vld.idx.msk [tilespmem:v6+s2+$0x0], $0xffff;
	_ =	sdelay $0x1  }
0x199: {  	v7 =	vld.idx.msk [tilespmem:v7+s2+$0x0], $0xffff;
	v17 =	vadd.s32 $0x2800, v17  }
0x19a: {  	v18 =	vunpack.i.u.bf16.f32 v14;
	v19 =	vunpack.i.u.bf16.f32 v8;
	v16 =	vld.idx.msk [tilespmem:v16+s2+$0x0], $0xffff  }
0x19b: {  	v14 =	vunpack.i.l.bf16.f32 v14;
	v8 =	vunpack.i.l.bf16.f32 v8;
	v18 =	vadd.f32 v18, v19  }
0x19c: {  	v19 =	vunpack.i.l.bf16.f32 v12;
	v8 =	vadd.f32 v14, v8;
	v14 =	vunpack.i.l.bf16.f32 v6  }
0x19d: {  	v15 =	vld.idx.msk [tilespmem:v15+s2+$0x0], $0xffff;
	v14 =	vadd.f32 v19, v14;
	[tilespmem:s30+$0xFFFFFED0] =	vst v18  }
0x19e: {  	v12 =	vunpack.i.u.bf16.f32 v12;
	v6 =	vunpack.i.u.bf16.f32 v6;
	v17 =	vld.idx.msk [tilespmem:v17+s2+$0x0], $0xffff;
	[tilespmem:s30+$0xFFFFFE50] =	vst v8  }
0x19f: {  	v6 =	vadd.f32 v12, v6;
	v8 =	vunpack.i.l.bf16.f32 v7;
	[tilespmem:s30+$0xFFFFFF50] =	vst v14;
	v14 =	vld [tilespmem:s0+$0xFFFFFF60];
	v18 =	vunpack.i.l.bf16.f32 v16  }
0x1a0: {  	v7 =	vunpack.i.u.bf16.f32 v7;
	v12 =	vunpack.i.u.bf16.f32 v16;
	v16 =	vld [tilespmem:s26+$0xFFFFFF60];
	v8 =	vadd.f32 v18, v8  }
0x1a1: {  	[tilespmem:s30+$0xFFFFFFD0] =	vst v6;
	v7 =	vadd.f32 v12, v7  }
0x1a2: {  	v6 =	vld [tilespmem:s26+$0xFFFFFFE0];
	[tilespmem:s30+$0x50] =	vst v8  }
0x1a3: {  	v12 =	vunpack.i.l.bf16.f32 v17;
	v8 =	vunpack.i.l.bf16.f32 v15;
	[tilespmem:s30+$0xD0] =	vst v7  }
0x1a4: {  	v7 =	vunpack.i.u.bf16.f32 v15;
	v15 =	vunpack.i.u.bf16.f32 v17;
	v8 =	vadd.f32 v12, v8;
	v12 =	vld [tilespmem:s26+$0x60]  }
0x1a5: {  	v7 =	vadd.f32 v15, v7;
	v15 =	vadd.s32 $0x2800, v16;
	v16 =	vld [tilespmem:s0+$0xFFFFFFE0]  }
0x1a6: {  	[tilespmem:s28+$0x160] =	vst v8  }
0x1a7: {  	v6 =	vadd.s32 $0x2800, v6;
	[tilespmem:s30+$0x1E0] =	vst v7;
	v7 =	vld [tilespmem:s0+$0x60]  }
0x1a8: {  	v14 =	vld.idx.msk [tilespmem:v14+s2+$0x0], $0xffff  }
0x1a9: {  	v8 =	vld [tilespmem:s26+$0xF0];
	v12 =	vadd.s32 $0x2800, v12  }
0x1aa: {  	v17 =	vld [tilespmem:s0+$0xF0]  }
0x1ab: {  	v15 =	vld.idx.msk [tilespmem:v15+s2+$0x0], $0xffff  }
0x1ac: {  	v6 =	vld.idx.msk [tilespmem:v6+s2+$0x0], $0xffff  }
0x1ad: {  	v16 =	vld.idx.msk [tilespmem:v16+s2+$0x0], $0xffff  }
0x1ae: {  	v12 =	vld.idx.msk [tilespmem:v12+s2+$0x0], $0xffff  }
0x1af: {  	v7 =	vld.idx.msk [tilespmem:v7+s2+$0x0], $0xffff  }
0x1b0: {  	v19 =	vunpack.i.l.bf16.f32 v14;
	v14 =	vunpack.i.u.bf16.f32 v14;
	v18 =	vunpack.i.l.bf16.f32 v15  }
0x1b1: {  	v8 =	vadd.s32 $0x2800, v8;
	v15 =	vunpack.i.u.bf16.f32 v15;
	v18 =	vadd.f32 v18, v19  }
0x1b2: {  	v19 =	vunpack.i.l.bf16.f32 v6;
	v14 =	vadd.f32 v15, v14;
	v15 =	vunpack.i.l.bf16.f32 v16  }
0x1b3: {  	v0 =	vld.idx.msk [tilespmem:v0+s2+$0x0], $0xffff;
	v6 =	vunpack.i.u.bf16.f32 v6;
	v16 =	vunpack.i.u.bf16.f32 v16;
	[tilespmem:s30+$0xFFFFFE60] =	vst v18;
	v15 =	vadd.f32 v19, v15  }
0x1b4: {  	v17 =	vld.idx.msk [tilespmem:v17+s2+$0x0], $0xffff;
	[tilespmem:s30+$0xFFFFFEE0] =	vst v14;
	v18 =	vunpack.i.l.bf16.f32 v12;
	v6 =	vadd.f32 v6, v16;
	v19 =	vunpack.i.l.bf16.f32 v7  }
0x1b5: {  	v12 =	vunpack.i.u.bf16.f32 v12;
	v7 =	vunpack.i.u.bf16.f32 v7;
	v14 =	vadd.f32 v18, v19;
	[tilespmem:s30+$0xFFFFFF60] =	vst v15;
	v15 =	vld [tilespmem:s26+$0xFFFFFF70]  }
0x1b6: {  	v8 =	vld.idx.msk [tilespmem:v8+s2+$0x0], $0xffff;
	v7 =	vadd.f32 v12, v7;
	[tilespmem:s30+$0xFFFFFFE0] =	vst v6  }
0x1b7: {  	v6 =	vld [tilespmem:s26+$0xFFFFFFF0];
	[tilespmem:s30+$0x60] =	vst v14  }
0x1b8: {  	[tilespmem:s30+$0xE0] =	vst v7;
	v7 =	vld [tilespmem:s0+$0xFFFFFF70]  }
0x1b9: {  	v12 =	vld [tilespmem:s26+$0x70]  }
0x1ba: {  	v14 =	vadd.s32 $0x2800, v15;
	v15 =	vld [tilespmem:s0+$0xFFFFFFF0]  }
0x1bb: {  	v16 =	vld [tilespmem:s0+$0x70]  }
0x1bc: {  	v9 =	vadd.f32 v9, v11;
	v6 =	vadd.s32 $0x2800, v6;
	_ =	sdelay $0x1  }
0x1bd: {  	v10 =	vadd.f32 v10, v13;
	v1 =	vld.idx.msk [tilespmem:v1+s2+$0x0], $0xffff;
	[tilespmem:s25+$0xFFFFFEF0] =	vst v9;
	v9 =	vunpack.i.l.bf16.f32 v0  }
0x1be: {  	v5 =	vadd.f32 v5, v9;
	v12 =	vadd.s32 $0x2800, v12;
	v14 =	vld.idx.msk [tilespmem:v14+s2+$0x0], $0xffff  }
0x1bf: {  	[tilespmem:s25+$0xFFFFFE70] =	vst v10;
	v10 =	vunpack.i.l.bf16.f32 v17;
	v13 =	vunpack.i.u.bf16.f32 v8;
	v8 =	vunpack.i.l.bf16.f32 v8;
	v7 =	vld.idx.msk [tilespmem:v7+s2+$0x0], $0xffff  }
0x1c0: {  	v0 =	vunpack.i.u.bf16.f32 v0;
	v8 =	vadd.f32 v8, v10;
	v6 =	vld.idx.msk [tilespmem:v6+s2+$0x0], $0xffff  }
0x1c1: {  	v0 =	vadd.f32 v2, v0;
	[tilespmem:s25+$0xFFFFFF70] =	vst v5;
	v11 =	vunpack.i.u.bf16.f32 v17;
	v9 =	vld.idx.msk [tilespmem:v15+s2+$0x0], $0xffff  }
0x1c2: {  	v11 =	vadd.f32 v13, v11;
	[tilespmem:s30+$0x170] =	vst v8;
	v8 =	vunpack.i.l.bf16.f32 v1;
	v5 =	vld.idx.msk [tilespmem:v16+s2+$0x0], $0xffff  }
0x1c3: {  	[tilespmem:s25+$0xFFFFFFF0] =	vst v0;
	v1 =	vunpack.i.u.bf16.f32 v1;
	v4 =	vadd.f32 v4, v8;
	v2 =	vld.idx.msk [tilespmem:v12+s2+$0x0], $0xffff  }
0x1c4: {  	[tilespmem:s30+$0x1F0] =	vst v11;
	v1 =	vadd.f32 v3, v1;
	v0 =	vunpack.i.l.bf16.f32 v14;
	v3 =	vunpack.i.l.bf16.f32 v7  }
0x1c5: {  	[tilespmem:s25+$0x70] =	vst v4;
	v4 =	vunpack.i.u.bf16.f32 v14;
	v7 =	vunpack.i.u.bf16.f32 v7;
	v0 =	vadd.f32 v0, v3  }
0x1c6: {  	[tilespmem:s25+$0xF0] =	vst v1;
	v1 =	vunpack.i.l.bf16.f32 v6;
	v3 =	vadd.f32 v4, v7;
	v4 =	vunpack.i.l.bf16.f32 v9  }
0x1c7: {  	v6 =	vunpack.i.u.bf16.f32 v6;
	[tilespmem:s30+$0xFFFFFE70] =	vst v0;
	v0 =	vunpack.i.u.bf16.f32 v9;
	v1 =	vadd.f32 v1, v4  }
0x1c8: {  	[tilespmem:s30+$0xFFFFFEF0] =	vst v3;
	v3 =	vunpack.i.l.bf16.f32 v5;
	v4 =	vunpack.i.l.bf16.f32 v2;
	v0 =	vadd.f32 v6, v0  }
0x1c9: {  	v5 =	vunpack.i.u.bf16.f32 v5;
	v2 =	vunpack.i.u.bf16.f32 v2;
	v3 =	vadd.f32 v4, v3;
	[tilespmem:s30+$0xFFFFFF70] =	vst v1  }
0x1ca: {  	v1 =	vadd.f32 v2, v5;
	[tilespmem:s30+$0xFFFFFFF0] =	vst v0  }
0x1cb: {  	[tilespmem:s30+$0x70] =	vst v3  }
0x1cc: {  	[tilespmem:s30+$0xF0] =	vst v1  }
0x1cd: {  	[hbm4b:s9+s2] =	stream.linear.scatter [tilespmem:s20], [sflag:$0x3], $0x2800, $0x38;
	[tilespmem:$0xEE00] =	vst v63  }
0x1ce: {  	_ =	swait.ge [sflag:s21], $0x1380  }
0x1cf: {  	[sflag:s21] =	ssyncset.done $0x0  }
0x1d0: {  	[sflag:s21] =	ssyncadd.s32 $0xFFFFEC80  }
0x1d1: {  	_ =	swait.ge [sflag:s21], $0x1380  }
0x1d2: {  	[sflag:s21] =	ssyncset.done $0x0  }
0x1d3: {  	s1 =	simm.s32 $0x8D70;
	[sflag:s21] =	ssyncadd.s32 $0xFFFFEC80  }
0x1d4: {  	s16 =	simm.s32 $0x65F0;
	v0 =	vld [tilespmem:s1+$0xFFFFFF90]  }
0x1d5: {  	v1 =	vld [tilespmem:s16+$0xFFFFFF90];
	_ =	sdelay $0x3  }
0x1d6: {  	v0 =	vadd.s32 $0x2800, v0;
	_ =	sdelay $0x1  }
0x1d7: {  	v2 =	vld [tilespmem:s1+$0xFFFFFE90]  }
0x1d8: {  	s25 =	simm.s32 $0x0;
	v3 =	vld [tilespmem:s16+$0xFFFFFE90]  }
0x1d9: {  	v1 =	vld.idx.msk [tilespmem:v1+s25+$0x0], $0xffff  }
0x1da: {  	v0 =	vld.idx.msk [tilespmem:v0+s25+$0x0], $0xffff;
	_ =	sdelay $0x1  }
0x1db: {  	v2 =	vadd.s32 $0x2800, v2  }
0x1dc: {  	v4 =	vld [tilespmem:s1+$0xFFFFFE10]  }
0x1dd: {  	v5 =	vld [tilespmem:s1+$0xFFFFFF10]  }
0x1de: {  	v9 =	vld [tilespmem:s16+$0xFFFFFE10];
	v7 =	vunpack.i.l.bf16.f32 v1;
	v8 =	vunpack.i.l.bf16.f32 v0  }
0x1df: {  	v3 =	vld.idx.msk [tilespmem:v3+s25+$0x0], $0xffff;
	v1 =	vunpack.i.u.bf16.f32 v1;
	v0 =	vunpack.i.u.bf16.f32 v0;
	v7 =	vadd.f32 v8, v7  }
0x1e0: {  	s26 =	simm.s32 $0xCAF0;
	v2 =	vld.idx.msk [tilespmem:v2+s25+$0x0], $0xffff;
	v0 =	vadd.f32 v0, v1  }
0x1e1: {  	v6 =	vld [tilespmem:s16+$0xFFFFFF10];
	[tilespmem:s26+$0xFFFFFF10] =	vst v7  }
0x1e2: {  	v1 =	vadd.s32 $0x2800, v4;
	[tilespmem:s26+$0xFFFFFF90] =	vst v0  }
0x1e3: {  	v0 =	vadd.s32 $0x2800, v5;
	v4 =	vld [tilespmem:s1+$0xFFFFFFA0]  }
0x1e4: {  	v5 =	vld [tilespmem:s16+$0xFFFFFFA0]  }
0x1e5: {  	v8 =	vunpack.i.l.bf16.f32 v3;
	v7 =	vunpack.i.l.bf16.f32 v2  }
0x1e6: {  	v7 =	vadd.f32 v7, v8;
	v8 =	vld.idx.msk [tilespmem:v9+s25+$0x0], $0xffff  }
0x1e7: {  	v3 =	vunpack.i.u.bf16.f32 v3;
	v2 =	vunpack.i.u.bf16.f32 v2;
	v1 =	vld.idx.msk [tilespmem:v1+s25+$0x0], $0xffff  }
0x1e8: {  	v2 =	vadd.f32 v2, v3;
	v0 =	vld.idx.msk [tilespmem:v0+s25+$0x0], $0xffff;
	v3 =	vadd.s32 $0x2800, v4  }
0x1e9: {  	[tilespmem:s26+$0xFFFFFD10] =	vst v7;
	v4 =	vld.idx.msk [tilespmem:v6+s25+$0x0], $0xffff  }
0x1ea: {  	[tilespmem:s26+$0xFFFFFD90] =	vst v2  }
0x1eb: {  	v2 =	vld [tilespmem:s1+$0xFFFFFEA0]  }
0x1ec: {  	v7 =	vunpack.i.l.bf16.f32 v8;
	v6 =	vunpack.i.l.bf16.f32 v1;
	v5 =	vld.idx.msk [tilespmem:v5+s25+$0x0], $0xffff  }
0x1ed: {  	v8 =	vunpack.i.u.bf16.f32 v8;
	v1 =	vunpack.i.u.bf16.f32 v1;
	v6 =	vadd.f32 v6, v7;
	v3 =	vld.idx.msk [tilespmem:v3+s25+$0x0], $0xffff  }
0x1ee: {  	v1 =	vadd.f32 v1, v8;
	v7 =	vunpack.i.l.bf16.f32 v0;
	v9 =	vunpack.i.l.bf16.f32 v4  }
0x1ef: {  	v0 =	vunpack.i.u.bf16.f32 v0;
	v4 =	vunpack.i.u.bf16.f32 v4;
	[tilespmem:s26+$0xFFFFFC10] =	vst v6;
	v7 =	vadd.f32 v7, v9  }
0x1f0: {  	[tilespmem:s26+$0xFFFFFC90] =	vst v1;
	v0 =	vadd.f32 v0, v4;
	v4 =	vld [tilespmem:s16+$0xFFFFFEA0]  }
0x1f1: {  	v1 =	vadd.s32 $0x2800, v2;
	v2 =	vld [tilespmem:s1+$0xFFFFFE20];
	[tilespmem:s26+$0xFFFFFE10] =	vst v7  }
0x1f2: {  	[tilespmem:s26+$0xFFFFFE90] =	vst v0;
	v0 =	vunpack.i.l.bf16.f32 v5;
	v6 =	vunpack.i.l.bf16.f32 v3  }
0x1f3: {  	v5 =	vunpack.i.u.bf16.f32 v5;
	v7 =	vld [tilespmem:s1+$0xFFFFFF20];
	v3 =	vunpack.i.u.bf16.f32 v3;
	v0 =	vadd.f32 v6, v0  }
0x1f4: {  	v6 =	vld [tilespmem:s16+$0xFFFFFE20];
	v3 =	vadd.f32 v3, v5  }
0x1f5: {  	v5 =	vld [tilespmem:s16+$0xFFFFFF20];
	[tilespmem:s26+$0xFFFFFF20] =	vst v0  }
0x1f6: {  	v0 =	vld.idx.msk [tilespmem:v1+s25+$0x0], $0xffff;
	v1 =	vadd.s32 $0x2800, v2;
	[tilespmem:s26+$0xFFFFFFA0] =	vst v3  }
0x1f7: {  	v2 =	vld [tilespmem:s1+$0xFFFFFFB0]  }
0x1f8: {  	v3 =	vld [tilespmem:s16+$0xFFFFFFB0]  }
0x1f9: {  	v4 =	vld.idx.msk [tilespmem:v4+s25+$0x0], $0xffff;
	v7 =	vadd.s32 $0x2800, v7;
	_ =	sdelay $0x1  }
0x1fa: {  	v1 =	vld.idx.msk [tilespmem:v1+s25+$0x0], $0xffff  }
0x1fb: {  	v6 =	vld.idx.msk [tilespmem:v6+s25+$0x0], $0xffff;
	v2 =	vadd.s32 $0x2800, v2  }
0x1fc: {  	v5 =	vld.idx.msk [tilespmem:v5+s25+$0x0], $0xffff  }
0x1fd: {  	v8 =	vunpack.i.l.bf16.f32 v0;
	v9 =	vunpack.i.l.bf16.f32 v4;
	v7 =	vld.idx.msk [tilespmem:v7+s25+$0x0], $0xffff  }
0x1fe: {  	v0 =	vunpack.i.u.bf16.f32 v0;
	v4 =	vunpack.i.u.bf16.f32 v4;
	v8 =	vadd.f32 v8, v9  }
0x1ff: {  	v0 =	vadd.f32 v0, v4;
	v3 =	vld.idx.msk [tilespmem:v3+s25+$0x0], $0xffff  }
0x200: {  	[tilespmem:s26+$0xFFFFFD20] =	vst v8;
	v4 =	vunpack.i.l.bf16.f32 v1;
	v8 =	vunpack.i.l.bf16.f32 v6;
	v2 =	vld.idx.msk [tilespmem:v2+s25+$0x0], $0xffff  }
0x201: {  	[tilespmem:s26+$0xFFFFFDA0] =	vst v0;
	v0 =	vunpack.i.u.bf16.f32 v1;
	v1 =	vunpack.i.u.bf16.f32 v6;
	v4 =	vadd.f32 v4, v8  }
0x202: {  	v6 =	vunpack.i.l.bf16.f32 v5;
	v9 =	vunpack.i.l.bf16.f32 v7;
	v8 =	vld [tilespmem:s1+$0xFFFFFEB0];
	v0 =	vadd.f32 v0, v1  }
0x203: {  	v1 =	vunpack.i.u.bf16.f32 v5;
	v5 =	vunpack.i.u.bf16.f32 v7;
	v6 =	vadd.f32 v9, v6;
	[tilespmem:s26+$0xFFFFFC20] =	vst v4  }
0x204: {  	v1 =	vadd.f32 v5, v1;
	v4 =	vld [tilespmem:s16+$0xFFFFFEB0];
	[tilespmem:s26+$0xFFFFFCA0] =	vst v0  }
0x205: {  	[tilespmem:s26+$0xFFFFFE20] =	vst v6;
	v5 =	vunpack.i.l.bf16.f32 v3;
	v0 =	vld [tilespmem:s1+$0xFFFFFE30];
	v6 =	vunpack.i.l.bf16.f32 v2  }
0x206: {  	[tilespmem:s26+$0xFFFFFEA0] =	vst v1;
	v1 =	vunpack.i.u.bf16.f32 v3;
	v2 =	vunpack.i.u.bf16.f32 v2;
	v3 =	vadd.f32 v6, v5  }
0x207: {  	v5 =	vadd.s32 $0x2800, v8;
	v6 =	vld [tilespmem:s1+$0xFFFFFF30];
	v1 =	vadd.f32 v2, v1  }
0x208: {  	v2 =	vld [tilespmem:s16+$0xFFFFFE30];
	[tilespmem:s26+$0xFFFFFF30] =	vst v3  }
0x209: {  	v3 =	vld [tilespmem:s16+$0xFFFFFF30];
	[tilespmem:s26+$0xFFFFFFB0] =	vst v1  }
0x20a: {  	v0 =	vadd.s32 $0x2800, v0;
	v1 =	vld [tilespmem:s1+$0xFFFFFFC0]  }
0x20b: {  	v7 =	vld [tilespmem:s16+$0xFFFFFFC0]  }
0x20c: {  	v5 =	vld.idx.msk [tilespmem:v5+s25+$0x0], $0xffff;
	v6 =	vadd.s32 $0x2800, v6  }
0x20d: {  	v4 =	vld.idx.msk [tilespmem:v4+s25+$0x0], $0xffff;
	_ =	sdelay $0x1  }
0x20e: {  	v0 =	vld.idx.msk [tilespmem:v0+s25+$0x0], $0xffff;
	v1 =	vadd.s32 $0x2800, v1  }
0x20f: {  	v2 =	vld.idx.msk [tilespmem:v2+s25+$0x0], $0xffff  }
0x210: {  	v6 =	vld.idx.msk [tilespmem:v6+s25+$0x0], $0xffff  }
0x211: {  	v8 =	vunpack.i.l.bf16.f32 v5;
	v9 =	vunpack.i.l.bf16.f32 v4;
	v3 =	vld.idx.msk [tilespmem:v3+s25+$0x0], $0xffff  }
0x212: {  	v5 =	vunpack.i.u.bf16.f32 v5;
	v4 =	vunpack.i.u.bf16.f32 v4;
	v8 =	vadd.f32 v8, v9;
	v7 =	vld.idx.msk [tilespmem:v7+s25+$0x0], $0xffff  }
0x213: {  	v4 =	vadd.f32 v5, v4;
	v1 =	vld.idx.msk [tilespmem:v1+s25+$0x0], $0xffff  }
0x214: {  	[tilespmem:s26+$0xFFFFFD30] =	vst v8;
	v5 =	vunpack.i.l.bf16.f32 v0;
	v8 =	vunpack.i.l.bf16.f32 v2  }
0x215: {  	[tilespmem:s26+$0xFFFFFDB0] =	vst v4;
	v0 =	vunpack.i.u.bf16.f32 v0;
	v2 =	vunpack.i.u.bf16.f32 v2;
	v4 =	vadd.f32 v5, v8  }
0x216: {  	v5 =	vld [tilespmem:s1+$0xFFFFFEC0];
	v0 =	vadd.f32 v0, v2;
	v8 =	vunpack.i.l.bf16.f32 v6;
	v9 =	vunpack.i.l.bf16.f32 v3  }
0x217: {  	v2 =	vunpack.i.u.bf16.f32 v6;
	v3 =	vunpack.i.u.bf16.f32 v3;
	v6 =	vadd.f32 v8, v9;
	[tilespmem:s26+$0xFFFFFC30] =	vst v4  }
0x218: {  	v4 =	vld [tilespmem:s16+$0xFFFFFEC0];
	v2 =	vadd.f32 v2, v3;
	[tilespmem:s26+$0xFFFFFCB0] =	vst v0;
	v0 =	vunpack.i.l.bf16.f32 v7;
	v3 =	vunpack.i.l.bf16.f32 v1  }
0x219: {  	v8 =	vld [tilespmem:s1+$0xFFFFFE40];
	[tilespmem:s26+$0xFFFFFE30] =	vst v6;
	v6 =	vunpack.i.u.bf16.f32 v7;
	v1 =	vunpack.i.u.bf16.f32 v1;
	v0 =	vadd.f32 v3, v0  }
0x21a: {  	[tilespmem:s26+$0xFFFFFEB0] =	vst v2;
	v3 =	vld [tilespmem:s16+$0xFFFFFE40];
	v1 =	vadd.f32 v1, v6  }
0x21b: {  	v2 =	vadd.s32 $0x2800, v5;
	v5 =	vld [tilespmem:s1+$0xFFFFFF40];
	[tilespmem:s26+$0xFFFFFF40] =	vst v0  }
0x21c: {  	v0 =	vld [tilespmem:s16+$0xFFFFFF40];
	[tilespmem:s26+$0xFFFFFFC0] =	vst v1  }
0x21d: {  	v1 =	vld [tilespmem:s1+$0xFFFFFFD0]  }
0x21e: {  	v6 =	vadd.s32 $0x2800, v8;
	v7 =	vld [tilespmem:s16+$0xFFFFFFD0];
	_ =	sdelay $0x1  }
0x21f: {  	v2 =	vld.idx.msk [tilespmem:v2+s25+$0x0], $0xffff;
	v5 =	vadd.s32 $0x2800, v5  }
0x220: {  	v4 =	vld.idx.msk [tilespmem:v4+s25+$0x0], $0xffff  }
0x221: {  	v3 =	vld.idx.msk [tilespmem:v3+s25+$0x0], $0xffff;
	v1 =	vadd.s32 $0x2800, v1  }
0x222: {  	v6 =	vld.idx.msk [tilespmem:v6+s25+$0x0], $0xffff  }
0x223: {  	v0 =	vld.idx.msk [tilespmem:v0+s25+$0x0], $0xffff  }
0x224: {  	v5 =	vld.idx.msk [tilespmem:v5+s25+$0x0], $0xffff  }
0x225: {  	v8 =	vunpack.i.l.bf16.f32 v2;
	v9 =	vunpack.i.l.bf16.f32 v4;
	v7 =	vld.idx.msk [tilespmem:v7+s25+$0x0], $0xffff  }
0x226: {  	v2 =	vunpack.i.u.bf16.f32 v2;
	v4 =	vunpack.i.u.bf16.f32 v4;
	v8 =	vadd.f32 v8, v9;
	v1 =	vld.idx.msk [tilespmem:v1+s25+$0x0], $0xffff  }
0x227: {  	v2 =	vadd.f32 v2, v4;
	v4 =	vunpack.i.l.bf16.f32 v3;
	v9 =	vunpack.i.l.bf16.f32 v6  }
0x228: {  	v3 =	vunpack.i.u.bf16.f32 v3;
	v6 =	vunpack.i.u.bf16.f32 v6;
	[tilespmem:s26+$0xFFFFFD40] =	vst v8;
	v4 =	vadd.f32 v9, v4  }
0x229: {  	[tilespmem:s26+$0xFFFFFDC0] =	vst v2;
	v3 =	vadd.f32 v6, v3;
	v2 =	vunpack.i.l.bf16.f32 v0;
	v6 =	vunpack.i.l.bf16.f32 v5  }
0x22a: {  	v8 =	vld [tilespmem:s1+$0xFFFFFED0];
	v0 =	vunpack.i.u.bf16.f32 v0;
	v5 =	vunpack.i.u.bf16.f32 v5;
	[tilespmem:s26+$0xFFFFFC40] =	vst v4;
	v2 =	vadd.f32 v6, v2  }
0x22b: {  	v4 =	vld [tilespmem:s16+$0xFFFFFED0];
	v0 =	vadd.f32 v5, v0;
	[tilespmem:s26+$0xFFFFFCC0] =	vst v3;
	v3 =	vunpack.i.l.bf16.f32 v7;
	v5 =	vunpack.i.l.bf16.f32 v1  }
0x22c: {  	v6 =	vld [tilespmem:s1+$0xFFFFFE50];
	[tilespmem:s26+$0xFFFFFE40] =	vst v2;
	v2 =	vunpack.i.u.bf16.f32 v7;
	v1 =	vunpack.i.u.bf16.f32 v1;
	v3 =	vadd.f32 v5, v3  }
0x22d: {  	[tilespmem:s26+$0xFFFFFEC0] =	vst v0;
	v5 =	vld [tilespmem:s16+$0xFFFFFE50];
	v0 =	vadd.f32 v1, v2  }
0x22e: {  	v1 =	vld [tilespmem:s1+$0xFFFFFF50];
	[tilespmem:s26+$0xFFFFFF50] =	vst v3  }
0x22f: {  	v2 =	vadd.s32 $0x2800, v8;
	v3 =	vld [tilespmem:s16+$0xFFFFFF50];
	[tilespmem:s26+$0xFFFFFFD0] =	vst v0  }
0x230: {  	v0 =	vld [tilespmem:s1+$0xFFFFFFE0]  }
0x231: {  	v6 =	vadd.s32 $0x2800, v6;
	v7 =	vld [tilespmem:s16+$0xFFFFFFE0];
	_ =	sdelay $0x1  }
0x232: {  	v4 =	vld.idx.msk [tilespmem:v4+s25+$0x0], $0xffff;
	v1 =	vadd.s32 $0x2800, v1  }
0x233: {  	v2 =	vld.idx.msk [tilespmem:v2+s25+$0x0], $0xffff  }
0x234: {  	v5 =	vld.idx.msk [tilespmem:v5+s25+$0x0], $0xffff;
	v0 =	vadd.s32 $0x2800, v0  }
0x235: {  	v6 =	vld.idx.msk [tilespmem:v6+s25+$0x0], $0xffff  }
0x236: {  	v3 =	vld.idx.msk [tilespmem:v3+s25+$0x0], $0xffff  }
0x237: {  	v1 =	vld.idx.msk [tilespmem:v1+s25+$0x0], $0xffff  }
0x238: {  	v8 =	vunpack.i.l.bf16.f32 v4;
	v7 =	vld.idx.msk [tilespmem:v7+s25+$0x0], $0xffff  }
0x239: {  	v9 =	vunpack.i.l.bf16.f32 v2;
	v4 =	vunpack.i.u.bf16.f32 v4;
	v2 =	vunpack.i.u.bf16.f32 v2;
	v0 =	vld.idx.msk [tilespmem:v0+s25+$0x0], $0xffff  }
0x23a: {  	v8 =	vadd.f32 v9, v8;
	v2 =	vadd.f32 v2, v4;
	v4 =	vunpack.i.l.bf16.f32 v5  }
0x23b: {  	v9 =	vunpack.i.l.bf16.f32 v6;
	v5 =	vunpack.i.u.bf16.f32 v5;
	v6 =	vunpack.i.u.bf16.f32 v6  }
0x23c: {  	s28 =	simm.s32 $0x8F70;
	[tilespmem:s26+$0xFFFFFDD0] =	vst v2;
	v5 =	vadd.f32 v6, v5;
	v2 =	vunpack.i.l.bf16.f32 v3;
	v6 =	vunpack.i.l.bf16.f32 v1  }
0x23d: {  	v10 =	vld [tilespmem:s28+$0xFFFFFE10];
	v3 =	vunpack.i.u.bf16.f32 v3;
	v1 =	vunpack.i.u.bf16.f32 v1;
	v2 =	vadd.f32 v6, v2  }
0x23e: {  	s30 =	simm.s32 $0x67F0;
	v11 =	vld [tilespmem:s28+$0xFFFFFE90];
	v1 =	vadd.f32 v1, v3;
	[tilespmem:s26+$0xFFFFFCD0] =	vst v5;
	v3 =	vunpack.i.l.bf16.f32 v7;
	v5 =	vunpack.i.l.bf16.f32 v0  }
0x23f: {  	v13 =	vld [tilespmem:s30+$0xFFFFFE90];
	[tilespmem:s26+$0xFFFFFE50] =	vst v2;
	v2 =	vunpack.i.u.bf16.f32 v7;
	v0 =	vunpack.i.u.bf16.f32 v0;
	v3 =	vadd.f32 v5, v3  }
0x240: {  	v14 =	vld [tilespmem:s30+$0xFFFFFF10];
	v0 =	vadd.f32 v0, v2  }
0x241: {  	v15 =	vld [tilespmem:s30+$0xFFFFFE10];
	[tilespmem:s26+$0xFFFFFF60] =	vst v3  }
0x242: {  	v12 =	vld [tilespmem:s28+$0xFFFFFF10];
	[tilespmem:s26+$0xFFFFFFE0] =	vst v0  }
0x243: {  	v0 =	vld [tilespmem:s1+$0xFFFFFFF0]  }
0x244: {  	v2 =	vld [tilespmem:s16+$0xFFFFFFF0]  }
0x245: {  	v10 =	vadd.s32 $0x2800, v10;
	v3 =	vld [tilespmem:s28+$0xFFFFFF90]  }
0x246: {  	v11 =	vadd.s32 $0x2800, v11;
	v4 =	vadd.f32 v9, v4;
	v9 =	vld [tilespmem:s30+$0xFFFFFF90]  }
0x247: {  	v13 =	vld.idx.msk [tilespmem:v13+s25+$0x0], $0xffff  }
0x248: {  	v14 =	vld.idx.msk [tilespmem:v14+s25+$0x0], $0xffff;
	v0 =	vadd.s32 $0x2800, v0  }
0x249: {  	v15 =	vld.idx.msk [tilespmem:v15+s25+$0x0], $0xffff  }
0x24a: {  	v10 =	vld.idx.msk [tilespmem:v10+s25+$0x0], $0xffff;
	v3 =	vadd.s32 $0x2800, v3  }
0x24b: {  	v12 =	vadd.s32 $0x2800, v12;
	v11 =	vld.idx.msk [tilespmem:v11+s25+$0x0], $0xffff  }
0x24c: {  	v2 =	vld.idx.msk [tilespmem:v2+s25+$0x0], $0xffff  }
0x24d: {  	v0 =	vld.idx.msk [tilespmem:v0+s25+$0x0], $0xffff  }
0x24e: {  	v9 =	vld.idx.msk [tilespmem:v9+s25+$0x0], $0xffff  }
0x24f: {  	v3 =	vld.idx.msk [tilespmem:v3+s25+$0x0], $0xffff  }
0x250: {  	v12 =	vld.idx.msk [tilespmem:v12+s25+$0x0], $0xffff;
	[tilespmem:s26+$0xFFFFFD50] =	vst v8  }
0x251: {  	v8 =	vld [tilespmem:s1+$0xFFFFFEE0];
	[tilespmem:s26+$0xFFFFFED0] =	vst v1  }
0x252: {  	[tilespmem:s26+$0xFFFFFC50] =	vst v4;
	v1 =	vld [tilespmem:s1+$0xFFFFFF60];
	v16 =	vunpack.i.l.bf16.f32 v2;
	v17 =	vunpack.i.l.bf16.f32 v0  }
0x253: {  	v6 =	vld [tilespmem:s1+$0xFFFFFE60];
	v2 =	vunpack.i.u.bf16.f32 v2;
	v0 =	vunpack.i.u.bf16.f32 v0;
	v16 =	vadd.f32 v17, v16  }
0x254: {  	v4 =	vld [tilespmem:s16+$0xFFFFFEE0];
	v18 =	vunpack.i.l.bf16.f32 v3;
	v17 =	vunpack.i.l.bf16.f32 v9;
	v0 =	vadd.f32 v0, v2  }
0x255: {  	v5 =	vld [tilespmem:s16+$0xFFFFFE60];
	v3 =	vunpack.i.u.bf16.f32 v3;
	v2 =	vunpack.i.u.bf16.f32 v9;
	v9 =	vadd.f32 v18, v17;
	[tilespmem:s26+$0xFFFFFF70] =	vst v16  }
0x256: {  	s29 =	simm.s32 $0xCEF0;
	v7 =	vld [tilespmem:s16+$0xFFFFFF60];
	v8 =	vadd.s32 $0x2800, v8;
	v2 =	vadd.f32 v3, v2;
	[tilespmem:s26+$0xFFFFFFF0] =	vst v0  }
0x257: {  	v0 =	vadd.s32 $0x2800, v1;
	[tilespmem:s29+$0xFFFFFF10] =	vst v9;
	v1 =	vld [tilespmem:s1+$0x0]  }
0x258: {  	v6 =	vadd.s32 $0x2800, v6;
	[tilespmem:s29+$0xFFFFFF90] =	vst v2;
	v2 =	vld [tilespmem:s16+$0x0]  }
0x259: {  	v3 =	vunpack.i.l.bf16.f32 v11;
	v9 =	vunpack.i.l.bf16.f32 v13;
	v16 =	vld [tilespmem:s28+$0xFFFFFFA0]  }
0x25a: {  	v11 =	vunpack.i.u.bf16.f32 v11;
	v13 =	vunpack.i.u.bf16.f32 v13;
	v3 =	vadd.f32 v3, v9;
	v9 =	vld [tilespmem:s30+$0xFFFFFFA0]  }
0x25b: {  	v8 =	vld.idx.msk [tilespmem:v8+s25+$0x0], $0xffff;
	v11 =	vadd.f32 v11, v13  }
0x25c: {  	v4 =	vld.idx.msk [tilespmem:v4+s25+$0x0], $0xffff;
	[tilespmem:s29+$0xFFFFFD10] =	vst v3  }
0x25d: {  	v6 =	vld.idx.msk [tilespmem:v6+s25+$0x0], $0xffff;
	[tilespmem:s29+$0xFFFFFD90] =	vst v11  }
0x25e: {  	v11 =	vld [tilespmem:s28+$0xFFFFFEA0];
	v1 =	vadd.s32 $0x2800, v1  }
0x25f: {  	v17 =	vld [tilespmem:s30+$0xFFFFFEA0];
	v13 =	vadd.s32 $0x2800, v16  }
0x260: {  	v5 =	vld.idx.msk [tilespmem:v5+s25+$0x0], $0xffff;
	v3 =	vunpack.i.l.bf16.f32 v12;
	v16 =	vunpack.i.l.bf16.f32 v14  }
0x261: {  	v12 =	vunpack.i.u.bf16.f32 v12;
	v14 =	vunpack.i.u.bf16.f32 v14;
	v16 =	vadd.f32 v3, v16;
	v3 =	vld.idx.msk [tilespmem:v2+s25+$0x0], $0xffff  }
0x262: {  	v18 =	vunpack.i.l.bf16.f32 v10;
	v12 =	vadd.f32 v12, v14;
	v14 =	vunpack.i.l.bf16.f32 v15;
	v9 =	vld.idx.msk [tilespmem:v9+s25+$0x0], $0xffff  }
0x263: {  	v14 =	vadd.f32 v18, v14;
	[tilespmem:s29+$0xFFFFFE10] =	vst v16;
	v2 =	vld.idx.msk [tilespmem:v1+s25+$0x0], $0xffff;
	v1 =	vunpack.i.u.bf16.f32 v10;
	v10 =	vunpack.i.u.bf16.f32 v15  }
0x264: {  	[tilespmem:s29+$0xFFFFFE90] =	vst v12;
	v1 =	vadd.f32 v1, v10;
	v10 =	vadd.s32 $0x2800, v11;
	v11 =	vld.idx.msk [tilespmem:v13+s25+$0x0], $0xffff  }
0x265: {  	v7 =	vld.idx.msk [tilespmem:v7+s25+$0x0], $0xffff;
	[tilespmem:s29+$0xFFFFFC10] =	vst v14;
	v14 =	vunpack.i.u.bf16.f32 v6  }
0x266: {  	v12 =	vld [tilespmem:s28+$0xFFFFFF20];
	v15 =	vunpack.i.u.bf16.f32 v5;
	v6 =	vunpack.i.l.bf16.f32 v6;
	v5 =	vunpack.i.l.bf16.f32 v5  }
0x267: {  	v5 =	vadd.f32 v6, v5;
	v6 =	vld.idx.msk [tilespmem:v17+s25+$0x0], $0xffff  }
0x268: {  	v14 =	vadd.f32 v14, v15;
	[tilespmem:s29+$0xFFFFFC90] =	vst v1;
	v1 =	vld [tilespmem:s30+$0xFFFFFF20]  }
0x269: {  	v13 =	vld [tilespmem:s28+$0xFFFFFE20];
	v15 =	vunpack.i.l.bf16.f32 v9;
	v17 =	vunpack.i.l.bf16.f32 v11  }
0x26a: {  	[tilespmem:s26+$0xFFFFFCE0] =	vst v14;
	v16 =	vld [tilespmem:s30+$0xFFFFFE20];
	v9 =	vunpack.i.u.bf16.f32 v9;
	v11 =	vunpack.i.u.bf16.f32 v11;
	v14 =	vadd.f32 v17, v15  }
0x26b: {  	[tilespmem:s26+$0xFFFFFC60] =	vst v5;
	v10 =	vld.idx.msk [tilespmem:v10+s25+$0x0], $0xffff;
	v9 =	vadd.f32 v11, v9  }
0x26c: {  	v0 =	vld.idx.msk [tilespmem:v0+s25+$0x0], $0xffff;
	v11 =	vadd.s32 $0x2800, v12;
	[tilespmem:s29+$0xFFFFFF20] =	vst v14  }
0x26d: {  	v12 =	vld [tilespmem:s1+$0xFFFFFE70];
	[tilespmem:s29+$0xFFFFFFA0] =	vst v9  }
0x26e: {  	v9 =	vld [tilespmem:s28+$0xFFFFFFB0]  }
0x26f: {  	v5 =	vadd.s32 $0x2800, v13;
	v14 =	vunpack.i.l.bf16.f32 v6;
	v15 =	vld [tilespmem:s30+$0xFFFFFFB0]  }
0x270: {  	v6 =	vunpack.i.u.bf16.f32 v6;
	v1 =	vld.idx.msk [tilespmem:v1+s25+$0x0], $0xffff;
	v13 =	vunpack.i.l.bf16.f32 v10;
	v10 =	vunpack.i.u.bf16.f32 v10  }
0x271: {  	v13 =	vadd.f32 v13, v14;
	v14 =	vunpack.i.l.bf16.f32 v8;
	v6 =	vadd.f32 v10, v6;
	v10 =	vld.idx.msk [tilespmem:v11+s25+$0x0], $0xffff  }
0x272: {  	v11 =	vunpack.i.l.bf16.f32 v4;
	v8 =	vunpack.i.u.bf16.f32 v8;
	v4 =	vunpack.i.u.bf16.f32 v4;
	v16 =	vld.idx.msk [tilespmem:v16+s25+$0x0], $0xffff  }
0x273: {  	v11 =	vadd.f32 v14, v11;
	v4 =	vadd.f32 v8, v4;
	v8 =	vld [tilespmem:s16+$0xFFFFFE70];
	[tilespmem:s29+$0xFFFFFD20] =	vst v13  }
0x274: {  	v5 =	vld.idx.msk [tilespmem:v5+s25+$0x0], $0xffff;
	[tilespmem:s29+$0xFFFFFDA0] =	vst v6;
	v6 =	vadd.s32 $0x2800, v9  }
0x275: {  	v13 =	vunpack.i.l.bf16.f32 v7;
	v9 =	vunpack.i.l.bf16.f32 v0;
	v14 =	vld [tilespmem:s28+$0xFFFFFEB0];
	[tilespmem:s26+$0xFFFFFD60] =	vst v11  }
0x276: {  	v7 =	vunpack.i.u.bf16.f32 v7;
	v0 =	vunpack.i.u.bf16.f32 v0;
	v11 =	vld [tilespmem:s30+$0xFFFFFEB0];
	[tilespmem:s26+$0xFFFFFDE0] =	vst v4;
	v9 =	vadd.f32 v9, v13  }
0x277: {  	v0 =	vadd.f32 v0, v7;
	v4 =	vld [tilespmem:s1+$0xFFFFFEF0]  }
0x278: {  	v7 =	vadd.s32 $0x2800, v12;
	v12 =	vunpack.i.l.bf16.f32 v1;
	[tilespmem:s26+$0xFFFFFE60] =	vst v9;
	v9 =	vunpack.i.l.bf16.f32 v10;
	v13 =	vld.idx.msk [tilespmem:v15+s25+$0x0], $0xffff  }
0x279: {  	[tilespmem:s26+$0xFFFFFEE0] =	vst v0;
	v0 =	vunpack.i.l.bf16.f32 v16;
	v15 =	vunpack.i.l.bf16.f32 v5;
	v9 =	vadd.f32 v9, v12;
	v6 =	vld.idx.msk [tilespmem:v6+s25+$0x0], $0xffff  }
0x27a: {  	v5 =	vunpack.i.u.bf16.f32 v5;
	v12 =	vunpack.i.u.bf16.f32 v16;
	v0 =	vadd.f32 v15, v0;
	v15 =	vld [tilespmem:s1+$0xFFFFFF70]  }
0x27b: {  	v1 =	vunpack.i.u.bf16.f32 v1;
	v10 =	vunpack.i.u.bf16.f32 v10;
	v5 =	vadd.f32 v5, v12;
	[tilespmem:s29+$0xFFFFFE20] =	vst v9;
	v9 =	vld [tilespmem:s16+$0xFFFFFEF0]  }
0x27c: {  	v1 =	vadd.f32 v10, v1;
	v8 =	vld.idx.msk [tilespmem:v8+s25+$0x0], $0xffff;
	[tilespmem:s29+$0xFFFFFC20] =	vst v0  }
0x27d: {  	[tilespmem:s29+$0xFFFFFCA0] =	vst v5;
	v5 =	vld.idx.msk [tilespmem:v7+s25+$0x0], $0xffff  }
0x27e: {  	v10 =	vadd.s32 $0x2800, v14;
	[tilespmem:s29+$0xFFFFFEA0] =	vst v1;
	v7 =	vld [tilespmem:s28+$0xFFFFFE30];
	v1 =	vunpack.i.l.bf16.f32 v13;
	v12 =	vunpack.i.l.bf16.f32 v6  }
0x27f: {  	v14 =	vld [tilespmem:s28+$0xFFFFFF30];
	v13 =	vunpack.i.u.bf16.f32 v13;
	v6 =	vunpack.i.u.bf16.f32 v6;
	v1 =	vadd.f32 v12, v1  }
0x280: {  	v11 =	vld.idx.msk [tilespmem:v11+s25+$0x0], $0xffff;
	v6 =	vadd.f32 v6, v13  }
0x281: {  	v12 =	vld [tilespmem:s30+$0xFFFFFE30];
	[tilespmem:s29+$0xFFFFFF30] =	vst v1  }
0x282: {  	v4 =	vadd.s32 $0x2800, v4;
	v13 =	vld [tilespmem:s30+$0xFFFFFF30];
	[tilespmem:s29+$0xFFFFFFB0] =	vst v6  }
0x283: {  	v6 =	vadd.s32 $0x2800, v7;
	v7 =	vld [tilespmem:s28+$0xFFFFFFC0]  }
0x284: {  	v1 =	vadd.s32 $0x2800, v15;
	v15 =	vld [tilespmem:s30+$0xFFFFFFC0]  }
0x285: {  	v10 =	vld.idx.msk [tilespmem:v10+s25+$0x0], $0xffff;
	v14 =	vadd.s32 $0x2800, v14  }
0x286: {  	v0 =	vld [tilespmem:s16+$0xFFFFFF70]  }
0x287: {  	v4 =	vld.idx.msk [tilespmem:v4+s25+$0x0], $0xffff  }
0x288: {  	v6 =	vld.idx.msk [tilespmem:v6+s25+$0x0], $0xffff;
	v7 =	vadd.s32 $0x2800, v7  }
0x289: {  	v12 =	vld.idx.msk [tilespmem:v12+s25+$0x0], $0xffff  }
0x28a: {  	v17 =	vunpack.i.l.bf16.f32 v11;
	v16 =	vunpack.i.l.bf16.f32 v10;
	v14 =	vld.idx.msk [tilespmem:v14+s25+$0x0], $0xffff  }
0x28b: {  	v11 =	vunpack.i.u.bf16.f32 v11;
	v10 =	vunpack.i.u.bf16.f32 v10;
	v16 =	vadd.f32 v16, v17;
	v13 =	vld.idx.msk [tilespmem:v13+s25+$0x0], $0xffff  }
0x28c: {  	v10 =	vadd.f32 v10, v11;
	v11 =	vld.idx.msk [tilespmem:v15+s25+$0x0], $0xffff  }
0x28d: {  	[tilespmem:s29+$0xFFFFFD30] =	vst v16;
	v7 =	vld.idx.msk [tilespmem:v7+s25+$0x0], $0xffff  }
0x28e: {  	v9 =	vld.idx.msk [tilespmem:v9+s25+$0x0], $0xffff;
	[tilespmem:s29+$0xFFFFFDB0] =	vst v10;
	v10 =	vunpack.i.l.bf16.f32 v6;
	v15 =	vunpack.i.l.bf16.f32 v12  }
0x28f: {  	v16 =	vld [tilespmem:s28+$0xFFFFFEC0];
	v6 =	vunpack.i.u.bf16.f32 v6;
	v12 =	vunpack.i.u.bf16.f32 v12;
	v10 =	vadd.f32 v10, v15  }
0x290: {  	v0 =	vld.idx.msk [tilespmem:v0+s25+$0x0], $0xffff;
	v18 =	vunpack.i.l.bf16.f32 v13;
	v15 =	vunpack.i.l.bf16.f32 v14;
	v6 =	vadd.f32 v6, v12  }
0x291: {  	v1 =	vld.idx.msk [tilespmem:v1+s25+$0x0], $0xffff;
	v13 =	vunpack.i.u.bf16.f32 v13;
	v12 =	vunpack.i.u.bf16.f32 v14;
	v14 =	vadd.f32 v15, v18;
	[tilespmem:s29+$0xFFFFFC30] =	vst v10  }
0x292: {  	v17 =	vld [tilespmem:s30+$0xFFFFFEC0];
	v10 =	vadd.f32 v12, v13;
	[tilespmem:s29+$0xFFFFFCB0] =	vst v6;
	v6 =	vunpack.i.l.bf16.f32 v11;
	v12 =	vunpack.i.l.bf16.f32 v7  }
0x293: {  	v11 =	vunpack.i.u.bf16.f32 v11;
	v13 =	vld [tilespmem:s28+$0xFFFFFE40];
	[tilespmem:s29+$0xFFFFFE30] =	vst v14;
	v7 =	vunpack.i.u.bf16.f32 v7;
	v6 =	vadd.f32 v12, v6  }
0x294: {  	v14 =	vld [tilespmem:s30+$0xFFFFFE40];
	[tilespmem:s29+$0xFFFFFEB0] =	vst v10;
	v12 =	vadd.s32 $0x2800, v16;
	v7 =	vadd.f32 v7, v11  }
0x295: {  	v10 =	vld [tilespmem:s28+$0xFFFFFF40];
	[tilespmem:s29+$0xFFFFFF40] =	vst v6  }
0x296: {  	v11 =	vunpack.i.l.bf16.f32 v8;
	v15 =	vld [tilespmem:s30+$0xFFFFFF40];
	v6 =	vunpack.i.l.bf16.f32 v5;
	[tilespmem:s29+$0xFFFFFFC0] =	vst v7  }
0x297: {  	v5 =	vunpack.i.u.bf16.f32 v5;
	v7 =	vunpack.i.u.bf16.f32 v8;
	v6 =	vadd.f32 v6, v11;
	v8 =	vld [tilespmem:s28+$0xFFFFFFD0]  }
0x298: {  	v5 =	vadd.f32 v5, v7;
	v7 =	vadd.s32 $0x2800, v13;
	v11 =	vld [tilespmem:s30+$0xFFFFFFD0]  }
0x299: {  	[tilespmem:s26+$0xFFFFFC70] =	vst v6;
	v6 =	vld.idx.msk [tilespmem:v12+s25+$0x0], $0xffff  }
0x29a: {  	v16 =	vunpack.i.l.bf16.f32 v9;
	[tilespmem:s26+$0xFFFFFCF0] =	vst v5;
	v5 =	vld.idx.msk [tilespmem:v17+s25+$0x0], $0xffff;
	v10 =	vadd.s32 $0x2800, v10  }
0x29b: {  	v9 =	vunpack.i.u.bf16.f32 v9;
	v13 =	vunpack.i.l.bf16.f32 v4;
	v4 =	vunpack.i.u.bf16.f32 v4;
	v12 =	vld [tilespmem:s1+$0xFFFFFE80]  }
0x29c: {  	v13 =	vadd.f32 v13, v16;
	v16 =	vunpack.i.l.bf16.f32 v1;
	v4 =	vadd.f32 v4, v9;
	v14 =	vld.idx.msk [tilespmem:v14+s25+$0x0], $0xffff  }
0x29d: {  	v1 =	vunpack.i.u.bf16.f32 v1;
	v17 =	vunpack.i.l.bf16.f32 v0;
	v0 =	vunpack.i.u.bf16.f32 v0;
	v7 =	vld.idx.msk [tilespmem:v7+s25+$0x0], $0xffff  }
0x29e: {  	[tilespmem:s26+$0xFFFFFD70] =	vst v13;
	v0 =	vadd.f32 v1, v0;
	v8 =	vadd.s32 $0x2800, v8;
	v9 =	vld.idx.msk [tilespmem:v15+s25+$0x0], $0xffff  }
0x29f: {  	[tilespmem:s26+$0xFFFFFDF0] =	vst v4;
	v15 =	vadd.f32 v16, v17;
	v10 =	vld.idx.msk [tilespmem:v10+s25+$0x0], $0xffff;
	v1 =	vunpack.i.l.bf16.f32 v6  }
0x2a0: {  	[tilespmem:s26+$0xFFFFFEF0] =	vst v0;
	v4 =	vunpack.i.l.bf16.f32 v5;
	v6 =	vunpack.i.u.bf16.f32 v6;
	v5 =	vunpack.i.u.bf16.f32 v5;
	v11 =	vld.idx.msk [tilespmem:v11+s25+$0x0], $0xffff  }
0x2a1: {  	[tilespmem:s26+$0xFFFFFE70] =	vst v15;
	v1 =	vadd.f32 v1, v4;
	v0 =	vadd.f32 v6, v5;
	v5 =	vld [tilespmem:s1+$0xFFFFFF00]  }
0x2a2: {  	v13 =	vld [tilespmem:s1+$0xFFFFFF80]  }
0x2a3: {  	v6 =	vunpack.i.l.bf16.f32 v14;
	v4 =	vld.idx.msk [tilespmem:v8+s25+$0x0], $0xffff;
	v8 =	vunpack.i.l.bf16.f32 v7;
	[tilespmem:s29+$0xFFFFFD40] =	vst v1  }
0x2a4: {  	v1 =	vunpack.i.u.bf16.f32 v14;
	v7 =	vunpack.i.u.bf16.f32 v7;
	[tilespmem:s29+$0xFFFFFDC0] =	vst v0;
	v6 =	vadd.f32 v8, v6;
	v8 =	vld [tilespmem:s16+$0xFFFFFE80]  }
0x2a5: {  	v0 =	vunpack.i.l.bf16.f32 v9;
	v1 =	vadd.f32 v7, v1;
	v7 =	vld [tilespmem:s28+$0xFFFFFED0];
	v14 =	vunpack.i.l.bf16.f32 v10  }
0x2a6: {  	v9 =	vunpack.i.u.bf16.f32 v9;
	v10 =	vunpack.i.u.bf16.f32 v10;
	[tilespmem:s29+$0xFFFFFC40] =	vst v6;
	v6 =	vld [tilespmem:s30+$0xFFFFFED0];
	v14 =	vadd.f32 v14, v0  }
0x2a7: {  	v9 =	vadd.f32 v10, v9;
	[tilespmem:s29+$0xFFFFFCC0] =	vst v1;
	v0 =	vld [tilespmem:s16+$0xFFFFFF00]  }
0x2a8: {  	v1 =	vunpack.i.l.bf16.f32 v11;
	v15 =	vld [tilespmem:s28+$0xFFFFFE50];
	v10 =	vunpack.i.l.bf16.f32 v4;
	[tilespmem:s29+$0xFFFFFE40] =	vst v14  }
0x2a9: {  	v11 =	vunpack.i.u.bf16.f32 v11;
	v4 =	vunpack.i.u.bf16.f32 v4;
	[tilespmem:s29+$0xFFFFFEC0] =	vst v9;
	v1 =	vadd.f32 v10, v1;
	v10 =	vld [tilespmem:s30+$0xFFFFFE50]  }
0x2aa: {  	v4 =	vadd.f32 v4, v11;
	v9 =	vld [tilespmem:s28+$0xFFFFFF50]  }
0x2ab: {  	v7 =	vadd.s32 $0x2800, v7;
	v11 =	vld [tilespmem:s30+$0xFFFFFF50];
	[tilespmem:s29+$0xFFFFFF50] =	vst v1  }
0x2ac: {  	v5 =	vadd.s32 $0x2800, v5;
	[tilespmem:s29+$0xFFFFFFD0] =	vst v4;
	v1 =	vld [tilespmem:s16+$0xFFFFFF80]  }
0x2ad: {  	v4 =	vld [tilespmem:s28+$0xFFFFFFE0]  }
0x2ae: {  	v14 =	vadd.s32 $0x2800, v15;
	v15 =	vld [tilespmem:s30+$0xFFFFFFE0]  }
0x2af: {  	v6 =	vld.idx.msk [tilespmem:v6+s25+$0x0], $0xffff  }
0x2b0: {  	v7 =	vld.idx.msk [tilespmem:v7+s25+$0x0], $0xffff;
	v9 =	vadd.s32 $0x2800, v9  }
0x2b1: {  	v5 =	vld.idx.msk [tilespmem:v5+s25+$0x0], $0xffff  }
0x2b2: {  	v10 =	vld.idx.msk [tilespmem:v10+s25+$0x0], $0xffff;
	v4 =	vadd.s32 $0x2800, v4  }
0x2b3: {  	v12 =	vadd.s32 $0x2800, v12;
	v14 =	vld.idx.msk [tilespmem:v14+s25+$0x0], $0xffff  }
0x2b4: {  	v13 =	vadd.s32 $0x2800, v13;
	v11 =	vld.idx.msk [tilespmem:v11+s25+$0x0], $0xffff  }
0x2b5: {  	v9 =	vld.idx.msk [tilespmem:v9+s25+$0x0], $0xffff;
	v16 =	vunpack.i.l.bf16.f32 v6;
	v17 =	vunpack.i.l.bf16.f32 v7  }
0x2b6: {  	v6 =	vunpack.i.u.bf16.f32 v6;
	v7 =	vunpack.i.u.bf16.f32 v7;
	v15 =	vld.idx.msk [tilespmem:v15+s25+$0x0], $0xffff;
	v16 =	vadd.f32 v17, v16  }
0x2b7: {  	v17 =	vunpack.i.l.bf16.f32 v3;
	v6 =	vadd.f32 v7, v6;
	v4 =	vld.idx.msk [tilespmem:v4+s25+$0x0], $0xffff  }
0x2b8: {  	v7 =	vld.idx.msk [tilespmem:v12+s25+$0x0], $0xffff;
	v3 =	vunpack.i.u.bf16.f32 v3;
	v12 =	vunpack.i.l.bf16.f32 v10;
	v18 =	vunpack.i.l.bf16.f32 v14;
	[tilespmem:s29+$0xFFFFFD50] =	vst v16  }
0x2b9: {  	v13 =	vld.idx.msk [tilespmem:v13+s25+$0x0], $0xffff;
	v10 =	vunpack.i.u.bf16.f32 v10;
	v14 =	vunpack.i.u.bf16.f32 v14;
	[tilespmem:s29+$0xFFFFFDD0] =	vst v6;
	v12 =	vadd.f32 v18, v12  }
0x2ba: {  	v16 =	vunpack.i.l.bf16.f32 v11;
	v10 =	vadd.f32 v14, v10;
	v14 =	vld [tilespmem:s28+$0xFFFFFEE0];
	v18 =	vunpack.i.l.bf16.f32 v9  }
0x2bb: {  	v11 =	vunpack.i.u.bf16.f32 v11;
	v6 =	vld [tilespmem:s30+$0xFFFFFEE0];
	v9 =	vunpack.i.u.bf16.f32 v9;
	[tilespmem:s29+$0xFFFFFC50] =	vst v12;
	v12 =	vadd.f32 v18, v16  }
0x2bc: {  	v9 =	vadd.f32 v9, v11;
	[tilespmem:s29+$0xFFFFFCD0] =	vst v10;
	v10 =	vunpack.i.l.bf16.f32 v15;
	v18 =	vld.idx.msk [tilespmem:v8+s25+$0x0], $0xffff;
	v11 =	vunpack.i.l.bf16.f32 v4  }
0x2bd: {  	v19 =	vld [tilespmem:s28+$0xFFFFFE60];
	[tilespmem:s29+$0xFFFFFE50] =	vst v12;
	v12 =	vunpack.i.u.bf16.f32 v15;
	v4 =	vunpack.i.u.bf16.f32 v4;
	v10 =	vadd.f32 v11, v10  }
0x2be: {  	v8 =	vld [tilespmem:s30+$0xFFFFFE60];
	[tilespmem:s29+$0xFFFFFED0] =	vst v9;
	v9 =	vunpack.i.u.bf16.f32 v7;
	v11 =	vunpack.i.u.bf16.f32 v2;
	v4 =	vadd.f32 v4, v12  }
0x2bf: {  	v2 =	vunpack.i.l.bf16.f32 v2;
	v16 =	vld [tilespmem:s28+$0xFFFFFF60];
	v12 =	vadd.s32 $0x2800, v14;
	v3 =	vadd.f32 v11, v3;
	[tilespmem:s29+$0xFFFFFF60] =	vst v10  }
0x2c0: {  	v15 =	vadd.f32 v2, v17;
	v2 =	vunpack.i.u.bf16.f32 v5;
	v10 =	vunpack.i.l.bf16.f32 v7;
	v7 =	vld [tilespmem:s30+$0xFFFFFF60];
	[tilespmem:s29+$0xFFFFFFE0] =	vst v4  }
0x2c1: {  	s15 =	simm.s32 $0x2C;
	s31 =	simm.s32 $0xCEF0;
	s14 =	simm.s32 $0x67F0;
	v5 =	vunpack.i.l.bf16.f32 v5;
	v4 =	vunpack.i.l.bf16.f32 v13;
	v11 =	vunpack.i.u.bf16.f32 v18;
	[tilespmem:s26+$0x0] =	vst v3;
	v17 =	vld [tilespmem:s28+$0xFFFFFFF0]  }
0x2c2: {  	s0 =	simm.s32 $0x0;
	s1 =	simm.s32 $0x0;
	s16 =	simm.s32 $0x9170;
	v3 =	vunpack.i.u.bf16.f32 v13;
	[tilespmem:s26+$0xFFFFFF80] =	vst v15;
	v14 =	vadd.s32 $0x2800, v19;
	v15 =	vld [tilespmem:s30+$0xFFFFFFF0];
	v13 =	vunpack.i.l.bf16.f32 v18  }
.LBB2_4:
0x2c3: {  	v18 =	vld [tilespmem:s16+$0xFFFFFF90];
	s30 =	sadd.s32 $0x200, s30;
	v10 =	vadd.f32 v10, v13;
	v9 =	vadd.f32 v9, v11  }
0x2c4: {  	v11 =	vld [tilespmem:s30+$0xFFFFFF90];
	v13 =	vadd.s32 $0x2800, v16  }
0x2c5: {  	v16 =	vld [tilespmem:s16+$0xFFFFFE10];
	[tilespmem:s26+$0xFFFFFC80] =	vst v10  }
0x2c6: {  	v10 =	vld [tilespmem:s16+$0xFFFFFE90];
	v17 =	vadd.s32 $0x2800, v17;
	[tilespmem:s26+$0xFFFFFD00] =	vst v9  }
0x2c7: {  	v9 =	vld [tilespmem:s16+$0xFFFFFF10]  }
0x2c8: {  	v19 =	vld [tilespmem:s30+$0xFFFFFE90];
	v18 =	vadd.s32 $0x2800, v18  }
0x2c9: {  	v20 =	vld [tilespmem:s30+$0xFFFFFF10]  }
0x2ca: {  	s15 =	sadd.s32 $0x4, s15;
	v16 =	vadd.s32 $0x2800, v16;
	v15 =	vld.idx.msk [tilespmem:v15+s1+$0x0], $0xffff  }
0x2cb: {  	p0 =	slt.u32 s15, $0x48;
	v10 =	vadd.s32 $0x2800, v10;
	v17 =	vld.idx.msk [tilespmem:v17+s1+$0x0], $0xffff  }
0x2cc: {  	v9 =	vadd.s32 $0x2800, v9;
	v11 =	vld.idx.msk [tilespmem:v11+s25+$0x0], $0xffff  }
0x2cd: {  	v18 =	vld.idx.msk [tilespmem:v18+s25+$0x0], $0xffff  }
0x2ce: {  	v21 =	vld [tilespmem:s30+$0xFFFFFE10]  }
0x2cf: {  	v16 =	vld.idx.msk [tilespmem:v16+s25+$0x0], $0xffff  }
0x2d0: {  	v10 =	vld.idx.msk [tilespmem:v10+s25+$0x0], $0xffff  }
0x2d1: {  	v22 =	vunpack.i.l.bf16.f32 v15;
	v23 =	vunpack.i.l.bf16.f32 v17;
	v9 =	vld.idx.msk [tilespmem:v9+s25+$0x0], $0xffff  }
0x2d2: {  	v15 =	vunpack.i.u.bf16.f32 v15;
	v17 =	vunpack.i.u.bf16.f32 v17;
	v22 =	vadd.f32 v23, v22;
	v19 =	vld.idx.msk [tilespmem:v19+s25+$0x0], $0xffff  }
0x2d3: {  	v23 =	vunpack.i.l.bf16.f32 v11;
	v15 =	vadd.f32 v17, v15;
	v24 =	vunpack.i.l.bf16.f32 v18;
	v20 =	vld.idx.msk [tilespmem:v20+s25+$0x0], $0xffff  }
0x2d4: {  	v11 =	vunpack.i.u.bf16.f32 v11;
	v17 =	vunpack.i.u.bf16.f32 v18;
	v18 =	vadd.f32 v24, v23;
	v14 =	vld.idx.msk [tilespmem:v14+s1+$0x0], $0xffff;
	[tilespmem:s29+$0xFFFFFF70] =	vst v22  }
0x2d5: {  	v11 =	vadd.f32 v17, v11;
	v22 =	vunpack.i.u.bf16.f32 v16;
	v16 =	vunpack.i.l.bf16.f32 v16;
	s29 =	sadd.s32 $0x400, s29;
	v12 =	vld.idx.msk [tilespmem:v12+s1+$0x0], $0xffff;
	[tilespmem:s31+$0xFFFFFFF0] =	vst v15  }
0x2d6: {  	v15 =	vunpack.i.u.bf16.f32 v10;
	v10 =	vunpack.i.l.bf16.f32 v10;
	[tilespmem:s29+$0xFFFFFF10] =	vst v18;
	v17 =	vld [tilespmem:s28+$0x0]  }
0x2d7: {  	v18 =	vunpack.i.u.bf16.f32 v9;
	v9 =	vunpack.i.l.bf16.f32 v9;
	[tilespmem:s29+$0xFFFFFF90] =	vst v11;
	v11 =	vld [tilespmem:s14+$0x0]  }
0x2d8: {  	v23 =	vunpack.i.u.bf16.f32 v19;
	v19 =	vunpack.i.l.bf16.f32 v19;
	v24 =	vld [tilespmem:s16+$0xFFFFFFA0]  }
0x2d9: {  	v10 =	vadd.f32 v10, v19;
	v19 =	vunpack.i.u.bf16.f32 v20;
	v20 =	vunpack.i.l.bf16.f32 v20;
	v25 =	vld [tilespmem:s30+$0xFFFFFFA0]  }
0x2da: {  	v15 =	vadd.f32 v15, v23;
	v9 =	vadd.f32 v9, v20;
	v20 =	vunpack.i.u.bf16.f32 v14;
	v21 =	vld.idx.msk [tilespmem:v21+s25+$0x0], $0xffff  }
0x2db: {  	v14 =	vunpack.i.l.bf16.f32 v14;
	[tilespmem:s29+$0xFFFFFD10] =	vst v10;
	v10 =	vadd.f32 v18, v19;
	v13 =	vld.idx.msk [tilespmem:v13+s1+$0x0], $0xffff;
	v17 =	vadd.s32 $0x2800, v17  }
0x2dc: {  	[tilespmem:s29+$0xFFFFFD90] =	vst v15;
	v8 =	vld.idx.msk [tilespmem:v8+s1+$0x0], $0xffff;
	v15 =	vunpack.i.u.bf16.f32 v12;
	v12 =	vunpack.i.l.bf16.f32 v12  }
0x2dd: {  	v18 =	vld [tilespmem:s16+$0xFFFFFEA0];
	[tilespmem:s29+$0xFFFFFE10] =	vst v9;
	v9 =	vadd.s32 $0x2800, v24  }
0x2de: {  	v19 =	vld [tilespmem:s30+$0xFFFFFEA0];
	[tilespmem:s29+$0xFFFFFE90] =	vst v10  }
0x2df: {  	v10 =	vld.idx.msk [tilespmem:v11+s1+$0x0], $0xffff  }
0x2e0: {  	v11 =	vunpack.i.u.bf16.f32 v21;
	v21 =	vunpack.i.l.bf16.f32 v21;
	v17 =	vld.idx.msk [tilespmem:v17+s1+$0x0], $0xffff  }
0x2e1: {  	v16 =	vadd.f32 v16, v21;
	v11 =	vadd.f32 v22, v11;
	v22 =	vunpack.i.u.bf16.f32 v13;
	v21 =	vld.idx.msk [tilespmem:v25+s25+$0x0], $0xffff  }
0x2e2: {  	v13 =	vunpack.i.l.bf16.f32 v13;
	v23 =	vunpack.i.u.bf16.f32 v8;
	v18 =	vadd.s32 $0x2800, v18;
	v9 =	vld.idx.msk [tilespmem:v9+s25+$0x0], $0xffff  }
0x2e3: {  	v8 =	vunpack.i.l.bf16.f32 v8;
	v20 =	vadd.f32 v20, v23;
	[tilespmem:s29+$0xFFFFFC10] =	vst v16;
	v16 =	vld [tilespmem:s16+$0xFFFFFF20]  }
0x2e4: {  	v8 =	vadd.f32 v14, v8;
	[tilespmem:s29+$0xFFFFFC90] =	vst v11;
	v11 =	vld [tilespmem:s30+$0xFFFFFF20]  }
0x2e5: {  	v14 =	vld [tilespmem:s16+$0xFFFFFE20];
	[tilespmem:s31+$0xFFFFFCE0] =	vst v20;
	v20 =	vunpack.i.l.bf16.f32 v10  }
0x2e6: {  	v23 =	vld [tilespmem:s30+$0xFFFFFE20];
	[tilespmem:s31+$0xFFFFFC60] =	vst v8;
	v8 =	vunpack.i.u.bf16.f32 v10;
	v10 =	vunpack.i.u.bf16.f32 v17;
	v17 =	vunpack.i.l.bf16.f32 v17  }
0x2e7: {  	v18 =	vld.idx.msk [tilespmem:v18+s25+$0x0], $0xffff;
	v17 =	vadd.f32 v17, v20;
	v8 =	vadd.f32 v10, v8  }
0x2e8: {  	v20 =	vunpack.i.l.bf16.f32 v9;
	v10 =	vld.idx.msk [tilespmem:v19+s25+$0x0], $0xffff;
	v16 =	vadd.s32 $0x2800, v16;
	v19 =	vunpack.i.l.bf16.f32 v21  }
0x2e9: {  	v9 =	vunpack.i.u.bf16.f32 v9;
	v21 =	vunpack.i.u.bf16.f32 v21;
	v19 =	vadd.f32 v20, v19;
	v6 =	vld.idx.msk [tilespmem:v6+s1+$0x0], $0xffff;
	[tilespmem:s31+$0x0] =	vst v8  }
0x2ea: {  	v9 =	vadd.f32 v9, v21;
	v8 =	vadd.s32 $0x2800, v14;
	v7 =	vld.idx.msk [tilespmem:v7+s1+$0x0], $0xffff;
	[tilespmem:s31+$0xFFFFFF80] =	vst v17  }
0x2eb: {  	[tilespmem:s29+$0xFFFFFF20] =	vst v19;
	v14 =	vld [tilespmem:s28+$0xFFFFFE70]  }
0x2ec: {  	v11 =	vld.idx.msk [tilespmem:v11+s25+$0x0], $0xffff;
	[tilespmem:s29+$0xFFFFFFA0] =	vst v9  }
0x2ed: {  	v9 =	vunpack.i.u.bf16.f32 v18;
	v17 =	vunpack.i.l.bf16.f32 v18;
	v18 =	vld [tilespmem:s16+$0xFFFFFFB0]  }
0x2ee: {  	v19 =	vunpack.i.u.bf16.f32 v10;
	v10 =	vunpack.i.l.bf16.f32 v10;
	v20 =	vld [tilespmem:s30+$0xFFFFFFB0]  }
0x2ef: {  	v10 =	vadd.f32 v17, v10;
	v9 =	vadd.f32 v9, v19;
	v17 =	vunpack.i.u.bf16.f32 v6;
	v8 =	vld.idx.msk [tilespmem:v8+s25+$0x0], $0xffff  }
0x2f0: {  	v6 =	vunpack.i.l.bf16.f32 v6;
	v19 =	vunpack.i.u.bf16.f32 v7;
	v7 =	vunpack.i.l.bf16.f32 v7;
	v16 =	vld.idx.msk [tilespmem:v16+s25+$0x0], $0xffff  }
0x2f1: {  	v6 =	vadd.f32 v12, v6;
	v12 =	vadd.f32 v15, v17;
	v21 =	vld.idx.msk [tilespmem:v23+s25+$0x0], $0xffff;
	[tilespmem:s29+$0xFFFFFD20] =	vst v10;
	v10 =	vadd.s32 $0x2800, v14  }
0x2f2: {  	[tilespmem:s29+$0xFFFFFDA0] =	vst v9;
	v9 =	vunpack.i.u.bf16.f32 v11;
	v11 =	vunpack.i.l.bf16.f32 v11;
	v14 =	vadd.s32 $0x2800, v18;
	v15 =	vld [tilespmem:s14+$0xFFFFFE70]  }
0x2f3: {  	v17 =	vld [tilespmem:s16+$0xFFFFFEB0];
	[tilespmem:s31+$0xFFFFFD60] =	vst v6;
	v6 =	vadd.f32 v13, v7;
	v7 =	vadd.f32 v22, v19  }
0x2f4: {  	v13 =	vld [tilespmem:s30+$0xFFFFFEB0];
	[tilespmem:s31+$0xFFFFFDE0] =	vst v12  }
0x2f5: {  	v12 =	vunpack.i.u.bf16.f32 v8;
	v8 =	vunpack.i.l.bf16.f32 v8;
	v18 =	vld [tilespmem:s28+$0xFFFFFEF0];
	[tilespmem:s31+$0xFFFFFE60] =	vst v6  }
0x2f6: {  	v6 =	vunpack.i.u.bf16.f32 v16;
	v16 =	vunpack.i.l.bf16.f32 v16;
	v19 =	vld.idx.msk [tilespmem:v20+s25+$0x0], $0xffff;
	[tilespmem:s31+$0xFFFFFEE0] =	vst v7  }
0x2f7: {  	v7 =	vunpack.i.u.bf16.f32 v21;
	v20 =	vunpack.i.l.bf16.f32 v21;
	v11 =	vadd.f32 v16, v11;
	v14 =	vld.idx.msk [tilespmem:v14+s25+$0x0], $0xffff  }
0x2f8: {  	v8 =	vadd.f32 v8, v20;
	v7 =	vadd.f32 v12, v7;
	v12 =	vadd.s32 $0x2800, v17;
	v16 =	vld [tilespmem:s28+$0xFFFFFF70]  }
0x2f9: {  	v6 =	vadd.f32 v6, v9;
	[tilespmem:s29+$0xFFFFFE20] =	vst v11;
	v9 =	vld [tilespmem:s14+$0xFFFFFEF0]  }
0x2fa: {  	[tilespmem:s29+$0xFFFFFC20] =	vst v8;
	v8 =	vadd.s32 $0x2800, v18;
	v11 =	vld [tilespmem:s14+$0xFFFFFF70]  }
0x2fb: {  	[tilespmem:s29+$0xFFFFFCA0] =	vst v7;
	v7 =	vld.idx.msk [tilespmem:v10+s1+$0x0], $0xffff  }
0x2fc: {  	v10 =	vld [tilespmem:s16+$0xFFFFFE30];
	[tilespmem:s29+$0xFFFFFEA0] =	vst v6  }
0x2fd: {  	v17 =	vunpack.i.l.bf16.f32 v19;
	v18 =	vunpack.i.l.bf16.f32 v14;
	v6 =	vld [tilespmem:s16+$0xFFFFFF30];
	v16 =	vadd.s32 $0x2800, v16  }
0x2fe: {  	v19 =	vunpack.i.u.bf16.f32 v19;
	v14 =	vunpack.i.u.bf16.f32 v14;
	v17 =	vadd.f32 v18, v17;
	v20 =	vld [tilespmem:s30+$0xFFFFFE30]  }
0x2ff: {  	v14 =	vadd.f32 v14, v19;
	v18 =	vld [tilespmem:s30+$0xFFFFFF30]  }
0x300: {  	v12 =	vld.idx.msk [tilespmem:v12+s25+$0x0], $0xffff;
	[tilespmem:s29+$0xFFFFFF30] =	vst v17  }
0x301: {  	v10 =	vadd.s32 $0x2800, v10;
	v13 =	vld.idx.msk [tilespmem:v13+s25+$0x0], $0xffff;
	[tilespmem:s29+$0xFFFFFFB0] =	vst v14;
	v14 =	vunpack.i.u.bf16.f32 v7;
	v7 =	vunpack.i.l.bf16.f32 v7  }
0x302: {  	v6 =	vadd.s32 $0x2800, v6;
	v17 =	vld [tilespmem:s16+$0xFFFFFFC0]  }
0x303: {  	v19 =	vld [tilespmem:s30+$0xFFFFFFC0]  }
0x304: {  	v8 =	vld.idx.msk [tilespmem:v8+s1+$0x0], $0xffff  }
0x305: {  	v16 =	vld.idx.msk [tilespmem:v16+s1+$0x0], $0xffff  }
0x306: {  	v21 =	vunpack.i.u.bf16.f32 v12;
	v12 =	vunpack.i.l.bf16.f32 v12;
	v10 =	vld.idx.msk [tilespmem:v10+s25+$0x0], $0xffff  }
0x307: {  	v22 =	vunpack.i.u.bf16.f32 v13;
	v13 =	vunpack.i.l.bf16.f32 v13;
	v6 =	vld.idx.msk [tilespmem:v6+s25+$0x0], $0xffff;
	v17 =	vadd.s32 $0x2800, v17  }
0x308: {  	v12 =	vadd.f32 v12, v13;
	v13 =	vadd.f32 v21, v22;
	v20 =	vld.idx.msk [tilespmem:v20+s25+$0x0], $0xffff  }
0x309: {  	v18 =	vld.idx.msk [tilespmem:v18+s25+$0x0], $0xffff  }
0x30a: {  	[tilespmem:s29+$0xFFFFFD30] =	vst v12;
	v12 =	vld.idx.msk [tilespmem:v15+s1+$0x0], $0xffff;
	v15 =	vunpack.i.u.bf16.f32 v8;
	v8 =	vunpack.i.l.bf16.f32 v8  }
0x30b: {  	[tilespmem:s29+$0xFFFFFDB0] =	vst v13;
	v13 =	vld.idx.msk [tilespmem:v19+s25+$0x0], $0xffff;
	v19 =	vunpack.i.u.bf16.f32 v16;
	v16 =	vunpack.i.l.bf16.f32 v16  }
0x30c: {  	v21 =	vunpack.i.u.bf16.f32 v10;
	v10 =	vunpack.i.l.bf16.f32 v10;
	v17 =	vld.idx.msk [tilespmem:v17+s25+$0x0], $0xffff  }
0x30d: {  	v23 =	vunpack.i.u.bf16.f32 v6;
	v6 =	vunpack.i.l.bf16.f32 v6;
	v22 =	vld [tilespmem:s16+$0xFFFFFEC0]  }
0x30e: {  	v24 =	vunpack.i.u.bf16.f32 v20;
	v20 =	vunpack.i.l.bf16.f32 v20;
	v25 =	vld [tilespmem:s30+$0xFFFFFEC0]  }
0x30f: {  	v10 =	vadd.f32 v10, v20;
	v20 =	vunpack.i.u.bf16.f32 v18;
	v18 =	vunpack.i.l.bf16.f32 v18;
	v9 =	vld.idx.msk [tilespmem:v9+s1+$0x0], $0xffff  }
0x310: {  	v21 =	vadd.f32 v21, v24;
	v6 =	vadd.f32 v6, v18;
	v18 =	vunpack.i.u.bf16.f32 v12;
	v11 =	vld.idx.msk [tilespmem:v11+s1+$0x0], $0xffff  }
0x311: {  	v12 =	vunpack.i.l.bf16.f32 v12;
	v14 =	vadd.f32 v14, v18;
	[tilespmem:s29+$0xFFFFFC30] =	vst v10;
	v10 =	vadd.f32 v23, v20;
	v0 =	vld.idx.msk [tilespmem:v0+s0+$0x0], $0xffff  }
0x312: {  	v20 =	vunpack.i.l.bf16.f32 v13;
	[tilespmem:s29+$0xFFFFFCB0] =	vst v21;
	v18 =	vadd.s32 $0x2800, v22;
	v21 =	vunpack.i.l.bf16.f32 v17;
	v1 =	vld.idx.msk [tilespmem:v1+s0+$0x0], $0xffff;
	s0 =	smov.u32 s1;
	s1 =	smov.u32 s25  }
0x313: {  	v22 =	vld [tilespmem:s16+$0xFFFFFE40];
	[tilespmem:s29+$0xFFFFFE30] =	vst v6;
	v6 =	vunpack.i.u.bf16.f32 v13;
	v13 =	vunpack.i.u.bf16.f32 v17;
	v17 =	vadd.f32 v21, v20  }
0x314: {  	v7 =	vadd.f32 v7, v12;
	v20 =	vld [tilespmem:s30+$0xFFFFFE40];
	[tilespmem:s29+$0xFFFFFEB0] =	vst v10;
	v6 =	vadd.f32 v13, v6  }
0x315: {  	v12 =	vunpack.i.u.bf16.f32 v9;
	v9 =	vunpack.i.l.bf16.f32 v9;
	v10 =	vld [tilespmem:s16+$0xFFFFFF40];
	[tilespmem:s29+$0xFFFFFF40] =	vst v17  }
0x316: {  	v13 =	vld [tilespmem:s30+$0xFFFFFF40];
	[tilespmem:s29+$0xFFFFFFC0] =	vst v6;
	v6 =	vadd.f32 v8, v9;
	v8 =	vunpack.i.u.bf16.f32 v11;
	v9 =	vunpack.i.l.bf16.f32 v11  }
0x317: {  	v11 =	vld [tilespmem:s16+$0xFFFFFFD0];
	[tilespmem:s31+$0xFFFFFC70] =	vst v7;
	v7 =	vadd.f32 v15, v12;
	v9 =	vadd.f32 v16, v9;
	v12 =	vunpack.i.u.bf16.f32 v0  }
0x318: {  	v8 =	vadd.f32 v19, v8;
	v0 =	vunpack.i.l.bf16.f32 v0;
	v15 =	vadd.s32 $0x2800, v22;
	v16 =	vld [tilespmem:s30+$0xFFFFFFD0];
	[tilespmem:s31+$0xFFFFFCF0] =	vst v14  }
0x319: {  	v0 =	vadd.f32 v5, v0;
	v5 =	vunpack.i.u.bf16.f32 v1;
	v1 =	vunpack.i.l.bf16.f32 v1;
	v14 =	vld.idx.msk [tilespmem:v18+s1+$0x0], $0xffff;
	[tilespmem:s31+$0xFFFFFD70] =	vst v6  }
0x31a: {  	v2 =	vadd.f32 v2, v12;
	v1 =	vadd.f32 v4, v1;
	v6 =	vld.idx.msk [tilespmem:v25+s1+$0x0], $0xffff;
	v10 =	vadd.s32 $0x2800, v10;
	[tilespmem:s31+$0xFFFFFDF0] =	vst v7  }
0x31b: {  	v3 =	vadd.f32 v3, v5;
	v4 =	vld [tilespmem:s28+$0xFFFFFE80];
	[tilespmem:s31+$0xFFFFFE70] =	vst v9  }
0x31c: {  	v5 =	vld.idx.msk [tilespmem:v20+s1+$0x0], $0xffff;
	v7 =	vadd.s32 $0x2800, v11;
	[tilespmem:s31+$0xFFFFFEF0] =	vst v8  }
0x31d: {  	v8 =	vld.idx.msk [tilespmem:v15+s1+$0x0], $0xffff;
	[tilespmem:s26+$0xFFFFFD80] =	vst v0  }
0x31e: {  	v0 =	vld.idx.msk [tilespmem:v13+s1+$0x0], $0xffff;
	[tilespmem:s26+$0xFFFFFE00] =	vst v2  }
0x31f: {  	v2 =	vunpack.i.u.bf16.f32 v14;
	v9 =	vunpack.i.l.bf16.f32 v14;
	v10 =	vld.idx.msk [tilespmem:v10+s1+$0x0], $0xffff;
	[tilespmem:s26+$0xFFFFFE80] =	vst v1  }
0x320: {  	v1 =	vunpack.i.u.bf16.f32 v6;
	v6 =	vunpack.i.l.bf16.f32 v6;
	v11 =	vld.idx.msk [tilespmem:v16+s1+$0x0], $0xffff;
	v4 =	vadd.s32 $0x2800, v4;
	[tilespmem:s26+$0xFFFFFF00] =	vst v3;
	s26 =	smov.u32 s31;
	s31 =	smov.u32 s29  }
0x321: {  	v3 =	vadd.f32 v9, v6;
	v1 =	vadd.f32 v2, v1;
	v2 =	vld.idx.msk [tilespmem:v7+s1+$0x0], $0xffff  }
0x322: {  	v6 =	vunpack.i.u.bf16.f32 v5;
	v5 =	vunpack.i.l.bf16.f32 v5;
	v7 =	vld [tilespmem:s28+$0xFFFFFF00]  }
0x323: {  	v9 =	vunpack.i.u.bf16.f32 v8;
	v8 =	vunpack.i.l.bf16.f32 v8;
	[tilespmem:s29+$0xFFFFFD40] =	vst v3;
	v3 =	vld [tilespmem:s28+$0xFFFFFF80];
	s28 =	smov.u32 s16  }
0x324: {  	v5 =	vadd.f32 v8, v5;
	[tilespmem:s29+$0xFFFFFDC0] =	vst v1;
	v1 =	vunpack.i.u.bf16.f32 v0;
	v0 =	vunpack.i.l.bf16.f32 v0;
	v8 =	vld [tilespmem:s14+$0xFFFFFE80]  }
0x325: {  	v6 =	vadd.f32 v9, v6;
	v12 =	vunpack.i.u.bf16.f32 v10;
	v10 =	vunpack.i.l.bf16.f32 v10;
	v9 =	vld [tilespmem:s16+$0xFFFFFED0]  }
0x326: {  	v10 =	vadd.f32 v10, v0;
	v1 =	vadd.f32 v12, v1;
	[tilespmem:s29+$0xFFFFFC40] =	vst v5;
	v5 =	vld [tilespmem:s30+$0xFFFFFED0]  }
0x327: {  	v12 =	vunpack.i.l.bf16.f32 v2;
	[tilespmem:s29+$0xFFFFFCC0] =	vst v6;
	v6 =	vunpack.i.l.bf16.f32 v11;
	v0 =	vld [tilespmem:s14+$0xFFFFFF00];
	v7 =	vadd.s32 $0x2800, v7  }
0x328: {  	v2 =	vunpack.i.u.bf16.f32 v2;
	v13 =	vld [tilespmem:s16+$0xFFFFFE50];
	[tilespmem:s29+$0xFFFFFE40] =	vst v10;
	v10 =	vunpack.i.u.bf16.f32 v11;
	v6 =	vadd.f32 v12, v6  }
0x329: {  	v11 =	vld [tilespmem:s30+$0xFFFFFE50];
	[tilespmem:s29+$0xFFFFFEC0] =	vst v1;
	v1 =	vadd.f32 v2, v10;
	v2 =	vadd.s32 $0x2800, v3  }
0x32a: {  	v3 =	vadd.s32 $0x2800, v9;
	v9 =	vld [tilespmem:s16+$0xFFFFFF50];
	[tilespmem:s29+$0xFFFFFF50] =	vst v6  }
0x32b: {  	v6 =	vld [tilespmem:s30+$0xFFFFFF50];
	[tilespmem:s29+$0xFFFFFFD0] =	vst v1  }
0x32c: {  	v10 =	vld [tilespmem:s16+$0xFFFFFFE0]  }
0x32d: {  	v12 =	vadd.s32 $0x2800, v13;
	v13 =	vld [tilespmem:s30+$0xFFFFFFE0]  }
0x32e: {  	v5 =	vld.idx.msk [tilespmem:v5+s1+$0x0], $0xffff  }
0x32f: {  	v3 =	vld.idx.msk [tilespmem:v3+s1+$0x0], $0xffff;
	v9 =	vadd.s32 $0x2800, v9  }
0x330: {  	v1 =	vld [tilespmem:s14+$0xFFFFFF80];
	s14 =	smov.u32 s30  }
0x331: {  	v11 =	vld.idx.msk [tilespmem:v11+s1+$0x0], $0xffff;
	v10 =	vadd.s32 $0x2800, v10  }
0x332: {  	v12 =	vld.idx.msk [tilespmem:v12+s1+$0x0], $0xffff  }
0x333: {  	v6 =	vld.idx.msk [tilespmem:v6+s1+$0x0], $0xffff  }
0x334: {  	v14 =	vunpack.i.u.bf16.f32 v5;
	v5 =	vunpack.i.l.bf16.f32 v5;
	v9 =	vld.idx.msk [tilespmem:v9+s1+$0x0], $0xffff  }
0x335: {  	v15 =	vunpack.i.u.bf16.f32 v3;
	v3 =	vunpack.i.l.bf16.f32 v3;
	v13 =	vld.idx.msk [tilespmem:v13+s1+$0x0], $0xffff  }
0x336: {  	v3 =	vadd.f32 v3, v5;
	v5 =	vadd.f32 v15, v14;
	v10 =	vld.idx.msk [tilespmem:v10+s1+$0x0], $0xffff  }
0x337: {  	v14 =	vunpack.i.u.bf16.f32 v11;
	v11 =	vunpack.i.l.bf16.f32 v11;
	v4 =	vld.idx.msk [tilespmem:v4+s0+$0x0], $0xffff  }
0x338: {  	v15 =	vunpack.i.u.bf16.f32 v12;
	v12 =	vunpack.i.l.bf16.f32 v12;
	[tilespmem:s29+$0xFFFFFD50] =	vst v3;
	v3 =	vld.idx.msk [tilespmem:v7+s0+$0x0], $0xffff  }
0x339: {  	v7 =	vadd.f32 v12, v11;
	v11 =	vunpack.i.l.bf16.f32 v6;
	[tilespmem:s29+$0xFFFFFDD0] =	vst v5;
	v5 =	vunpack.i.u.bf16.f32 v6;
	v17 =	vld.idx.msk [tilespmem:v2+s0+$0x0], $0xffff  }
0x33a: {  	v2 =	vadd.f32 v15, v14;
	v14 =	vunpack.i.u.bf16.f32 v9;
	v9 =	vunpack.i.l.bf16.f32 v9;
	v12 =	vld [tilespmem:s16+$0xFFFFFEE0]  }
0x33b: {  	v5 =	vadd.f32 v14, v5;
	[tilespmem:s29+$0xFFFFFC50] =	vst v7;
	v6 =	vld [tilespmem:s30+$0xFFFFFEE0];
	v7 =	vadd.f32 v9, v11  }
0x33c: {  	v9 =	vunpack.i.l.bf16.f32 v10;
	[tilespmem:s29+$0xFFFFFCD0] =	vst v2;
	v2 =	vunpack.i.l.bf16.f32 v13;
	v18 =	vld.idx.msk [tilespmem:v8+s0+$0x0], $0xffff  }
0x33d: {  	v10 =	vunpack.i.u.bf16.f32 v10;
	v11 =	vld [tilespmem:s16+$0xFFFFFE60];
	[tilespmem:s29+$0xFFFFFE50] =	vst v7;
	v7 =	vunpack.i.u.bf16.f32 v13;
	v2 =	vadd.f32 v9, v2  }
.Ltmp1:
0x33e: {  	v9 =	vunpack.i.u.bf16.f32 v4;
	v8 =	vld [tilespmem:s30+$0xFFFFFE60];
	[tilespmem:s29+$0xFFFFFED0] =	vst v5;
	v13 =	vadd.f32 v10, v7;
	v10 =	vunpack.i.l.bf16.f32 v4;
	(pc) =	sbr.rel @p0 .LBB2_4-.Ltmp1, $4  }
0x33f: {  	v5 =	vunpack.i.l.bf16.f32 v3;
	v12 =	vadd.s32 $0x2800, v12;
	v16 =	vld [tilespmem:s16+$0xFFFFFF60];
	[tilespmem:s29+$0xFFFFFF60] =	vst v2;
	v2 =	vunpack.i.u.bf16.f32 v3  }
0x340: {  	v4 =	vunpack.i.l.bf16.f32 v17;
	v3 =	vunpack.i.u.bf16.f32 v17;
	v7 =	vld [tilespmem:s30+$0xFFFFFF60];
	[tilespmem:s29+$0xFFFFFFE0] =	vst v13  }
0x341: {  	v17 =	vld [tilespmem:s16+$0xFFFFFFF0]  }
0x342: {  	s16 =	sadd.s32 $0x200, s16;
	v13 =	vunpack.i.l.bf16.f32 v18;
	v14 =	vadd.s32 $0x2800, v11;
	v15 =	vld [tilespmem:s30+$0xFFFFFFF0];
	v11 =	vunpack.i.u.bf16.f32 v18  }
0x343: {  	_ =	sdelay $0x3  }
0x344: {  	v14 =	vld.idx.msk [tilespmem:v14+s1+$0x0], $0xffff;
	v16 =	vadd.s32 $0x2800, v16  }
0x345: {  	v8 =	vld.idx.msk [tilespmem:v8+s1+$0x0], $0xffff  }
0x346: {  	v12 =	vld.idx.msk [tilespmem:v12+s1+$0x0], $0xffff  }
0x347: {  	v6 =	vld.idx.msk [tilespmem:v6+s1+$0x0], $0xffff  }
0x348: {  	v7 =	vld.idx.msk [tilespmem:v7+s1+$0x0], $0xffff  }
0x349: {  	v17 =	vadd.s32 $0x2800, v17;
	v16 =	vld.idx.msk [tilespmem:v16+s1+$0x0], $0xffff  }
0x34a: {  	v18 =	vunpack.i.u.bf16.f32 v14;
	v19 =	vunpack.i.u.bf16.f32 v8  }
0x34b: {  	v14 =	vunpack.i.l.bf16.f32 v14;
	v8 =	vunpack.i.l.bf16.f32 v8;
	v18 =	vadd.f32 v18, v19  }
0x34c: {  	v61 =	vunpack.i.l.bf16.f32 v12;
	v62 =	vunpack.i.l.bf16.f32 v6;
	v8 =	vadd.f32 v14, v8  }
0x34d: {  	v15 =	vld.idx.msk [tilespmem:v15+s1+$0x0], $0xffff;
	v12 =	vunpack.i.u.bf16.f32 v12;
	v6 =	vunpack.i.u.bf16.f32 v6;
	v14 =	vadd.f32 v61, v62;
	[tilespmem:s31+$0xFFFFFCE0] =	vst v18  }
0x34e: {  	v6 =	vadd.f32 v12, v6;
	v21 =	vunpack.i.l.bf16.f32 v7;
	v17 =	vld.idx.msk [tilespmem:v17+s1+$0x0], $0xffff;
	[tilespmem:s31+$0xFFFFFC60] =	vst v8;
	v63 =	vunpack.i.l.bf16.f32 v16  }
0x34f: {  	v7 =	vunpack.i.u.bf16.f32 v7;
	[tilespmem:s31+$0xFFFFFD60] =	vst v14;
	v23 =	vld [tilespmem:s28+$0xFFFFFE70];
	v22 =	vunpack.i.u.bf16.f32 v16;
	v8 =	vadd.f32 v63, v21  }
0x350: {  	[tilespmem:s31+$0xFFFFFDE0] =	vst v6;
	v26 =	vld [tilespmem:s14+$0xFFFFFE70];
	v7 =	vadd.f32 v22, v7  }
0x351: {  	v6 =	vld [tilespmem:s28+$0xFFFFFEF0];
	[tilespmem:s31+$0xFFFFFE60] =	vst v8  }
0x352: {  	v31 =	vld [tilespmem:s14+$0xFFFFFEF0];
	[tilespmem:s31+$0xFFFFFEE0] =	vst v7  }
0x353: {  	v29 =	vld [tilespmem:s28+$0xFFFFFF70]  }
0x354: {  	v30 =	vadd.s32 $0x2800, v23;
	v32 =	vld [tilespmem:s14+$0xFFFFFF70];
	_ =	sdelay $0x1  }
0x355: {  	v6 =	vadd.s32 $0x2800, v6;
	_ =	sdelay $0x1  }
0x356: {  	v24 =	vunpack.i.l.bf16.f32 v15;
	v25 =	vunpack.i.l.bf16.f32 v17;
	v14 =	vld.idx.msk [tilespmem:v26+s1+$0x0], $0xffff;
	v12 =	vadd.s32 $0x2800, v29  }
0x357: {  	v27 =	vunpack.i.u.bf16.f32 v15;
	v28 =	vunpack.i.u.bf16.f32 v17;
	v8 =	vadd.f32 v25, v24;
	v15 =	vld.idx.msk [tilespmem:v30+s1+$0x0], $0xffff  }
0x358: {  	v7 =	vadd.f32 v28, v27;
	v16 =	vld.idx.msk [tilespmem:v31+s1+$0x0], $0xffff  }
0x359: {  	[tilespmem:s29+$0xFFFFFF70] =	vst v8;
	v6 =	vld.idx.msk [tilespmem:v6+s1+$0x0], $0xffff  }
0x35a: {  	[tilespmem:s31+$0xFFFFFFF0] =	vst v7;
	v7 =	vld.idx.msk [tilespmem:v32+s1+$0x0], $0xffff  }
0x35b: {  	v12 =	vld.idx.msk [tilespmem:v12+s1+$0x0], $0xffff  }
0x35c: {  	v35 =	vunpack.i.l.bf16.f32 v14;
	v34 =	vunpack.i.l.bf16.f32 v15  }
0x35d: {  	v14 =	vunpack.i.u.bf16.f32 v14;
	v15 =	vunpack.i.u.bf16.f32 v15;
	v18 =	vadd.f32 v34, v35  }
0x35e: {  	v0 =	vld.idx.msk [tilespmem:v0+s0+$0x0], $0xffff;
	v37 =	vunpack.i.l.bf16.f32 v16;
	v36 =	vunpack.i.l.bf16.f32 v6;
	v14 =	vadd.f32 v15, v14  }
0x35f: {  	v8 =	vld [tilespmem:s28+$0x0];
	v16 =	vunpack.i.u.bf16.f32 v16;
	v6 =	vunpack.i.u.bf16.f32 v6;
	v15 =	vadd.f32 v36, v37;
	[tilespmem:s31+$0xFFFFFC70] =	vst v18  }
0x360: {  	v33 =	vld [tilespmem:s14+$0x0];
	v6 =	vadd.f32 v6, v16;
	[tilespmem:s31+$0xFFFFFCF0] =	vst v14;
	v39 =	vunpack.i.l.bf16.f32 v7;
	v38 =	vunpack.i.l.bf16.f32 v12  }
0x361: {  	[tilespmem:s31+$0xFFFFFD70] =	vst v15;
	v7 =	vunpack.i.u.bf16.f32 v7;
	v40 =	vld [tilespmem:s28+$0xFFFFFE80];
	v12 =	vunpack.i.u.bf16.f32 v12;
	v14 =	vadd.f32 v38, v39  }
0x362: {  	[tilespmem:s31+$0xFFFFFDF0] =	vst v6;
	v41 =	vld [tilespmem:s14+$0xFFFFFE80];
	v7 =	vadd.f32 v12, v7  }
0x363: {  	v6 =	vld [tilespmem:s28+$0xFFFFFF00];
	[tilespmem:s31+$0xFFFFFE70] =	vst v14  }
0x364: {  	v8 =	vadd.s32 $0x2800, v8;
	v44 =	vld [tilespmem:s14+$0xFFFFFF00];
	[tilespmem:s31+$0xFFFFFEF0] =	vst v7  }
0x365: {  	v42 =	vld [tilespmem:s28+$0xFFFFFF80]  }
0x366: {  	v43 =	vadd.s32 $0x2800, v40;
	v45 =	vld [tilespmem:s14+$0xFFFFFF80]  }
0x367: {  	v1 =	vld.idx.msk [tilespmem:v1+s0+$0x0], $0xffff  }
0x368: {  	v17 =	vld.idx.msk [tilespmem:v33+s1+$0x0], $0xffff;
	v6 =	vadd.s32 $0x2800, v6  }
0x369: {  	v10 =	vadd.f32 v10, v13;
	v8 =	vld.idx.msk [tilespmem:v8+s1+$0x0], $0xffff  }
0x36a: {  	v9 =	vadd.f32 v9, v11;
	v49 =	vunpack.i.l.bf16.f32 v0;
	v7 =	vld.idx.msk [tilespmem:v41+s1+$0x0], $0xffff;
	v12 =	vadd.s32 $0x2800, v42  }
0x36b: {  	[tilespmem:s26+$0xFFFFFC80] =	vst v10;
	v0 =	vunpack.i.u.bf16.f32 v0;
	v5 =	vadd.f32 v5, v49;
	v14 =	vld.idx.msk [tilespmem:v43+s1+$0x0], $0xffff  }
0x36c: {  	[tilespmem:s26+$0xFFFFFD00] =	vst v9;
	v51 =	vunpack.i.l.bf16.f32 v1;
	v0 =	vadd.f32 v2, v0;
	v50 =	vld.idx.msk [tilespmem:v44+s1+$0x0], $0xffff  }
0x36d: {  	v1 =	vunpack.i.u.bf16.f32 v1;
	v4 =	vadd.f32 v4, v51;
	[tilespmem:s26+$0xFFFFFD80] =	vst v5;
	v6 =	vld.idx.msk [tilespmem:v6+s1+$0x0], $0xffff  }
0x36e: {  	v1 =	vadd.f32 v3, v1;
	[tilespmem:s26+$0xFFFFFE00] =	vst v0;
	v46 =	vunpack.i.u.bf16.f32 v17;
	v47 =	vunpack.i.u.bf16.f32 v8;
	v53 =	vld.idx.msk [tilespmem:v45+s1+$0x0], $0xffff  }
0x36f: {  	[tilespmem:s26+$0xFFFFFE80] =	vst v4;
	v48 =	vunpack.i.l.bf16.f32 v17;
	v8 =	vunpack.i.l.bf16.f32 v8;
	v11 =	vadd.f32 v47, v46;
	v52 =	vld.idx.msk [tilespmem:v12+s1+$0x0], $0xffff  }
0x370: {  	[tilespmem:s26+$0xFFFFFF00] =	vst v1;
	v8 =	vadd.f32 v8, v48;
	v55 =	vunpack.i.l.bf16.f32 v7;
	v54 =	vunpack.i.l.bf16.f32 v14  }
0x371: {  	[tilespmem:s31+$0x0] =	vst v11;
	v7 =	vunpack.i.u.bf16.f32 v7;
	v56 =	vunpack.i.u.bf16.f32 v14;
	v0 =	vadd.f32 v54, v55  }
0x372: {  	[tilespmem:s31+$0xFFFFFF80] =	vst v8;
	v59 =	vunpack.i.l.bf16.f32 v50;
	v57 =	vunpack.i.l.bf16.f32 v6;
	v58 =	vadd.f32 v56, v7  }
0x373: {  	v60 =	vunpack.i.u.bf16.f32 v50;
	v6 =	vunpack.i.u.bf16.f32 v6;
	v1 =	vadd.f32 v57, v59;
	[tilespmem:s31+$0xFFFFFC80] =	vst v0  }
0x374: {  	[tilespmem:s31+$0xFFFFFD00] =	vst v58;
	v0 =	vadd.f32 v6, v60;
	v62 =	vunpack.i.l.bf16.f32 v53;
	v61 =	vunpack.i.l.bf16.f32 v52  }
0x375: {  	[tilespmem:s31+$0xFFFFFD80] =	vst v1;
	v5 =	vunpack.i.u.bf16.f32 v53;
	v2 =	vunpack.i.u.bf16.f32 v52;
	v3 =	vadd.f32 v61, v62  }
0x376: {  	[tilespmem:s31+$0xFFFFFE00] =	vst v0;
	v63 =	vadd.f32 v2, v5  }
0x377: {  	[tilespmem:s31+$0xFFFFFE80] =	vst v3  }
0x378: {  	s0 =	simm.s32 $0x7670;
	s1 =	simm.s32 $0x9DF0;
	[tilespmem:s31+$0xFFFFFF00] =	vst v63  }
.LBB2_6:
0x379: {  	v0 =	vld [tilespmem:s1+$0xFFFFFF90]  }
0x37a: {  	v1 =	vld [tilespmem:s0+$0xFFFFFF90];
	_ =	sdelay $0x3  }
0x37b: {  	v0 =	vadd.s32 $0x2800, v0;
	_ =	sdelay $0x3  }
0x37c: {  	v1 =	vld.idx.msk [tilespmem:v1+s2+$0x0], $0xffff  }
0x37d: {  	v0 =	vld.idx.msk [tilespmem:v0+s2+$0x0], $0xffff;
	_ =	sdelay $0x4  }
0x37e: {  	v2 =	vunpack.i.l.bf16.f32 v1;
	v3 =	vunpack.i.l.bf16.f32 v0  }
0x37f: {  	v1 =	vunpack.i.u.bf16.f32 v1;
	v0 =	vunpack.i.u.bf16.f32 v0;
	v2 =	vadd.f32 v3, v2  }
0x380: {  	s14 =	sshra.s32 s25, $0x2;
	v0 =	vadd.f32 v0, v1  }
0x381: {  	[tilespmem:s14+$0xEB00] =	vst v2  }
0x382: {  	[tilespmem:s14+$0xEB80] =	vst v0  }
0x383: {  	v0 =	vld [tilespmem:s1+$0xFFFFFFA0]  }
0x384: {  	v43 =	vld [tilespmem:s0+$0xFFFFFFA0];
	_ =	sdelay $0x3  }
0x385: {  	v0 =	vadd.s32 $0x2800, v0;
	_ =	sdelay $0x3  }
0x386: {  	v1 =	vld.idx.msk [tilespmem:v43+s2+$0x0], $0xffff  }
0x387: {  	v0 =	vld.idx.msk [tilespmem:v0+s2+$0x0], $0xffff;
	_ =	sdelay $0x4  }
0x388: {  	v44 =	vunpack.i.l.bf16.f32 v1;
	v45 =	vunpack.i.l.bf16.f32 v0  }
0x389: {  	v1 =	vunpack.i.u.bf16.f32 v1;
	v0 =	vunpack.i.u.bf16.f32 v0;
	v2 =	vadd.f32 v45, v44  }
0x38a: {  	v0 =	vadd.f32 v0, v1  }
0x38b: {  	[tilespmem:s14+$0xEB10] =	vst v2  }
0x38c: {  	[tilespmem:s14+$0xEB90] =	vst v0  }
0x38d: {  	v0 =	vld [tilespmem:s1+$0xFFFFFFB0]  }
0x38e: {  	v46 =	vld [tilespmem:s0+$0xFFFFFFB0];
	_ =	sdelay $0x3  }
0x38f: {  	v0 =	vadd.s32 $0x2800, v0;
	_ =	sdelay $0x3  }
0x390: {  	v1 =	vld.idx.msk [tilespmem:v46+s2+$0x0], $0xffff  }
0x391: {  	v0 =	vld.idx.msk [tilespmem:v0+s2+$0x0], $0xffff;
	_ =	sdelay $0x4  }
0x392: {  	v47 =	vunpack.i.l.bf16.f32 v1;
	v48 =	vunpack.i.l.bf16.f32 v0  }
0x393: {  	v1 =	vunpack.i.u.bf16.f32 v1;
	v0 =	vunpack.i.u.bf16.f32 v0;
	v2 =	vadd.f32 v48, v47  }
0x394: {  	v0 =	vadd.f32 v0, v1  }
0x395: {  	[tilespmem:s14+$0xEB20] =	vst v2  }
0x396: {  	[tilespmem:s14+$0xEBA0] =	vst v0  }
0x397: {  	v0 =	vld [tilespmem:s1+$0xFFFFFFC0]  }
0x398: {  	v49 =	vld [tilespmem:s0+$0xFFFFFFC0];
	_ =	sdelay $0x3  }
0x399: {  	v0 =	vadd.s32 $0x2800, v0;
	_ =	sdelay $0x3  }
0x39a: {  	v1 =	vld.idx.msk [tilespmem:v49+s2+$0x0], $0xffff  }
0x39b: {  	v0 =	vld.idx.msk [tilespmem:v0+s2+$0x0], $0xffff;
	_ =	sdelay $0x4  }
0x39c: {  	v50 =	vunpack.i.l.bf16.f32 v1;
	v51 =	vunpack.i.l.bf16.f32 v0  }
0x39d: {  	v1 =	vunpack.i.u.bf16.f32 v1;
	v0 =	vunpack.i.u.bf16.f32 v0;
	v2 =	vadd.f32 v51, v50  }
0x39e: {  	v0 =	vadd.f32 v0, v1  }
0x39f: {  	[tilespmem:s14+$0xEB30] =	vst v2  }
0x3a0: {  	[tilespmem:s14+$0xEBB0] =	vst v0  }
0x3a1: {  	v0 =	vld [tilespmem:s1+$0xFFFFFFD0]  }
0x3a2: {  	v52 =	vld [tilespmem:s0+$0xFFFFFFD0];
	_ =	sdelay $0x3  }
0x3a3: {  	v0 =	vadd.s32 $0x2800, v0;
	_ =	sdelay $0x3  }
0x3a4: {  	v1 =	vld.idx.msk [tilespmem:v52+s2+$0x0], $0xffff  }
0x3a5: {  	v0 =	vld.idx.msk [tilespmem:v0+s2+$0x0], $0xffff;
	_ =	sdelay $0x4  }
0x3a6: {  	v53 =	vunpack.i.l.bf16.f32 v1;
	v54 =	vunpack.i.l.bf16.f32 v0  }
0x3a7: {  	v1 =	vunpack.i.u.bf16.f32 v1;
	v0 =	vunpack.i.u.bf16.f32 v0;
	v2 =	vadd.f32 v54, v53  }
0x3a8: {  	v0 =	vadd.f32 v0, v1  }
0x3a9: {  	[tilespmem:s14+$0xEB40] =	vst v2  }
0x3aa: {  	[tilespmem:s14+$0xEBC0] =	vst v0  }
0x3ab: {  	v0 =	vld [tilespmem:s1+$0xFFFFFFE0]  }
0x3ac: {  	v55 =	vld [tilespmem:s0+$0xFFFFFFE0];
	_ =	sdelay $0x3  }
0x3ad: {  	v0 =	vadd.s32 $0x2800, v0;
	_ =	sdelay $0x3  }
0x3ae: {  	v1 =	vld.idx.msk [tilespmem:v55+s2+$0x0], $0xffff  }
0x3af: {  	v0 =	vld.idx.msk [tilespmem:v0+s2+$0x0], $0xffff;
	_ =	sdelay $0x4  }
0x3b0: {  	v56 =	vunpack.i.l.bf16.f32 v1;
	v57 =	vunpack.i.l.bf16.f32 v0  }
0x3b1: {  	v1 =	vunpack.i.u.bf16.f32 v1;
	v0 =	vunpack.i.u.bf16.f32 v0;
	v2 =	vadd.f32 v57, v56  }
0x3b2: {  	v0 =	vadd.f32 v0, v1  }
0x3b3: {  	[tilespmem:s14+$0xEB50] =	vst v2  }
0x3b4: {  	[tilespmem:s14+$0xEBD0] =	vst v0  }
0x3b5: {  	v0 =	vld [tilespmem:s1+$0xFFFFFFF0]  }
0x3b6: {  	v58 =	vld [tilespmem:s0+$0xFFFFFFF0];
	_ =	sdelay $0x3  }
0x3b7: {  	v0 =	vadd.s32 $0x2800, v0;
	_ =	sdelay $0x3  }
0x3b8: {  	v1 =	vld.idx.msk [tilespmem:v58+s2+$0x0], $0xffff  }
0x3b9: {  	v0 =	vld.idx.msk [tilespmem:v0+s2+$0x0], $0xffff;
	_ =	sdelay $0x4  }
0x3ba: {  	v59 =	vunpack.i.l.bf16.f32 v1;
	v60 =	vunpack.i.l.bf16.f32 v0  }
0x3bb: {  	v1 =	vunpack.i.u.bf16.f32 v1;
	v0 =	vunpack.i.u.bf16.f32 v0;
	v2 =	vadd.f32 v60, v59  }
0x3bc: {  	v0 =	vadd.f32 v0, v1  }
0x3bd: {  	[tilespmem:s14+$0xEB60] =	vst v2  }
0x3be: {  	[tilespmem:s14+$0xEBE0] =	vst v0  }
0x3bf: {  	v0 =	vld [tilespmem:s1+$0x0]  }
0x3c0: {  	v61 =	vld [tilespmem:s0+$0x0];
	_ =	sdelay $0x3  }
0x3c1: {  	v0 =	vadd.s32 $0x2800, v0;
	_ =	sdelay $0x3  }
0x3c2: {  	v1 =	vld.idx.msk [tilespmem:v61+s2+$0x0], $0xffff  }
0x3c3: {  	v0 =	vld.idx.msk [tilespmem:v0+s2+$0x0], $0xffff;
	_ =	sdelay $0x3  }
0x3c4: {  	p0 =	sne.s32 s25, $0x800  }
.Ltmp2:
0x3c5: {  	v62 =	vunpack.i.l.bf16.f32 v1;
	v63 =	vunpack.i.l.bf16.f32 v0;
	(pc) =	sbr.rel @p0 .LBB2_6-.Ltmp2, $4  }
0x3c6: {  	v1 =	vunpack.i.u.bf16.f32 v1;
	v0 =	vunpack.i.u.bf16.f32 v0;
	v2 =	vadd.f32 v63, v62  }
0x3c7: {  	v0 =	vadd.f32 v0, v1  }
0x3c8: {  	[tilespmem:s14+$0xEB70] =	vst v2  }
0x3c9: {  	s25 =	sadd.s32 $0x400, s25;
	s0 =	sadd.s32 $0x80, s0;
	s1 =	sadd.s32 $0x80, s1;
	[tilespmem:s14+$0xEBF0] =	vst v0  }
0x3ca: {  	[hbm4b:s10+s2] =	stream.linear.scatter [tilespmem:s22], [sflag:$0x3], $0x2700, $0x38;
	[tilespmem:$0xEE00] =	vst v63  }
0x3cb: {  	s24 =	sadd.s32 $0x1, s24  }
0x3cc: {  	_ =	swait.ge [sflag:s23], $0x2800;
	p0 =	sne.s32 s24, s11  }
.Ltmp3:
0x3cd: {  	[sflag:s23] =	ssyncset.done $0x0;
	(pc) =	sbr.rel @p0 .LBB2_1-.Ltmp3, $4  }
0x3ce: {  	[sflag:s23] =	ssyncadd.s32 $0xFFFFD800  }
0x3cf: {  	_ =	swait.ge [sflag:s23], $0x2700  }
0x3d0: {  	[sflag:s23] =	ssyncset.done $0x0  }
0x3d1: {  	[sflag:s23] =	ssyncadd.s32 $0xFFFFD900  }
0x3d2: {  	_ =	sfence.sel $0x180000  }
0x3d3: {  	[bflag:$0x0] =	sbarrier.arrive $0xFFFF  }
0x3d4: {  	_ =	strace $0x90000047  }
0x3d5: {  	s0 =	stileid.u32;
	[bflag:$0x2] =	sbarrier.arrive $0xFFFF  }
0x3d6: {  	p0 =	sne.s32 s0, $0x0;
	s0 =	rddreg [dreg:$0x3]  }
0x3d7: {  	s0 =	sadd.s32 @!p0 $0x100000, s0  }
0x3d8: {  	[sflag:s0] =	ssyncadd.tile.s32 @!p0 $0x1;
	_ =	shalt  }
.Lfunc_end2:
_tile_overlayer_lowered:
.L_overlay_start_2:
0x3d9: {  	(tag) =	ssettag $0x2  }
0x3da: {  	s0 =	rddreg [dreg:$0x0];
	s2 =	stileid.u32  }
0x3db: {  	s1 =	rddreg [dreg:$0x1];
	p0 =	sne.s32 s2, $0x0  }
0x3dc: {  	s3 =	rddreg [dreg:$0x2];
	[bflag:$0x3] =	sbarrier.arrive $0xFFFF;
	s2 =	simm.s32 @!p0 $0x1C04  }
0x3dd: {  	[timem:s3], [sflag:s2] =	dma.local @!p0 [hbm:s0], s1  }
0x3de: {  	s0 =	simm.s32 @!p0 $0x4  }
0x3df: {  	_ =	swait.ge @!p0 [sflag:s0], s1  }
0x3e0: {  	s1 =	ssub.s32 @!p0 $0x0, s1;
	[sflag:s0] =	ssyncset.done @!p0 $0x0  }
0x3e1: {  	[sflag:s0] =	ssyncadd.s32 @!p0 s1  }
0x3e2: {  	[bflag:$0x3] =	sbarrier.arrive $0xFFFF  }
0x3e3: {  	_ =	shalt  }

</sc_bundles>
